<compile_context>
chip_gen: v7x
topology: tpu7x:2x2x1
jax: 0.10.2.dev20260603
libtpu: 0.0.44.dev20260713+nightly
codegen_flags: <defaults>
</compile_context>

<pallas_src>
import functools
import math

import jax
import jax.numpy as jnp
from jax import lax
from jax.experimental import pallas as pl
from jax.experimental.pallas import tpu as pltpu
from jax.experimental.pallas import tpu_sc as plsc

B = 1024
C = 100000
SCALE = 64.0

_NC = 2
_NS = 16
_NW = _NC * _NS
_BPW = B // _NW
_L = 16

_W = 1536
_NCHUNK = 64
_CSPLIT = _W * _NCHUNK
_TAIL_BN = 2048




def _sc_gather_body(logits_hbm, labels_hbm, out_hbm, lab_v, win_v, out_v, sem):
    wid = lax.axis_index("s") * _NC + lax.axis_index("c")
    base = wid * _BPW
    pltpu.sync_copy(labels_hbm.at[pl.ds(base, _BPW)], lab_v)
    copies = []
    for r in range(_BPW):
        chunk = jnp.maximum(lab_v[pl.ds((r // _L) * _L, _L)], 0)
        lab_r = chunk[r % _L]
        col128 = pl.multiple_of(lab_r & -128, 128)
        row8 = pl.multiple_of(base + (r & -8), 8)
        copies.append(
            pltpu.make_async_copy(
                logits_hbm.at[pl.ds(row8, 8), pl.ds(col128, 128)],
                win_v.at[pl.ds(r * 8, 8), :],
                sem,
            )
        )
        copies[-1].start()
    for cp in copies:
        cp.wait()
    for ch in range(_BPW // _L):
        labs = jnp.maximum(lab_v[pl.ds(ch * _L, _L)], 0)
        ridx = lax.iota(jnp.int32, _L) + ch * _L
        out_v[pl.ds(ch * _L, _L)] = plsc.load_gather(
            win_v, [ridx * 8 + (ridx & 7), labs & 127]
        )
    pltpu.sync_copy(out_v, out_hbm.at[pl.ds(base, _BPW)])


@functools.cache
def _sc_gather():
    return pl.kernel(
        _sc_gather_body,
        out_type=jax.ShapeDtypeStruct((B,), jnp.float32),
        mesh=plsc.VectorSubcoreMesh(core_axis_name="c", subcore_axis_name="s"),
        scratch_types=[
            pltpu.VMEM((_BPW,), jnp.int32),
            pltpu.VMEM((_BPW * 8, 128), jnp.float32),
            pltpu.VMEM((_BPW,), jnp.float32),
            pltpu.SemaphoreType.DMA,
        ],
        compiler_params=pltpu.CompilerParams(needs_layout_passes=False),
    )




def _tc_nv_body(margin_ref, target_ref, nv_ref):
    m = margin_ref[...]
    t = target_ref[...]
    cos_m = jnp.cos(m)
    sin_m = jnp.sin(m)
    theta = jnp.cos(math.pi - m)
    sinmm = jnp.sin(math.pi - m) * m
    sin_t = jnp.sqrt(1.0 - t * t)
    cos_tm = t * cos_m - sin_t * sin_m
    nv_ref[...] = jnp.where(t > theta, cos_tm, t - sinmm) * SCALE


def _tc_nv(margin, target):
    return pl.pallas_call(
        _tc_nv_body,
        out_shape=jax.ShapeDtypeStruct((B, 1), jnp.float32),
    )(margin, target)




def _sc_stream_body(
    x_hbm, labels_hbm, nv_hbm, o_hbm, lab_v, nv_v, buf0, buf1, sin0, sin1, so0, so1
):
    wid = lax.axis_index("s") * _NC + lax.axis_index("c")
    base = pl.multiple_of(wid * _BPW, _BPW)
    pltpu.sync_copy(labels_hbm.at[pl.ds(base, _BPW)], lab_v)
    pltpu.sync_copy(nv_hbm.at[pl.ds(base, _BPW)], nv_v)
    bufs = (buf0, buf1)
    sins = (sin0, sin1)
    souts = (so0, so1)

    @pl.loop(0, _NCHUNK, step=2)
    def _chunks(g):
        for b in range(2):
            buf = bufs[b]
            c0 = pl.multiple_of((g + b) * _W, 128)
            cin = pltpu.make_async_copy(
                x_hbm.at[pl.ds(base, _BPW), pl.ds(c0, _W)], buf, sins[b]
            )
            cin.start()
            cin.wait()

            @pl.loop(0, _W // _L)
            def _scale(i):
                col = i * _L
                for r in range(_BPW):
                    buf[r, pl.ds(col, _L)] = buf[r, pl.ds(col, _L)] * SCALE

            for ch in range(_BPW // _L):
                labs = lab_v[pl.ds(ch * _L, _L)]
                nvs = nv_v[pl.ds(ch * _L, _L)]
                ridx = lax.iota(jnp.int32, _L) + ch * _L
                mask = (labs >= c0) & (labs < c0 + _W)
                plsc.store_scatter(buf, [ridx, labs - c0], nvs, mask=mask)

            cout = pltpu.make_async_copy(
                buf, o_hbm.at[pl.ds(base, _BPW), pl.ds(c0, _W)], souts[b]
            )
            cout.start()
            cout.wait()


@functools.cache
def _sc_stream():
    return pl.kernel(
        _sc_stream_body,
        out_type=jax.ShapeDtypeStruct((B, C), jnp.float32),
        mesh=plsc.VectorSubcoreMesh(core_axis_name="c", subcore_axis_name="s"),
        scratch_types=[
            pltpu.VMEM((_BPW,), jnp.int32),
            pltpu.VMEM((_BPW,), jnp.float32),
            pltpu.VMEM((_BPW, _W), jnp.float32),
            pltpu.VMEM((_BPW, _W), jnp.float32),
            pltpu.SemaphoreType.DMA,
            pltpu.SemaphoreType.DMA,
            pltpu.SemaphoreType.DMA,
            pltpu.SemaphoreType.DMA,
        ],
        compiler_params=pltpu.CompilerParams(needs_layout_passes=False),
    )




def _tc_tail_body(o_ref, labels_ref, nv_ref, logits_ref, out_ref):
    x = logits_ref[...]
    rel = labels_ref[...] - _CSPLIT
    cols = lax.broadcasted_iota(jnp.int32, (B, _TAIL_BN), 1)
    out_ref[...] = jnp.where(cols == rel, nv_ref[...], x * SCALE)


def _tc_tail(o1, labels, nv, logits):
    tail_spec = pl.BlockSpec((B, _TAIL_BN), lambda i: (0, _CSPLIT // _TAIL_BN))
    row_spec = pl.BlockSpec((B, 1), lambda i: (0, 0))
    return pl.pallas_call(
        _tc_tail_body,
        grid=(1,),
        in_specs=[
            pl.BlockSpec((8, 128), lambda i: (0, 0)),
            row_spec,
            row_spec,
            tail_spec,
        ],
        out_specs=tail_spec,
        out_shape=jax.ShapeDtypeStruct((B, C), jnp.float32),
        input_output_aliases={0: 0},
    )(o1, labels, nv, logits)


def kernel(margin, logits, labels):
    labels32 = labels.astype(jnp.int32)
    target = _sc_gather()(logits, labels32)
    nv = _tc_nv(margin.reshape(B, 1), target.reshape(B, 1))
    o1 = _sc_stream()(logits, labels32, nv.reshape(B))
    return _tc_tail(o1, labels32.reshape(B, 1), nv, logits)

# --- scband reference (transcript-rebuilt; emitter-appended) ---
"""Pipeline reference for scband-margin-distillation-35012573397079 (READ-ONLY COPY).

The authoritative reference and input builder live on the scoring server;
editing this copy changes nothing except your own understanding.
"""

import jax, jax.numpy as jnp
import numpy as np
import math

B = 1024
C = 100000
SCALE = 64.0

def setup_inputs(seed: int = 0) -> dict:
    key = jax.random.key(seed)
    k1, k2, k3 = jax.random.split(key, 3)
    margin = jax.random.uniform(k1, (B,), dtype=jnp.float32)  # margins in [0,1)
    logits = jax.random.uniform(k2, (B, C), dtype=jnp.float32)  # cosine-like values in [0,1)
    labels = jax.random.randint(k3, (B,), 0, C, dtype=jnp.int64)
    return {"margin": margin, "logits": logits, "labels": labels}

def reference(margin, logits, labels):
    rows = jnp.arange(logits.shape[0])
    valid = labels != -1
    safe_labels = jnp.where(valid, labels, 0)
    target_logit = logits[rows, safe_labels]
    target_margin = margin
    cos_m = jnp.cos(target_margin)
    sin_m = jnp.sin(target_margin)
    theta = jnp.cos(math.pi - target_margin)
    sinmm = jnp.sin(math.pi - target_margin) * target_margin
    sin_theta = jnp.sqrt(1.0 - jnp.power(target_logit, 2))
    cos_theta_m = target_logit * cos_m - sin_theta * sin_m
    # easy_margin = False branch
    final_target_logit = jnp.where(target_logit > theta, cos_theta_m, target_logit - sinmm)
    # only overwrite rows with valid labels (labels != -1)
    new_vals = jnp.where(valid, final_target_logit, target_logit)
    out = logits.at[rows, safe_labels].set(new_vals)
    out = out * SCALE
    return out

if __name__ == "__main__":
    import jax
    _d = setup_inputs()
    print(jax.jit(kernel)(*tuple(_d.values())))

</pallas_src>

<mosaic_0001>
#map = affine_map<(d0, d1) -> (0, 0)>
#map1 = affine_map<(d0, d1) -> (0)>
module attributes {stable_mosaic.version = 14 : i64} {
  func.func @_sc_stream_body(%arg0: i32, %arg1: i32, %arg2: memref<1024x100000xf32, #tpu.memory_space<hbm>>, %arg3: memref<1024xi32, #tpu.memory_space<hbm>>, %arg4: memref<1024xf32, #tpu.memory_space<hbm>>, %arg5: memref<1024x100000xf32, #tpu.memory_space<hbm>>, %arg6: memref<32xi32, #tpu.memory_space<vmem>>, %arg7: memref<32xf32, #tpu.memory_space<vmem>>, %arg8: memref<32x1536xf32, #tpu.memory_space<vmem>>, %arg9: memref<32x1536xf32, #tpu.memory_space<vmem>>, %arg10: memref<!tpu.dma_semaphore, #tpu.memory_space<semaphore_mem>>, %arg11: memref<!tpu.dma_semaphore, #tpu.memory_space<semaphore_mem>>, %arg12: memref<!tpu.dma_semaphore, #tpu.memory_space<semaphore_mem>>, %arg13: memref<!tpu.dma_semaphore, #tpu.memory_space<semaphore_mem>>) attributes {dimension_semantics = [#tpu.dimension_semantics<core_parallel>, #tpu.dimension_semantics<subcore_parallel>], iteration_bounds = array<i64: 2, 16>, scalar_prefetch = 0 : i64, scratch_operands = 8 : i64, tpu.core_type = #tpu.core_type<sc_vector_subcore>, window_params = [{transform_indices = #map}, {transform_indices = #map1}, {transform_indices = #map1}, {transform_indices = #map}]} {
    %mul3A = arith.constant 2 : i32
    %mul3A_0 = arith.muli %arg1, %mul3A : i32
    %add3A = arith.addi %mul3A_0, %arg0 : i32
    %mul3A_1 = arith.constant 32 : i32
    %mul3A_2 = arith.muli %add3A, %mul3A_1 : i32
    %multiple_of3A = tpu.assume_multiple %mul3A_2, 32 : i32
    "tpu.region"() ({
      %run_scoped3A = tpu.sem_alloc : memref<!tpu.dma_semaphore, #tpu.memory_space<semaphore_mem>>
      %dma_start3A = tpu.memref_slice %arg3[%multiple_of3A] : memref<1024xi32, #tpu.memory_space<hbm>> -> memref<32xi32, #tpu.memory_space<hbm>>
      %dma_start3A_7 = tpu.memref_slice %arg3[%multiple_of3A] : memref<1024xi32, #tpu.memory_space<hbm>> -> memref<32xi32, #tpu.memory_space<hbm>>
      tpu.enqueue_dma source(%dma_start3A_7 : memref<32xi32, #tpu.memory_space<hbm>>) target(%arg6 : memref<32xi32, #tpu.memory_space<vmem>>) target_semaphore(%run_scoped3A : memref<!tpu.dma_semaphore, #tpu.memory_space<semaphore_mem>>)
      %dma_wait3A = tpu.memref_slice %arg3[%multiple_of3A] : memref<1024xi32, #tpu.memory_space<hbm>> -> memref<32xi32, #tpu.memory_space<hbm>>
      %dma_wait3A_8 = tpu.memref_slice %arg3[%multiple_of3A] : memref<1024xi32, #tpu.memory_space<hbm>> -> memref<32xi32, #tpu.memory_space<hbm>>
      tpu.wait_dma2 semaphore(%run_scoped3A : memref<!tpu.dma_semaphore, #tpu.memory_space<semaphore_mem>>) src(%dma_wait3A_8 : memref<32xi32, #tpu.memory_space<hbm>>) dst(%arg6 : memref<32xi32, #tpu.memory_space<vmem>>)
      tpu.yield
    }) : () -> ()
    "tpu.region"() ({
      %run_scoped3A = tpu.sem_alloc : memref<!tpu.dma_semaphore, #tpu.memory_space<semaphore_mem>>
      %dma_start3A = tpu.memref_slice %arg4[%multiple_of3A] : memref<1024xf32, #tpu.memory_space<hbm>> -> memref<32xf32, #tpu.memory_space<hbm>>
      %dma_start3A_7 = tpu.memref_slice %arg4[%multiple_of3A] : memref<1024xf32, #tpu.memory_space<hbm>> -> memref<32xf32, #tpu.memory_space<hbm>>
      tpu.enqueue_dma source(%dma_start3A_7 : memref<32xf32, #tpu.memory_space<hbm>>) target(%arg7 : memref<32xf32, #tpu.memory_space<vmem>>) target_semaphore(%run_scoped3A : memref<!tpu.dma_semaphore, #tpu.memory_space<semaphore_mem>>)
      %dma_wait3A = tpu.memref_slice %arg4[%multiple_of3A] : memref<1024xf32, #tpu.memory_space<hbm>> -> memref<32xf32, #tpu.memory_space<hbm>>
      %dma_wait3A_8 = tpu.memref_slice %arg4[%multiple_of3A] : memref<1024xf32, #tpu.memory_space<hbm>> -> memref<32xf32, #tpu.memory_space<hbm>>
      tpu.wait_dma2 semaphore(%run_scoped3A : memref<!tpu.dma_semaphore, #tpu.memory_space<semaphore_mem>>) src(%dma_wait3A_8 : memref<32xf32, #tpu.memory_space<hbm>>) dst(%arg7 : memref<32xf32, #tpu.memory_space<vmem>>)
      tpu.yield
    }) : () -> ()
    %scan3A = arith.constant 0 : i32
    %scan3A_3 = arith.constant 32 : i32
    %scan3A_4 = arith.addi %scan3A, %scan3A_3 : i32
    %scan3A_5 = arith.constant 1 : i32
    scf.for %scan3A_7 = %scan3A to %scan3A_4 step %scan3A_5  : i32 {
      %mul3A_8 = arith.constant 2 : i32
      %mul3A_9 = arith.muli %scan3A_7, %mul3A_8 : i32
      %add3A_10 = arith.constant 0 : i32
      %add3A_11 = arith.addi %add3A_10, %mul3A_9 : i32
      %add3A_12 = arith.constant 0 : i32
      %add3A_13 = arith.addi %add3A_11, %add3A_12 : i32
      %mul3A_14 = arith.constant 1536 : i32
      %mul3A_15 = arith.muli %add3A_13, %mul3A_14 : i32
      %multiple_of3A_16 = tpu.assume_multiple %mul3A_15, 128 : i32
      %dma_start3A = tpu.memref_slice %arg2[%multiple_of3A, %multiple_of3A_16] : memref<1024x100000xf32, #tpu.memory_space<hbm>> -> memref<32x1536xf32, #tpu.memory_space<hbm>>
      %dma_start3A_17 = tpu.memref_slice %arg2[%multiple_of3A, %multiple_of3A_16] : memref<1024x100000xf32, #tpu.memory_space<hbm>> -> memref<32x1536xf32, #tpu.memory_space<hbm>>
      tpu.enqueue_dma source(%dma_start3A_17 : memref<32x1536xf32, #tpu.memory_space<hbm>>) target(%arg8 : memref<32x1536xf32, #tpu.memory_space<vmem>>) target_semaphore(%arg10 : memref<!tpu.dma_semaphore, #tpu.memory_space<semaphore_mem>>)
      %dma_wait3A = tpu.memref_slice %arg2[%multiple_of3A, %multiple_of3A_16] : memref<1024x100000xf32, #tpu.memory_space<hbm>> -> memref<32x1536xf32, #tpu.memory_space<hbm>>
      %dma_wait3A_18 = tpu.memref_slice %arg2[%multiple_of3A, %multiple_of3A_16] : memref<1024x100000xf32, #tpu.memory_space<hbm>> -> memref<32x1536xf32, #tpu.memory_space<hbm>>
      tpu.wait_dma2 semaphore(%arg10 : memref<!tpu.dma_semaphore, #tpu.memory_space<semaphore_mem>>) src(%dma_wait3A_18 : memref<32x1536xf32, #tpu.memory_space<hbm>>) dst(%arg8 : memref<32x1536xf32, #tpu.memory_space<vmem>>)
      %scan3A_19 = arith.constant 0 : i32
      %scan3A_20 = arith.constant 96 : i32
      %scan3A_21 = arith.addi %scan3A_19, %scan3A_20 : i32
      %scan3A_22 = arith.constant 1 : i32
      scf.for %scan3A_108 = %scan3A_19 to %scan3A_21 step %scan3A_22  : i32 {
        %mul3A_109 = arith.constant 1 : i32
        %mul3A_110 = arith.muli %scan3A_108, %mul3A_109 : i32
        %add3A_111 = arith.constant 0 : i32
        %add3A_112 = arith.addi %add3A_111, %mul3A_110 : i32
        %mul3A_113 = arith.constant 16 : i32
        %mul3A_114 = arith.muli %add3A_112, %mul3A_113 : i32
        %get3A_115 = arith.constant 0 : i32
        %get3A_116 = arith.index_cast %get3A_115 : i32 to index
        %get3A_117 = arith.index_cast %mul3A_114 : i32 to index
        %get3A_118 = tpu.vector_load %arg8[%get3A_116, %get3A_117] {strides = array<i32>} : memref<32x1536xf32, #tpu.memory_space<vmem>>, vector<16xf32>,
        %mul3A_119 = arith.constant 6.400000e+01 : f32
        %mul3A_120 = vector.broadcast %mul3A_119 : f32 to vector<16xf32>
        %mul3A_121 = arith.mulf %get3A_118, %mul3A_120 : vector<16xf32>
        %swap3A = arith.constant 0 : i32
        %swap3A_122 = arith.index_cast %swap3A : i32 to index
        %swap3A_123 = arith.index_cast %mul3A_114 : i32 to index
        %swap3A_124 = tpu.vector_load %arg8[%swap3A_122, %swap3A_123] {strides = array<i32>} : memref<32x1536xf32, #tpu.memory_space<vmem>>, vector<16xf32>,
        tpu.vector_store %arg8[%swap3A_122, %swap3A_123], %mul3A_121 {strides = array<i32>} : memref<32x1536xf32, #tpu.memory_space<vmem>>, vector<16xf32>,
        %get3A_125 = arith.constant 1 : i32
        %get3A_126 = arith.index_cast %get3A_125 : i32 to index
        %get3A_127 = arith.index_cast %mul3A_114 : i32 to index
        %get3A_128 = tpu.vector_load %arg8[%get3A_126, %get3A_127] {strides = array<i32>} : memref<32x1536xf32, #tpu.memory_space<vmem>>, vector<16xf32>,
        %mul3A_129 = arith.constant 6.400000e+01 : f32
        %mul3A_130 = vector.broadcast %mul3A_129 : f32 to vector<16xf32>
        %mul3A_131 = arith.mulf %get3A_128, %mul3A_130 : vector<16xf32>
        %swap3A_132 = arith.constant 1 : i32
        %swap3A_133 = arith.index_cast %swap3A_132 : i32 to index
        %swap3A_134 = arith.index_cast %mul3A_114 : i32 to index
        %swap3A_135 = tpu.vector_load %arg8[%swap3A_133, %swap3A_134] {strides = array<i32>} : memref<32x1536xf32, #tpu.memory_space<vmem>>, vector<16xf32>,
        tpu.vector_store %arg8[%swap3A_133, %swap3A_134], %mul3A_131 {strides = array<i32>} : memref<32x1536xf32, #tpu.memory_space<vmem>>, vector<16xf32>,
        %get3A_136 = arith.constant 2 : i32
        %get3A_137 = arith.index_cast %get3A_136 : i32 to index
        %get3A_138 = arith.index_cast %mul3A_114 : i32 to index
        %get3A_139 = tpu.vector_load %arg8[%get3A_137, %get3A_138] {strides = array<i32>} : memref<32x1536xf32, #tpu.memory_space<vmem>>, vector<16xf32>,
        %mul3A_140 = arith.constant 6.400000e+01 : f32
        %mul3A_141 = vector.broadcast %mul3A_140 : f32 to vector<16xf32>
        %mul3A_142 = arith.mulf %get3A_139, %mul3A_141 : vector<16xf32>
        %swap3A_143 = arith.constant 2 : i32
        %swap3A_144 = arith.index_cast %swap3A_143 : i32 to index
        %swap3A_145 = arith.index_cast %mul3A_114 : i32 to index
        %swap3A_146 = tpu.vector_load %arg8[%swap3A_144, %swap3A_145] {strides = array<i32>} : memref<32x1536xf32, #tpu.memory_space<vmem>>, vector<16xf32>,
        tpu.vector_store %arg8[%swap3A_144, %swap3A_145], %mul3A_142 {strides = array<i32>} : memref<32x1536xf32, #tpu.memory_space<vmem>>, vector<16xf32>,
        %get3A_147 = arith.constant 3 : i32
        %get3A_148 = arith.index_cast %get3A_147 : i32 to index
        %get3A_149 = arith.index_cast %mul3A_114 : i32 to index
        %get3A_150 = tpu.vector_load %arg8[%get3A_148, %get3A_149] {strides = array<i32>} : memref<32x1536xf32, #tpu.memory_space<vmem>>, vector<16xf32>,
        %mul3A_151 = arith.constant 6.400000e+01 : f32
        %mul3A_152 = vector.broadcast %mul3A_151 : f32 to vector<16xf32>
        %mul3A_153 = arith.mulf %get3A_150, %mul3A_152 : vector<16xf32>
        %swap3A_154 = arith.constant 3 : i32
        %swap3A_155 = arith.index_cast %swap3A_154 : i32 to index
        %swap3A_156 = arith.index_cast %mul3A_114 : i32 to index
        %swap3A_157 = tpu.vector_load %arg8[%swap3A_155, %swap3A_156] {strides = array<i32>} : memref<32x1536xf32, #tpu.memory_space<vmem>>, vector<16xf32>,
        tpu.vector_store %arg8[%swap3A_155, %swap3A_156], %mul3A_153 {strides = array<i32>} : memref<32x1536xf32, #tpu.memory_space<vmem>>, vector<16xf32>,
        %get3A_158 = arith.constant 4 : i32
        %get3A_159 = arith.index_cast %get3A_158 : i32 to index
        %get3A_160 = arith.index_cast %mul3A_114 : i32 to index
        %get3A_161 = tpu.vector_load %arg8[%get3A_159, %get3A_160] {strides = array<i32>} : memref<32x1536xf32, #tpu.memory_space<vmem>>, vector<16xf32>,
        %mul3A_162 = arith.constant 6.400000e+01 : f32
        %mul3A_163 = vector.broadcast %mul3A_162 : f32 to vector<16xf32>
        %mul3A_164 = arith.mulf %get3A_161, %mul3A_163 : vector<16xf32>
        %swap3A_165 = arith.constant 4 : i32
        %swap3A_166 = arith.index_cast %swap3A_165 : i32 to index
        %swap3A_167 = arith.index_cast %mul3A_114 : i32 to index
        %swap3A_168 = tpu.vector_load %arg8[%swap3A_166, %swap3A_167] {strides = array<i32>} : memref<32x1536xf32, #tpu.memory_space<vmem>>, vector<16xf32>,
        tpu.vector_store %arg8[%swap3A_166, %swap3A_167], %mul3A_164 {strides = array<i32>} : memref<32x1536xf32, #tpu.memory_space<vmem>>, vector<16xf32>,
        %get3A_169 = arith.constant 5 : i32
        %get3A_170 = arith.index_cast %get3A_169 : i32 to index
        %get3A_171 = arith.index_cast %mul3A_114 : i32 to index
        %get3A_172 = tpu.vector_load %arg8[%get3A_170, %get3A_171] {strides = array<i32>} : memref<32x1536xf32, #tpu.memory_space<vmem>>, vector<16xf32>,
        %mul3A_173 = arith.constant 6.400000e+01 : f32
        %mul3A_174 = vector.broadcast %mul3A_173 : f32 to vector<16xf32>
        %mul3A_175 = arith.mulf %get3A_172, %mul3A_174 : vector<16xf32>
        %swap3A_176 = arith.constant 5 : i32
        %swap3A_177 = arith.index_cast %swap3A_176 : i32 to index
        %swap3A_178 = arith.index_cast %mul3A_114 : i32 to index
        %swap3A_179 = tpu.vector_load %arg8[%swap3A_177, %swap3A_178] {strides = array<i32>} : memref<32x1536xf32, #tpu.memory_space<vmem>>, vector<16xf32>,
        tpu.vector_store %arg8[%swap3A_177, %swap3A_178], %mul3A_175 {strides = array<i32>} : memref<32x1536xf32, #tpu.memory_space<vmem>>, vector<16xf32>,
        %get3A_180 = arith.constant 6 : i32
        %get3A_181 = arith.index_cast %get3A_180 : i32 to index
        %get3A_182 = arith.index_cast %mul3A_114 : i32 to index
        %get3A_183 = tpu.vector_load %arg8[%get3A_181, %get3A_182] {strides = array<i32>} : memref<32x1536xf32, #tpu.memory_space<vmem>>, vector<16xf32>,
        %mul3A_184 = arith.constant 6.400000e+01 : f32
        %mul3A_185 = vector.broadcast %mul3A_184 : f32 to vector<16xf32>
        %mul3A_186 = arith.mulf %get3A_183, %mul3A_185 : vector<16xf32>
        %swap3A_187 = arith.constant 6 : i32
        %swap3A_188 = arith.index_cast %swap3A_187 : i32 to index
        %swap3A_189 = arith.index_cast %mul3A_114 : i32 to index
        %swap3A_190 = tpu.vector_load %arg8[%swap3A_188, %swap3A_189] {strides = array<i32>} : memref<32x1536xf32, #tpu.memory_space<vmem>>, vector<16xf32>,
        tpu.vector_store %arg8[%swap3A_188, %swap3A_189], %mul3A_186 {strides = array<i32>} : memref<32x1536xf32, #tpu.memory_space<vmem>>, vector<16xf32>,
        %get3A_191 = arith.constant 7 : i32
        %get3A_192 = arith.index_cast %get3A_191 : i32 to index
        %get3A_193 = arith.index_cast %mul3A_114 : i32 to index
        %get3A_194 = tpu.vector_load %arg8[%get3A_192, %get3A_193] {strides = array<i32>} : memref<32x1536xf32, #tpu.memory_space<vmem>>, vector<16xf32>,
        %mul3A_195 = arith.constant 6.400000e+01 : f32
        %mul3A_196 = vector.broadcast %mul3A_195 : f32 to vector<16xf32>
        %mul3A_197 = arith.mulf %get3A_194, %mul3A_196 : vector<16xf32>
        %swap3A_198 = arith.constant 7 : i32
        %swap3A_199 = arith.index_cast %swap3A_198 : i32 to index
        %swap3A_200 = arith.index_cast %mul3A_114 : i32 to index
        %swap3A_201 = tpu.vector_load %arg8[%swap3A_199, %swap3A_200] {strides = array<i32>} : memref<32x1536xf32, #tpu.memory_space<vmem>>, vector<16xf32>,
        tpu.vector_store %arg8[%swap3A_199, %swap3A_200], %mul3A_197 {strides = array<i32>} : memref<32x1536xf32, #tpu.memory_space<vmem>>, vector<16xf32>,
        %get3A_202 = arith.constant 8 : i32
        %get3A_203 = arith.index_cast %get3A_202 : i32 to index
        %get3A_204 = arith.index_cast %mul3A_114 : i32 to index
        %get3A_205 = tpu.vector_load %arg8[%get3A_203, %get3A_204] {strides = array<i32>} : memref<32x1536xf32, #tpu.memory_space<vmem>>, vector<16xf32>,
        %mul3A_206 = arith.constant 6.400000e+01 : f32
        %mul3A_207 = vector.broadcast %mul3A_206 : f32 to vector<16xf32>
        %mul3A_208 = arith.mulf %get3A_205, %mul3A_207 : vector<16xf32>
        %swap3A_209 = arith.constant 8 : i32
        %swap3A_210 = arith.index_cast %swap3A_209 : i32 to index
        %swap3A_211 = arith.index_cast %mul3A_114 : i32 to index
        %swap3A_212 = tpu.vector_load %arg8[%swap3A_210, %swap3A_211] {strides = array<i32>} : memref<32x1536xf32, #tpu.memory_space<vmem>>, vector<16xf32>,
        tpu.vector_store %arg8[%swap3A_210, %swap3A_211], %mul3A_208 {strides = array<i32>} : memref<32x1536xf32, #tpu.memory_space<vmem>>, vector<16xf32>,
        %get3A_213 = arith.constant 9 : i32
        %get3A_214 = arith.index_cast %get3A_213 : i32 to index
        %get3A_215 = arith.index_cast %mul3A_114 : i32 to index
        %get3A_216 = tpu.vector_load %arg8[%get3A_214, %get3A_215] {strides = array<i32>} : memref<32x1536xf32, #tpu.memory_space<vmem>>, vector<16xf32>,
        %mul3A_217 = arith.constant 6.400000e+01 : f32
        %mul3A_218 = vector.broadcast %mul3A_217 : f32 to vector<16xf32>
        %mul3A_219 = arith.mulf %get3A_216, %mul3A_218 : vector<16xf32>
        %swap3A_220 = arith.constant 9 : i32
        %swap3A_221 = arith.index_cast %swap3A_220 : i32 to index
        %swap3A_222 = arith.index_cast %mul3A_114 : i32 to index
        %swap3A_223 = tpu.vector_load %arg8[%swap3A_221, %swap3A_222] {strides = array<i32>} : memref<32x1536xf32, #tpu.memory_space<vmem>>, vector<16xf32>,
        tpu.vector_store %arg8[%swap3A_221, %swap3A_222], %mul3A_219 {strides = array<i32>} : memref<32x1536xf32, #tpu.memory_space<vmem>>, vector<16xf32>,
        %get3A_224 = arith.constant 10 : i32
        %get3A_225 = arith.index_cast %get3A_224 : i32 to index
        %get3A_226 = arith.index_cast %mul3A_114 : i32 to index
        %get3A_227 = tpu.vector_load %arg8[%get3A_225, %get3A_226] {strides = array<i32>} : memref<32x1536xf32, #tpu.memory_space<vmem>>, vector<16xf32>,
        %mul3A_228 = arith.constant 6.400000e+01 : f32
        %mul3A_229 = vector.broadcast %mul3A_228 : f32 to vector<16xf32>
        %mul3A_230 = arith.mulf %get3A_227, %mul3A_229 : vector<16xf32>
        %swap3A_231 = arith.constant 10 : i32
        %swap3A_232 = arith.index_cast %swap3A_231 : i32 to index
        %swap3A_233 = arith.index_cast %mul3A_114 : i32 to index
        %swap3A_234 = tpu.vector_load %arg8[%swap3A_232, %swap3A_233] {strides = array<i32>} : memref<32x1536xf32, #tpu.memory_space<vmem>>, vector<16xf32>,
        tpu.vector_store %arg8[%swap3A_232, %swap3A_233], %mul3A_230 {strides = array<i32>} : memref<32x1536xf32, #tpu.memory_space<vmem>>, vector<16xf32>,
        %get3A_235 = arith.constant 11 : i32
        %get3A_236 = arith.index_cast %get3A_235 : i32 to index
        %get3A_237 = arith.index_cast %mul3A_114 : i32 to index
        %get3A_238 = tpu.vector_load %arg8[%get3A_236, %get3A_237] {strides = array<i32>} : memref<32x1536xf32, #tpu.memory_space<vmem>>, vector<16xf32>,
        %mul3A_239 = arith.constant 6.400000e+01 : f32
        %mul3A_240 = vector.broadcast %mul3A_239 : f32 to vector<16xf32>
        %mul3A_241 = arith.mulf %get3A_238, %mul3A_240 : vector<16xf32>
        %swap3A_242 = arith.constant 11 : i32
        %swap3A_243 = arith.index_cast %swap3A_242 : i32 to index
        %swap3A_244 = arith.index_cast %mul3A_114 : i32 to index
        %swap3A_245 = tpu.vector_load %arg8[%swap3A_243, %swap3A_244] {strides = array<i32>} : memref<32x1536xf32, #tpu.memory_space<vmem>>, vector<16xf32>,
        tpu.vector_store %arg8[%swap3A_243, %swap3A_244], %mul3A_241 {strides = array<i32>} : memref<32x1536xf32, #tpu.memory_space<vmem>>, vector<16xf32>,
        %get3A_246 = arith.constant 12 : i32
        %get3A_247 = arith.index_cast %get3A_246 : i32 to index
        %get3A_248 = arith.index_cast %mul3A_114 : i32 to index
        %get3A_249 = tpu.vector_load %arg8[%get3A_247, %get3A_248] {strides = array<i32>} : memref<32x1536xf32, #tpu.memory_space<vmem>>, vector<16xf32>,
        %mul3A_250 = arith.constant 6.400000e+01 : f32
        %mul3A_251 = vector.broadcast %mul3A_250 : f32 to vector<16xf32>
        %mul3A_252 = arith.mulf %get3A_249, %mul3A_251 : vector<16xf32>
        %swap3A_253 = arith.constant 12 : i32
        %swap3A_254 = arith.index_cast %swap3A_253 : i32 to index
        %swap3A_255 = arith.index_cast %mul3A_114 : i32 to index
        %swap3A_256 = tpu.vector_load %arg8[%swap3A_254, %swap3A_255] {strides = array<i32>} : memref<32x1536xf32, #tpu.memory_space<vmem>>, vector<16xf32>,
        tpu.vector_store %arg8[%swap3A_254, %swap3A_255], %mul3A_252 {strides = array<i32>} : memref<32x1536xf32, #tpu.memory_space<vmem>>, vector<16xf32>,
        %get3A_257 = arith.constant 13 : i32
        %get3A_258 = arith.index_cast %get3A_257 : i32 to index
        %get3A_259 = arith.index_cast %mul3A_114 : i32 to index
        %get3A_260 = tpu.vector_load %arg8[%get3A_258, %get3A_259] {strides = array<i32>} : memref<32x1536xf32, #tpu.memory_space<vmem>>, vector<16xf32>,
        %mul3A_261 = arith.constant 6.400000e+01 : f32
        %mul3A_262 = vector.broadcast %mul3A_261 : f32 to vector<16xf32>
        %mul3A_263 = arith.mulf %get3A_260, %mul3A_262 : vector<16xf32>
        %swap3A_264 = arith.constant 13 : i32
        %swap3A_265 = arith.index_cast %swap3A_264 : i32 to index
        %swap3A_266 = arith.index_cast %mul3A_114 : i32 to index
        %swap3A_267 = tpu.vector_load %arg8[%swap3A_265, %swap3A_266] {strides = array<i32>} : memref<32x1536xf32, #tpu.memory_space<vmem>>, vector<16xf32>,
        tpu.vector_store %arg8[%swap3A_265, %swap3A_266], %mul3A_263 {strides = array<i32>} : memref<32x1536xf32, #tpu.memory_space<vmem>>, vector<16xf32>,
        %get3A_268 = arith.constant 14 : i32
        %get3A_269 = arith.index_cast %get3A_268 : i32 to index
        %get3A_270 = arith.index_cast %mul3A_114 : i32 to index
        %get3A_271 = tpu.vector_load %arg8[%get3A_269, %get3A_270] {strides = array<i32>} : memref<32x1536xf32, #tpu.memory_space<vmem>>, vector<16xf32>,
        %mul3A_272 = arith.constant 6.400000e+01 : f32
        %mul3A_273 = vector.broadcast %mul3A_272 : f32 to vector<16xf32>
        %mul3A_274 = arith.mulf %get3A_271, %mul3A_273 : vector<16xf32>
        %swap3A_275 = arith.constant 14 : i32
        %swap3A_276 = arith.index_cast %swap3A_275 : i32 to index
        %swap3A_277 = arith.index_cast %mul3A_114 : i32 to index
        %swap3A_278 = tpu.vector_load %arg8[%swap3A_276, %swap3A_277] {strides = array<i32>} : memref<32x1536xf32, #tpu.memory_space<vmem>>, vector<16xf32>,
        tpu.vector_store %arg8[%swap3A_276, %swap3A_277], %mul3A_274 {strides = array<i32>} : memref<32x1536xf32, #tpu.memory_space<vmem>>, vector<16xf32>,
        %get3A_279 = arith.constant 15 : i32
        %get3A_280 = arith.index_cast %get3A_279 : i32 to index
        %get3A_281 = arith.index_cast %mul3A_114 : i32 to index
        %get3A_282 = tpu.vector_load %arg8[%get3A_280, %get3A_281] {strides = array<i32>} : memref<32x1536xf32, #tpu.memory_space<vmem>>, vector<16xf32>,
        %mul3A_283 = arith.constant 6.400000e+01 : f32
        %mul3A_284 = vector.broadcast %mul3A_283 : f32 to vector<16xf32>
        %mul3A_285 = arith.mulf %get3A_282, %mul3A_284 : vector<16xf32>
        %swap3A_286 = arith.constant 15 : i32
        %swap3A_287 = arith.index_cast %swap3A_286 : i32 to index
        %swap3A_288 = arith.index_cast %mul3A_114 : i32 to index
        %swap3A_289 = tpu.vector_load %arg8[%swap3A_287, %swap3A_288] {strides = array<i32>} : memref<32x1536xf32, #tpu.memory_space<vmem>>, vector<16xf32>,
        tpu.vector_store %arg8[%swap3A_287, %swap3A_288], %mul3A_285 {strides = array<i32>} : memref<32x1536xf32, #tpu.memory_space<vmem>>, vector<16xf32>,
        %get3A_290 = arith.constant 16 : i32
        %get3A_291 = arith.index_cast %get3A_290 : i32 to index
        %get3A_292 = arith.index_cast %mul3A_114 : i32 to index
        %get3A_293 = tpu.vector_load %arg8[%get3A_291, %get3A_292] {strides = array<i32>} : memref<32x1536xf32, #tpu.memory_space<vmem>>, vector<16xf32>,
        %mul3A_294 = arith.constant 6.400000e+01 : f32
        %mul3A_295 = vector.broadcast %mul3A_294 : f32 to vector<16xf32>
        %mul3A_296 = arith.mulf %get3A_293, %mul3A_295 : vector<16xf32>
        %swap3A_297 = arith.constant 16 : i32
        %swap3A_298 = arith.index_cast %swap3A_297 : i32 to index
        %swap3A_299 = arith.index_cast %mul3A_114 : i32 to index
        %swap3A_300 = tpu.vector_load %arg8[%swap3A_298, %swap3A_299] {strides = array<i32>} : memref<32x1536xf32, #tpu.memory_space<vmem>>, vector<16xf32>,
        tpu.vector_store %arg8[%swap3A_298, %swap3A_299], %mul3A_296 {strides = array<i32>} : memref<32x1536xf32, #tpu.memory_space<vmem>>, vector<16xf32>,
        %get3A_301 = arith.constant 17 : i32
        %get3A_302 = arith.index_cast %get3A_301 : i32 to index
        %get3A_303 = arith.index_cast %mul3A_114 : i32 to index
        %get3A_304 = tpu.vector_load %arg8[%get3A_302, %get3A_303] {strides = array<i32>} : memref<32x1536xf32, #tpu.memory_space<vmem>>, vector<16xf32>,
        %mul3A_305 = arith.constant 6.400000e+01 : f32
        %mul3A_306 = vector.broadcast %mul3A_305 : f32 to vector<16xf32>
        %mul3A_307 = arith.mulf %get3A_304, %mul3A_306 : vector<16xf32>
        %swap3A_308 = arith.constant 17 : i32
        %swap3A_309 = arith.index_cast %swap3A_308 : i32 to index
        %swap3A_310 = arith.index_cast %mul3A_114 : i32 to index
        %swap3A_311 = tpu.vector_load %arg8[%swap3A_309, %swap3A_310] {strides = array<i32>} : memref<32x1536xf32, #tpu.memory_space<vmem>>, vector<16xf32>,
        tpu.vector_store %arg8[%swap3A_309, %swap3A_310], %mul3A_307 {strides = array<i32>} : memref<32x1536xf32, #tpu.memory_space<vmem>>, vector<16xf32>,
        %get3A_312 = arith.constant 18 : i32
        %get3A_313 = arith.index_cast %get3A_312 : i32 to index
        %get3A_314 = arith.index_cast %mul3A_114 : i32 to index
        %get3A_315 = tpu.vector_load %arg8[%get3A_313, %get3A_314] {strides = array<i32>} : memref<32x1536xf32, #tpu.memory_space<vmem>>, vector<16xf32>,
        %mul3A_316 = arith.constant 6.400000e+01 : f32
        %mul3A_317 = vector.broadcast %mul3A_316 : f32 to vector<16xf32>
        %mul3A_318 = arith.mulf %get3A_315, %mul3A_317 : vector<16xf32>
        %swap3A_319 = arith.constant 18 : i32
        %swap3A_320 = arith.index_cast %swap3A_319 : i32 to index
        %swap3A_321 = arith.index_cast %mul3A_114 : i32 to index
        %swap3A_322 = tpu.vector_load %arg8[%swap3A_320, %swap3A_321] {strides = array<i32>} : memref<32x1536xf32, #tpu.memory_space<vmem>>, vector<16xf32>,
        tpu.vector_store %arg8[%swap3A_320, %swap3A_321], %mul3A_318 {strides = array<i32>} : memref<32x1536xf32, #tpu.memory_space<vmem>>, vector<16xf32>,
        %get3A_323 = arith.constant 19 : i32
        %get3A_324 = arith.index_cast %get3A_323 : i32 to index
        %get3A_325 = arith.index_cast %mul3A_114 : i32 to index
        %get3A_326 = tpu.vector_load %arg8[%get3A_324, %get3A_325] {strides = array<i32>} : memref<32x1536xf32, #tpu.memory_space<vmem>>, vector<16xf32>,
        %mul3A_327 = arith.constant 6.400000e+01 : f32
        %mul3A_328 = vector.broadcast %mul3A_327 : f32 to vector<16xf32>
        %mul3A_329 = arith.mulf %get3A_326, %mul3A_328 : vector<16xf32>
        %swap3A_330 = arith.constant 19 : i32
        %swap3A_331 = arith.index_cast %swap3A_330 : i32 to index
        %swap3A_332 = arith.index_cast %mul3A_114 : i32 to index
        %swap3A_333 = tpu.vector_load %arg8[%swap3A_331, %swap3A_332] {strides = array<i32>} : memref<32x1536xf32, #tpu.memory_space<vmem>>, vector<16xf32>,
        tpu.vector_store %arg8[%swap3A_331, %swap3A_332], %mul3A_329 {strides = array<i32>} : memref<32x1536xf32, #tpu.memory_space<vmem>>, vector<16xf32>,
        %get3A_334 = arith.constant 20 : i32
        %get3A_335 = arith.index_cast %get3A_334 : i32 to index
        %get3A_336 = arith.index_cast %mul3A_114 : i32 to index
        %get3A_337 = tpu.vector_load %arg8[%get3A_335, %get3A_336] {strides = array<i32>} : memref<32x1536xf32, #tpu.memory_space<vmem>>, vector<16xf32>,
        %mul3A_338 = arith.constant 6.400000e+01 : f32
        %mul3A_339 = vector.broadcast %mul3A_338 : f32 to vector<16xf32>
        %mul3A_340 = arith.mulf %get3A_337, %mul3A_339 : vector<16xf32>
        %swap3A_341 = arith.constant 20 : i32
        %swap3A_342 = arith.index_cast %swap3A_341 : i32 to index
        %swap3A_343 = arith.index_cast %mul3A_114 : i32 to index
        %swap3A_344 = tpu.vector_load %arg8[%swap3A_342, %swap3A_343] {strides = array<i32>} : memref<32x1536xf32, #tpu.memory_space<vmem>>, vector<16xf32>,
        tpu.vector_store %arg8[%swap3A_342, %swap3A_343], %mul3A_340 {strides = array<i32>} : memref<32x1536xf32, #tpu.memory_space<vmem>>, vector<16xf32>,
        %get3A_345 = arith.constant 21 : i32
        %get3A_346 = arith.index_cast %get3A_345 : i32 to index
        %get3A_347 = arith.index_cast %mul3A_114 : i32 to index
        %get3A_348 = tpu.vector_load %arg8[%get3A_346, %get3A_347] {strides = array<i32>} : memref<32x1536xf32, #tpu.memory_space<vmem>>, vector<16xf32>,
        %mul3A_349 = arith.constant 6.400000e+01 : f32
        %mul3A_350 = vector.broadcast %mul3A_349 : f32 to vector<16xf32>
        %mul3A_351 = arith.mulf %get3A_348, %mul3A_350 : vector<16xf32>
        %swap3A_352 = arith.constant 21 : i32
        %swap3A_353 = arith.index_cast %swap3A_352 : i32 to index
        %swap3A_354 = arith.index_cast %mul3A_114 : i32 to index
        %swap3A_355 = tpu.vector_load %arg8[%swap3A_353, %swap3A_354] {strides = array<i32>} : memref<32x1536xf32, #tpu.memory_space<vmem>>, vector<16xf32>,
        tpu.vector_store %arg8[%swap3A_353, %swap3A_354], %mul3A_351 {strides = array<i32>} : memref<32x1536xf32, #tpu.memory_space<vmem>>, vector<16xf32>,
        %get3A_356 = arith.constant 22 : i32
        %get3A_357 = arith.index_cast %get3A_356 : i32 to index
        %get3A_358 = arith.index_cast %mul3A_114 : i32 to index
        %get3A_359 = tpu.vector_load %arg8[%get3A_357, %get3A_358] {strides = array<i32>} : memref<32x1536xf32, #tpu.memory_space<vmem>>, vector<16xf32>,
        %mul3A_360 = arith.constant 6.400000e+01 : f32
        %mul3A_361 = vector.broadcast %mul3A_360 : f32 to vector<16xf32>
        %mul3A_362 = arith.mulf %get3A_359, %mul3A_361 : vector<16xf32>
        %swap3A_363 = arith.constant 22 : i32
        %swap3A_364 = arith.index_cast %swap3A_363 : i32 to index
        %swap3A_365 = arith.index_cast %mul3A_114 : i32 to index
        %swap3A_366 = tpu.vector_load %arg8[%swap3A_364, %swap3A_365] {strides = array<i32>} : memref<32x1536xf32, #tpu.memory_space<vmem>>, vector<16xf32>,
        tpu.vector_store %arg8[%swap3A_364, %swap3A_365], %mul3A_362 {strides = array<i32>} : memref<32x1536xf32, #tpu.memory_space<vmem>>, vector<16xf32>,
        %get3A_367 = arith.constant 23 : i32
        %get3A_368 = arith.index_cast %get3A_367 : i32 to index
        %get3A_369 = arith.index_cast %mul3A_114 : i32 to index
        %get3A_370 = tpu.vector_load %arg8[%get3A_368, %get3A_369] {strides = array<i32>} : memref<32x1536xf32, #tpu.memory_space<vmem>>, vector<16xf32>,
        %mul3A_371 = arith.constant 6.400000e+01 : f32
        %mul3A_372 = vector.broadcast %mul3A_371 : f32 to vector<16xf32>
        %mul3A_373 = arith.mulf %get3A_370, %mul3A_372 : vector<16xf32>
        %swap3A_374 = arith.constant 23 : i32
        %swap3A_375 = arith.index_cast %swap3A_374 : i32 to index
        %swap3A_376 = arith.index_cast %mul3A_114 : i32 to index
        %swap3A_377 = tpu.vector_load %arg8[%swap3A_375, %swap3A_376] {strides = array<i32>} : memref<32x1536xf32, #tpu.memory_space<vmem>>, vector<16xf32>,
        tpu.vector_store %arg8[%swap3A_375, %swap3A_376], %mul3A_373 {strides = array<i32>} : memref<32x1536xf32, #tpu.memory_space<vmem>>, vector<16xf32>,
        %get3A_378 = arith.constant 24 : i32
        %get3A_379 = arith.index_cast %get3A_378 : i32 to index
        %get3A_380 = arith.index_cast %mul3A_114 : i32 to index
        %get3A_381 = tpu.vector_load %arg8[%get3A_379, %get3A_380] {strides = array<i32>} : memref<32x1536xf32, #tpu.memory_space<vmem>>, vector<16xf32>,
        %mul3A_382 = arith.constant 6.400000e+01 : f32
        %mul3A_383 = vector.broadcast %mul3A_382 : f32 to vector<16xf32>
        %mul3A_384 = arith.mulf %get3A_381, %mul3A_383 : vector<16xf32>
        %swap3A_385 = arith.constant 24 : i32
        %swap3A_386 = arith.index_cast %swap3A_385 : i32 to index
        %swap3A_387 = arith.index_cast %mul3A_114 : i32 to index
        %swap3A_388 = tpu.vector_load %arg8[%swap3A_386, %swap3A_387] {strides = array<i32>} : memref<32x1536xf32, #tpu.memory_space<vmem>>, vector<16xf32>,
        tpu.vector_store %arg8[%swap3A_386, %swap3A_387], %mul3A_384 {strides = array<i32>} : memref<32x1536xf32, #tpu.memory_space<vmem>>, vector<16xf32>,
        %get3A_389 = arith.constant 25 : i32
        %get3A_390 = arith.index_cast %get3A_389 : i32 to index
        %get3A_391 = arith.index_cast %mul3A_114 : i32 to index
        %get3A_392 = tpu.vector_load %arg8[%get3A_390, %get3A_391] {strides = array<i32>} : memref<32x1536xf32, #tpu.memory_space<vmem>>, vector<16xf32>,
        %mul3A_393 = arith.constant 6.400000e+01 : f32
        %mul3A_394 = vector.broadcast %mul3A_393 : f32 to vector<16xf32>
        %mul3A_395 = arith.mulf %get3A_392, %mul3A_394 : vector<16xf32>
        %swap3A_396 = arith.constant 25 : i32
        %swap3A_397 = arith.index_cast %swap3A_396 : i32 to index
        %swap3A_398 = arith.index_cast %mul3A_114 : i32 to index
        %swap3A_399 = tpu.vector_load %arg8[%swap3A_397, %swap3A_398] {strides = array<i32>} : memref<32x1536xf32, #tpu.memory_space<vmem>>, vector<16xf32>,
        tpu.vector_store %arg8[%swap3A_397, %swap3A_398], %mul3A_395 {strides = array<i32>} : memref<32x1536xf32, #tpu.memory_space<vmem>>, vector<16xf32>,
        %get3A_400 = arith.constant 26 : i32
        %get3A_401 = arith.index_cast %get3A_400 : i32 to index
        %get3A_402 = arith.index_cast %mul3A_114 : i32 to index
        %get3A_403 = tpu.vector_load %arg8[%get3A_401, %get3A_402] {strides = array<i32>} : memref<32x1536xf32, #tpu.memory_space<vmem>>, vector<16xf32>,
        %mul3A_404 = arith.constant 6.400000e+01 : f32
        %mul3A_405 = vector.broadcast %mul3A_404 : f32 to vector<16xf32>
        %mul3A_406 = arith.mulf %get3A_403, %mul3A_405 : vector<16xf32>
        %swap3A_407 = arith.constant 26 : i32
        %swap3A_408 = arith.index_cast %swap3A_407 : i32 to index
        %swap3A_409 = arith.index_cast %mul3A_114 : i32 to index
        %swap3A_410 = tpu.vector_load %arg8[%swap3A_408, %swap3A_409] {strides = array<i32>} : memref<32x1536xf32, #tpu.memory_space<vmem>>, vector<16xf32>,
        tpu.vector_store %arg8[%swap3A_408, %swap3A_409], %mul3A_406 {strides = array<i32>} : memref<32x1536xf32, #tpu.memory_space<vmem>>, vector<16xf32>,
        %get3A_411 = arith.constant 27 : i32
        %get3A_412 = arith.index_cast %get3A_411 : i32 to index
        %get3A_413 = arith.index_cast %mul3A_114 : i32 to index
        %get3A_414 = tpu.vector_load %arg8[%get3A_412, %get3A_413] {strides = array<i32>} : memref<32x1536xf32, #tpu.memory_space<vmem>>, vector<16xf32>,
        %mul3A_415 = arith.constant 6.400000e+01 : f32
        %mul3A_416 = vector.broadcast %mul3A_415 : f32 to vector<16xf32>
        %mul3A_417 = arith.mulf %get3A_414, %mul3A_416 : vector<16xf32>
        %swap3A_418 = arith.constant 27 : i32
        %swap3A_419 = arith.index_cast %swap3A_418 : i32 to index
        %swap3A_420 = arith.index_cast %mul3A_114 : i32 to index
        %swap3A_421 = tpu.vector_load %arg8[%swap3A_419, %swap3A_420] {strides = array<i32>} : memref<32x1536xf32, #tpu.memory_space<vmem>>, vector<16xf32>,
        tpu.vector_store %arg8[%swap3A_419, %swap3A_420], %mul3A_417 {strides = array<i32>} : memref<32x1536xf32, #tpu.memory_space<vmem>>, vector<16xf32>,
        %get3A_422 = arith.constant 28 : i32
        %get3A_423 = arith.index_cast %get3A_422 : i32 to index
        %get3A_424 = arith.index_cast %mul3A_114 : i32 to index
        %get3A_425 = tpu.vector_load %arg8[%get3A_423, %get3A_424] {strides = array<i32>} : memref<32x1536xf32, #tpu.memory_space<vmem>>, vector<16xf32>,
        %mul3A_426 = arith.constant 6.400000e+01 : f32
        %mul3A_427 = vector.broadcast %mul3A_426 : f32 to vector<16xf32>
        %mul3A_428 = arith.mulf %get3A_425, %mul3A_427 : vector<16xf32>
        %swap3A_429 = arith.constant 28 : i32
        %swap3A_430 = arith.index_cast %swap3A_429 : i32 to index
        %swap3A_431 = arith.index_cast %mul3A_114 : i32 to index
        %swap3A_432 = tpu.vector_load %arg8[%swap3A_430, %swap3A_431] {strides = array<i32>} : memref<32x1536xf32, #tpu.memory_space<vmem>>, vector<16xf32>,
        tpu.vector_store %arg8[%swap3A_430, %swap3A_431], %mul3A_428 {strides = array<i32>} : memref<32x1536xf32, #tpu.memory_space<vmem>>, vector<16xf32>,
        %get3A_433 = arith.constant 29 : i32
        %get3A_434 = arith.index_cast %get3A_433 : i32 to index
        %get3A_435 = arith.index_cast %mul3A_114 : i32 to index
        %get3A_436 = tpu.vector_load %arg8[%get3A_434, %get3A_435] {strides = array<i32>} : memref<32x1536xf32, #tpu.memory_space<vmem>>, vector<16xf32>,
        %mul3A_437 = arith.constant 6.400000e+01 : f32
        %mul3A_438 = vector.broadcast %mul3A_437 : f32 to vector<16xf32>
        %mul3A_439 = arith.mulf %get3A_436, %mul3A_438 : vector<16xf32>
        %swap3A_440 = arith.constant 29 : i32
        %swap3A_441 = arith.index_cast %swap3A_440 : i32 to index
        %swap3A_442 = arith.index_cast %mul3A_114 : i32 to index
        %swap3A_443 = tpu.vector_load %arg8[%swap3A_441, %swap3A_442] {strides = array<i32>} : memref<32x1536xf32, #tpu.memory_space<vmem>>, vector<16xf32>,
        tpu.vector_store %arg8[%swap3A_441, %swap3A_442], %mul3A_439 {strides = array<i32>} : memref<32x1536xf32, #tpu.memory_space<vmem>>, vector<16xf32>,
        %get3A_444 = arith.constant 30 : i32
        %get3A_445 = arith.index_cast %get3A_444 : i32 to index
        %get3A_446 = arith.index_cast %mul3A_114 : i32 to index
        %get3A_447 = tpu.vector_load %arg8[%get3A_445, %get3A_446] {strides = array<i32>} : memref<32x1536xf32, #tpu.memory_space<vmem>>, vector<16xf32>,
        %mul3A_448 = arith.constant 6.400000e+01 : f32
        %mul3A_449 = vector.broadcast %mul3A_448 : f32 to vector<16xf32>
        %mul3A_450 = arith.mulf %get3A_447, %mul3A_449 : vector<16xf32>
        %swap3A_451 = arith.constant 30 : i32
        %swap3A_452 = arith.index_cast %swap3A_451 : i32 to index
        %swap3A_453 = arith.index_cast %mul3A_114 : i32 to index
        %swap3A_454 = tpu.vector_load %arg8[%swap3A_452, %swap3A_453] {strides = array<i32>} : memref<32x1536xf32, #tpu.memory_space<vmem>>, vector<16xf32>,
        tpu.vector_store %arg8[%swap3A_452, %swap3A_453], %mul3A_450 {strides = array<i32>} : memref<32x1536xf32, #tpu.memory_space<vmem>>, vector<16xf32>,
        %get3A_455 = arith.constant 31 : i32
        %get3A_456 = arith.index_cast %get3A_455 : i32 to index
        %get3A_457 = arith.index_cast %mul3A_114 : i32 to index
        %get3A_458 = tpu.vector_load %arg8[%get3A_456, %get3A_457] {strides = array<i32>} : memref<32x1536xf32, #tpu.memory_space<vmem>>, vector<16xf32>,
        %mul3A_459 = arith.constant 6.400000e+01 : f32
        %mul3A_460 = vector.broadcast %mul3A_459 : f32 to vector<16xf32>
        %mul3A_461 = arith.mulf %get3A_458, %mul3A_460 : vector<16xf32>
        %swap3A_462 = arith.constant 31 : i32
        %swap3A_463 = arith.index_cast %swap3A_462 : i32 to index
        %swap3A_464 = arith.index_cast %mul3A_114 : i32 to index
        %swap3A_465 = tpu.vector_load %arg8[%swap3A_463, %swap3A_464] {strides = array<i32>} : memref<32x1536xf32, #tpu.memory_space<vmem>>, vector<16xf32>,
        tpu.vector_store %arg8[%swap3A_463, %swap3A_464], %mul3A_461 {strides = array<i32>} : memref<32x1536xf32, #tpu.memory_space<vmem>>, vector<16xf32>,
      }
      %scan3A_23 = arith.constant 96 : i32
      %get3A = arith.constant 0 : index
      %get3A_24 = tpu.vector_load %arg6[%get3A] {strides = array<i32>} : memref<32xi32, #tpu.memory_space<vmem>>, vector<16xi32>,
      %get3A_25 = arith.constant 0 : index
      %get3A_26 = tpu.vector_load %arg7[%get3A_25] {strides = array<i32>} : memref<32xf32, #tpu.memory_space<vmem>>, vector<16xf32>,
      %iota3A = tpu.iota {dimensions = array<i32: 0>} : vector<16xi32>
      %add3A_27 = arith.constant 0 : i32
      %add3A_28 = vector.broadcast %add3A_27 : i32 to vector<16xi32>
      %add3A_29 = arith.addi %iota3A, %add3A_28 : vector<16xi32>
      %ge3A = vector.broadcast %multiple_of3A_16 : i32 to vector<16xi32>
      %ge3A_30 = arith.cmpi sge, %get3A_24, %ge3A : vector<16xi32>
      %add3A_31 = arith.constant 1536 : i32
      %add3A_32 = arith.addi %multiple_of3A_16, %add3A_31 : i32
      %lt3A = vector.broadcast %add3A_32 : i32 to vector<16xi32>
      %lt3A_33 = arith.cmpi slt, %get3A_24, %lt3A : vector<16xi32>
      %and3A = arith.andi %ge3A_30, %lt3A_33 : vector<16xi1>
      %sub3A = vector.broadcast %multiple_of3A_16 : i32 to vector<16xi32>
      %sub3A_34 = arith.subi %get3A_24, %sub3A : vector<16xi32>
      tpu.vector_store_idx %arg8[%add3A_29, %sub3A_34], %get3A_26 masked %and3A : memref<32x1536xf32, #tpu.memory_space<vmem>>[vector<16xi32>, vector<16xi32>], vector<16xf32>, vector<16xi1>
      %get3A_35 = arith.constant 16 : index
      %get3A_36 = tpu.vector_load %arg6[%get3A_35] {strides = array<i32>} : memref<32xi32, #tpu.memory_space<vmem>>, vector<16xi32>,
      %get3A_37 = arith.constant 16 : index
      %get3A_38 = tpu.vector_load %arg7[%get3A_37] {strides = array<i32>} : memref<32xf32, #tpu.memory_space<vmem>>, vector<16xf32>,
      %iota3A_39 = tpu.iota {dimensions = array<i32: 0>} : vector<16xi32>
      %add3A_40 = arith.constant 16 : i32
      %add3A_41 = vector.broadcast %add3A_40 : i32 to vector<16xi32>
      %add3A_42 = arith.addi %iota3A_39, %add3A_41 : vector<16xi32>
      %ge3A_43 = vector.broadcast %multiple_of3A_16 : i32 to vector<16xi32>
      %ge3A_44 = arith.cmpi sge, %get3A_36, %ge3A_43 : vector<16xi32>
      %add3A_45 = arith.constant 1536 : i32
      %add3A_46 = arith.addi %multiple_of3A_16, %add3A_45 : i32
      %lt3A_47 = vector.broadcast %add3A_46 : i32 to vector<16xi32>
      %lt3A_48 = arith.cmpi slt, %get3A_36, %lt3A_47 : vector<16xi32>
      %and3A_49 = arith.andi %ge3A_44, %lt3A_48 : vector<16xi1>
      %sub3A_50 = vector.broadcast %multiple_of3A_16 : i32 to vector<16xi32>
      %sub3A_51 = arith.subi %get3A_36, %sub3A_50 : vector<16xi32>
      tpu.vector_store_idx %arg8[%add3A_42, %sub3A_51], %get3A_38 masked %and3A_49 : memref<32x1536xf32, #tpu.memory_space<vmem>>[vector<16xi32>, vector<16xi32>], vector<16xf32>, vector<16xi1>
      %dma_start3A_52 = tpu.memref_slice %arg5[%multiple_of3A, %multiple_of3A_16] : memref<1024x100000xf32, #tpu.memory_space<hbm>> -> memref<32x1536xf32, #tpu.memory_space<hbm>>
      %dma_start3A_53 = tpu.memref_slice %arg5[%multiple_of3A, %multiple_of3A_16] : memref<1024x100000xf32, #tpu.memory_space<hbm>> -> memref<32x1536xf32, #tpu.memory_space<hbm>>
      tpu.enqueue_dma source(%arg8 : memref<32x1536xf32, #tpu.memory_space<vmem>>) target(%dma_start3A_53 : memref<32x1536xf32, #tpu.memory_space<hbm>>) target_semaphore(%arg12 : memref<!tpu.dma_semaphore, #tpu.memory_space<semaphore_mem>>)
      %dma_wait3A_54 = tpu.memref_slice %arg5[%multiple_of3A, %multiple_of3A_16] : memref<1024x100000xf32, #tpu.memory_space<hbm>> -> memref<32x1536xf32, #tpu.memory_space<hbm>>
      %dma_wait3A_55 = tpu.memref_slice %arg5[%multiple_of3A, %multiple_of3A_16] : memref<1024x100000xf32, #tpu.memory_space<hbm>> -> memref<32x1536xf32, #tpu.memory_space<hbm>>
      tpu.wait_dma2 semaphore(%arg12 : memref<!tpu.dma_semaphore, #tpu.memory_space<semaphore_mem>>) src(%arg8 : memref<32x1536xf32, #tpu.memory_space<vmem>>) dst(%dma_wait3A_55 : memref<32x1536xf32, #tpu.memory_space<hbm>>)
      %add3A_56 = arith.constant 1 : i32
      %add3A_57 = arith.addi %add3A_11, %add3A_56 : i32
      %mul3A_58 = arith.constant 1536 : i32
      %mul3A_59 = arith.muli %add3A_57, %mul3A_58 : i32
      %multiple_of3A_60 = tpu.assume_multiple %mul3A_59, 128 : i32
      %dma_start3A_61 = tpu.memref_slice %arg2[%multiple_of3A, %multiple_of3A_60] : memref<1024x100000xf32, #tpu.memory_space<hbm>> -> memref<32x1536xf32, #tpu.memory_space<hbm>>
      %dma_start3A_62 = tpu.memref_slice %arg2[%multiple_of3A, %multiple_of3A_60] : memref<1024x100000xf32, #tpu.memory_space<hbm>> -> memref<32x1536xf32, #tpu.memory_space<hbm>>
      tpu.enqueue_dma source(%dma_start3A_62 : memref<32x1536xf32, #tpu.memory_space<hbm>>) target(%arg9 : memref<32x1536xf32, #tpu.memory_space<vmem>>) target_semaphore(%arg11 : memref<!tpu.dma_semaphore, #tpu.memory_space<semaphore_mem>>)
      %dma_wait3A_63 = tpu.memref_slice %arg2[%multiple_of3A, %multiple_of3A_60] : memref<1024x100000xf32, #tpu.memory_space<hbm>> -> memref<32x1536xf32, #tpu.memory_space<hbm>>
      %dma_wait3A_64 = tpu.memref_slice %arg2[%multiple_of3A, %multiple_of3A_60] : memref<1024x100000xf32, #tpu.memory_space<hbm>> -> memref<32x1536xf32, #tpu.memory_space<hbm>>
      tpu.wait_dma2 semaphore(%arg11 : memref<!tpu.dma_semaphore, #tpu.memory_space<semaphore_mem>>) src(%dma_wait3A_64 : memref<32x1536xf32, #tpu.memory_space<hbm>>) dst(%arg9 : memref<32x1536xf32, #tpu.memory_space<vmem>>)
      %scan3A_65 = arith.constant 0 : i32
      %scan3A_66 = arith.constant 96 : i32
      %scan3A_67 = arith.addi %scan3A_65, %scan3A_66 : i32
      %scan3A_68 = arith.constant 1 : i32
      scf.for %scan3A_108 = %scan3A_65 to %scan3A_67 step %scan3A_68  : i32 {
        %mul3A_109 = arith.constant 1 : i32
        %mul3A_110 = arith.muli %scan3A_108, %mul3A_109 : i32
        %add3A_111 = arith.constant 0 : i32
        %add3A_112 = arith.addi %add3A_111, %mul3A_110 : i32
        %mul3A_113 = arith.constant 16 : i32
        %mul3A_114 = arith.muli %add3A_112, %mul3A_113 : i32
        %get3A_115 = arith.constant 0 : i32
        %get3A_116 = arith.index_cast %get3A_115 : i32 to index
        %get3A_117 = arith.index_cast %mul3A_114 : i32 to index
        %get3A_118 = tpu.vector_load %arg9[%get3A_116, %get3A_117] {strides = array<i32>} : memref<32x1536xf32, #tpu.memory_space<vmem>>, vector<16xf32>,
        %mul3A_119 = arith.constant 6.400000e+01 : f32
        %mul3A_120 = vector.broadcast %mul3A_119 : f32 to vector<16xf32>
        %mul3A_121 = arith.mulf %get3A_118, %mul3A_120 : vector<16xf32>
        %swap3A = arith.constant 0 : i32
        %swap3A_122 = arith.index_cast %swap3A : i32 to index
        %swap3A_123 = arith.index_cast %mul3A_114 : i32 to index
        %swap3A_124 = tpu.vector_load %arg9[%swap3A_122, %swap3A_123] {strides = array<i32>} : memref<32x1536xf32, #tpu.memory_space<vmem>>, vector<16xf32>,
        tpu.vector_store %arg9[%swap3A_122, %swap3A_123], %mul3A_121 {strides = array<i32>} : memref<32x1536xf32, #tpu.memory_space<vmem>>, vector<16xf32>,
        %get3A_125 = arith.constant 1 : i32
        %get3A_126 = arith.index_cast %get3A_125 : i32 to index
        %get3A_127 = arith.index_cast %mul3A_114 : i32 to index
        %get3A_128 = tpu.vector_load %arg9[%get3A_126, %get3A_127] {strides = array<i32>} : memref<32x1536xf32, #tpu.memory_space<vmem>>, vector<16xf32>,
        %mul3A_129 = arith.constant 6.400000e+01 : f32
        %mul3A_130 = vector.broadcast %mul3A_129 : f32 to vector<16xf32>
        %mul3A_131 = arith.mulf %get3A_128, %mul3A_130 : vector<16xf32>
        %swap3A_132 = arith.constant 1 : i32
        %swap3A_133 = arith.index_cast %swap3A_132 : i32 to index
        %swap3A_134 = arith.index_cast %mul3A_114 : i32 to index
        %swap3A_135 = tpu.vector_load %arg9[%swap3A_133, %swap3A_134] {strides = array<i32>} : memref<32x1536xf32, #tpu.memory_space<vmem>>, vector<16xf32>,
        tpu.vector_store %arg9[%swap3A_133, %swap3A_134], %mul3A_131 {strides = array<i32>} : memref<32x1536xf32, #tpu.memory_space<vmem>>, vector<16xf32>,
        %get3A_136 = arith.constant 2 : i32
        %get3A_137 = arith.index_cast %get3A_136 : i32 to index
        %get3A_138 = arith.index_cast %mul3A_114 : i32 to index
        %get3A_139 = tpu.vector_load %arg9[%get3A_137, %get3A_138] {strides = array<i32>} : memref<32x1536xf32, #tpu.memory_space<vmem>>, vector<16xf32>,
        %mul3A_140 = arith.constant 6.400000e+01 : f32
        %mul3A_141 = vector.broadcast %mul3A_140 : f32 to vector<16xf32>
        %mul3A_142 = arith.mulf %get3A_139, %mul3A_141 : vector<16xf32>
        %swap3A_143 = arith.constant 2 : i32
        %swap3A_144 = arith.index_cast %swap3A_143 : i32 to index
        %swap3A_145 = arith.index_cast %mul3A_114 : i32 to index
        %swap3A_146 = tpu.vector_load %arg9[%swap3A_144, %swap3A_145] {strides = array<i32>} : memref<32x1536xf32, #tpu.memory_space<vmem>>, vector<16xf32>,
        tpu.vector_store %arg9[%swap3A_144, %swap3A_145], %mul3A_142 {strides = array<i32>} : memref<32x1536xf32, #tpu.memory_space<vmem>>, vector<16xf32>,
        %get3A_147 = arith.constant 3 : i32
        %get3A_148 = arith.index_cast %get3A_147 : i32 to index
        %get3A_149 = arith.index_cast %mul3A_114 : i32 to index
        %get3A_150 = tpu.vector_load %arg9[%get3A_148, %get3A_149] {strides = array<i32>} : memref<32x1536xf32, #tpu.memory_space<vmem>>, vector<16xf32>,
        %mul3A_151 = arith.constant 6.400000e+01 : f32
        %mul3A_152 = vector.broadcast %mul3A_151 : f32 to vector<16xf32>
        %mul3A_153 = arith.mulf %get3A_150, %mul3A_152 : vector<16xf32>
        %swap3A_154 = arith.constant 3 : i32
        %swap3A_155 = arith.index_cast %swap3A_154 : i32 to index
        %swap3A_156 = arith.index_cast %mul3A_114 : i32 to index
        %swap3A_157 = tpu.vector_load %arg9[%swap3A_155, %swap3A_156] {strides = array<i32>} : memref<32x1536xf32, #tpu.memory_space<vmem>>, vector<16xf32>,
        tpu.vector_store %arg9[%swap3A_155, %swap3A_156], %mul3A_153 {strides = array<i32>} : memref<32x1536xf32, #tpu.memory_space<vmem>>, vector<16xf32>,
        %get3A_158 = arith.constant 4 : i32
        %get3A_159 = arith.index_cast %get3A_158 : i32 to index
        %get3A_160 = arith.index_cast %mul3A_114 : i32 to index
        %get3A_161 = tpu.vector_load %arg9[%get3A_159, %get3A_160] {strides = array<i32>} : memref<32x1536xf32, #tpu.memory_space<vmem>>, vector<16xf32>,
        %mul3A_162 = arith.constant 6.400000e+01 : f32
        %mul3A_163 = vector.broadcast %mul3A_162 : f32 to vector<16xf32>
        %mul3A_164 = arith.mulf %get3A_161, %mul3A_163 : vector<16xf32>
        %swap3A_165 = arith.constant 4 : i32
        %swap3A_166 = arith.index_cast %swap3A_165 : i32 to index
        %swap3A_167 = arith.index_cast %mul3A_114 : i32 to index
        %swap3A_168 = tpu.vector_load %arg9[%swap3A_166, %swap3A_167] {strides = array<i32>} : memref<32x1536xf32, #tpu.memory_space<vmem>>, vector<16xf32>,
        tpu.vector_store %arg9[%swap3A_166, %swap3A_167], %mul3A_164 {strides = array<i32>} : memref<32x1536xf32, #tpu.memory_space<vmem>>, vector<16xf32>,
        %get3A_169 = arith.constant 5 : i32
        %get3A_170 = arith.index_cast %get3A_169 : i32 to index
        %get3A_171 = arith.index_cast %mul3A_114 : i32 to index
        %get3A_172 = tpu.vector_load %arg9[%get3A_170, %get3A_171] {strides = array<i32>} : memref<32x1536xf32, #tpu.memory_space<vmem>>, vector<16xf32>,
        %mul3A_173 = arith.constant 6.400000e+01 : f32
        %mul3A_174 = vector.broadcast %mul3A_173 : f32 to vector<16xf32>
        %mul3A_175 = arith.mulf %get3A_172, %mul3A_174 : vector<16xf32>
        %swap3A_176 = arith.constant 5 : i32
        %swap3A_177 = arith.index_cast %swap3A_176 : i32 to index
        %swap3A_178 = arith.index_cast %mul3A_114 : i32 to index
        %swap3A_179 = tpu.vector_load %arg9[%swap3A_177, %swap3A_178] {strides = array<i32>} : memref<32x1536xf32, #tpu.memory_space<vmem>>, vector<16xf32>,
        tpu.vector_store %arg9[%swap3A_177, %swap3A_178], %mul3A_175 {strides = array<i32>} : memref<32x1536xf32, #tpu.memory_space<vmem>>, vector<16xf32>,
        %get3A_180 = arith.constant 6 : i32
        %get3A_181 = arith.index_cast %get3A_180 : i32 to index
        %get3A_182 = arith.index_cast %mul3A_114 : i32 to index
        %get3A_183 = tpu.vector_load %arg9[%get3A_181, %get3A_182] {strides = array<i32>} : memref<32x1536xf32, #tpu.memory_space<vmem>>, vector<16xf32>,
        %mul3A_184 = arith.constant 6.400000e+01 : f32
        %mul3A_185 = vector.broadcast %mul3A_184 : f32 to vector<16xf32>
        %mul3A_186 = arith.mulf %get3A_183, %mul3A_185 : vector<16xf32>
        %swap3A_187 = arith.constant 6 : i32
        %swap3A_188 = arith.index_cast %swap3A_187 : i32 to index
        %swap3A_189 = arith.index_cast %mul3A_114 : i32 to index
        %swap3A_190 = tpu.vector_load %arg9[%swap3A_188, %swap3A_189] {strides = array<i32>} : memref<32x1536xf32, #tpu.memory_space<vmem>>, vector<16xf32>,
        tpu.vector_store %arg9[%swap3A_188, %swap3A_189], %mul3A_186 {strides = array<i32>} : memref<32x1536xf32, #tpu.memory_space<vmem>>, vector<16xf32>,
        %get3A_191 = arith.constant 7 : i32
        %get3A_192 = arith.index_cast %get3A_191 : i32 to index
        %get3A_193 = arith.index_cast %mul3A_114 : i32 to index
        %get3A_194 = tpu.vector_load %arg9[%get3A_192, %get3A_193] {strides = array<i32>} : memref<32x1536xf32, #tpu.memory_space<vmem>>, vector<16xf32>,
        %mul3A_195 = arith.constant 6.400000e+01 : f32
        %mul3A_196 = vector.broadcast %mul3A_195 : f32 to vector<16xf32>
        %mul3A_197 = arith.mulf %get3A_194, %mul3A_196 : vector<16xf32>
        %swap3A_198 = arith.constant 7 : i32
        %swap3A_199 = arith.index_cast %swap3A_198 : i32 to index
        %swap3A_200 = arith.index_cast %mul3A_114 : i32 to index
        %swap3A_201 = tpu.vector_load %arg9[%swap3A_199, %swap3A_200] {strides = array<i32>} : memref<32x1536xf32, #tpu.memory_space<vmem>>, vector<16xf32>,
        tpu.vector_store %arg9[%swap3A_199, %swap3A_200], %mul3A_197 {strides = array<i32>} : memref<32x1536xf32, #tpu.memory_space<vmem>>, vector<16xf32>,
        %get3A_202 = arith.constant 8 : i32
        %get3A_203 = arith.index_cast %get3A_202 : i32 to index
        %get3A_204 = arith.index_cast %mul3A_114 : i32 to index
        %get3A_205 = tpu.vector_load %arg9[%get3A_203, %get3A_204] {strides = array<i32>} : memref<32x1536xf32, #tpu.memory_space<vmem>>, vector<16xf32>,
        %mul3A_206 = arith.constant 6.400000e+01 : f32
        %mul3A_207 = vector.broadcast %mul3A_206 : f32 to vector<16xf32>
        %mul3A_208 = arith.mulf %get3A_205, %mul3A_207 : vector<16xf32>
        %swap3A_209 = arith.constant 8 : i32
        %swap3A_210 = arith.index_cast %swap3A_209 : i32 to index
        %swap3A_211 = arith.index_cast %mul3A_114 : i32 to index
        %swap3A_212 = tpu.vector_load %arg9[%swap3A_210, %swap3A_211] {strides = array<i32>} : memref<32x1536xf32, #tpu.memory_space<vmem>>, vector<16xf32>,
        tpu.vector_store %arg9[%swap3A_210, %swap3A_211], %mul3A_208 {strides = array<i32>} : memref<32x1536xf32, #tpu.memory_space<vmem>>, vector<16xf32>,
        %get3A_213 = arith.constant 9 : i32
        %get3A_214 = arith.index_cast %get3A_213 : i32 to index
        %get3A_215 = arith.index_cast %mul3A_114 : i32 to index
        %get3A_216 = tpu.vector_load %arg9[%get3A_214, %get3A_215] {strides = array<i32>} : memref<32x1536xf32, #tpu.memory_space<vmem>>, vector<16xf32>,
        %mul3A_217 = arith.constant 6.400000e+01 : f32
        %mul3A_218 = vector.broadcast %mul3A_217 : f32 to vector<16xf32>
        %mul3A_219 = arith.mulf %get3A_216, %mul3A_218 : vector<16xf32>
        %swap3A_220 = arith.constant 9 : i32
        %swap3A_221 = arith.index_cast %swap3A_220 : i32 to index
        %swap3A_222 = arith.index_cast %mul3A_114 : i32 to index
        %swap3A_223 = tpu.vector_load %arg9[%swap3A_221, %swap3A_222] {strides = array<i32>} : memref<32x1536xf32, #tpu.memory_space<vmem>>, vector<16xf32>,
        tpu.vector_store %arg9[%swap3A_221, %swap3A_222], %mul3A_219 {strides = array<i32>} : memref<32x1536xf32, #tpu.memory_space<vmem>>, vector<16xf32>,
        %get3A_224 = arith.constant 10 : i32
        %get3A_225 = arith.index_cast %get3A_224 : i32 to index
        %get3A_226 = arith.index_cast %mul3A_114 : i32 to index
        %get3A_227 = tpu.vector_load %arg9[%get3A_225, %get3A_226] {strides = array<i32>} : memref<32x1536xf32, #tpu.memory_space<vmem>>, vector<16xf32>,
        %mul3A_228 = arith.constant 6.400000e+01 : f32
        %mul3A_229 = vector.broadcast %mul3A_228 : f32 to vector<16xf32>
        %mul3A_230 = arith.mulf %get3A_227, %mul3A_229 : vector<16xf32>
        %swap3A_231 = arith.constant 10 : i32
        %swap3A_232 = arith.index_cast %swap3A_231 : i32 to index
        %swap3A_233 = arith.index_cast %mul3A_114 : i32 to index
        %swap3A_234 = tpu.vector_load %arg9[%swap3A_232, %swap3A_233] {strides = array<i32>} : memref<32x1536xf32, #tpu.memory_space<vmem>>, vector<16xf32>,
        tpu.vector_store %arg9[%swap3A_232, %swap3A_233], %mul3A_230 {strides = array<i32>} : memref<32x1536xf32, #tpu.memory_space<vmem>>, vector<16xf32>,
        %get3A_235 = arith.constant 11 : i32
        %get3A_236 = arith.index_cast %get3A_235 : i32 to index
        %get3A_237 = arith.index_cast %mul3A_114 : i32 to index
        %get3A_238 = tpu.vector_load %arg9[%get3A_236, %get3A_237] {strides = array<i32>} : memref<32x1536xf32, #tpu.memory_space<vmem>>, vector<16xf32>,
        %mul3A_239 = arith.constant 6.400000e+01 : f32
        %mul3A_240 = vector.broadcast %mul3A_239 : f32 to vector<16xf32>
        %mul3A_241 = arith.mulf %get3A_238, %mul3A_240 : vector<16xf32>
        %swap3A_242 = arith.constant 11 : i32
        %swap3A_243 = arith.index_cast %swap3A_242 : i32 to index
        %swap3A_244 = arith.index_cast %mul3A_114 : i32 to index
        %swap3A_245 = tpu.vector_load %arg9[%swap3A_243, %swap3A_244] {strides = array<i32>} : memref<32x1536xf32, #tpu.memory_space<vmem>>, vector<16xf32>,
        tpu.vector_store %arg9[%swap3A_243, %swap3A_244], %mul3A_241 {strides = array<i32>} : memref<32x1536xf32, #tpu.memory_space<vmem>>, vector<16xf32>,
        %get3A_246 = arith.constant 12 : i32
        %get3A_247 = arith.index_cast %get3A_246 : i32 to index
        %get3A_248 = arith.index_cast %mul3A_114 : i32 to index
        %get3A_249 = tpu.vector_load %arg9[%get3A_247, %get3A_248] {strides = array<i32>} : memref<32x1536xf32, #tpu.memory_space<vmem>>, vector<16xf32>,
        %mul3A_250 = arith.constant 6.400000e+01 : f32
        %mul3A_251 = vector.broadcast %mul3A_250 : f32 to vector<16xf32>
        %mul3A_252 = arith.mulf %get3A_249, %mul3A_251 : vector<16xf32>
        %swap3A_253 = arith.constant 12 : i32
        %swap3A_254 = arith.index_cast %swap3A_253 : i32 to index
        %swap3A_255 = arith.index_cast %mul3A_114 : i32 to index
        %swap3A_256 = tpu.vector_load %arg9[%swap3A_254, %swap3A_255] {strides = array<i32>} : memref<32x1536xf32, #tpu.memory_space<vmem>>, vector<16xf32>,
        tpu.vector_store %arg9[%swap3A_254, %swap3A_255], %mul3A_252 {strides = array<i32>} : memref<32x1536xf32, #tpu.memory_space<vmem>>, vector<16xf32>,
        %get3A_257 = arith.constant 13 : i32
        %get3A_258 = arith.index_cast %get3A_257 : i32 to index
        %get3A_259 = arith.index_cast %mul3A_114 : i32 to index
        %get3A_260 = tpu.vector_load %arg9[%get3A_258, %get3A_259] {strides = array<i32>} : memref<32x1536xf32, #tpu.memory_space<vmem>>, vector<16xf32>,
        %mul3A_261 = arith.constant 6.400000e+01 : f32
        %mul3A_262 = vector.broadcast %mul3A_261 : f32 to vector<16xf32>
        %mul3A_263 = arith.mulf %get3A_260, %mul3A_262 : vector<16xf32>
        %swap3A_264 = arith.constant 13 : i32
        %swap3A_265 = arith.index_cast %swap3A_264 : i32 to index
        %swap3A_266 = arith.index_cast %mul3A_114 : i32 to index
        %swap3A_267 = tpu.vector_load %arg9[%swap3A_265, %swap3A_266] {strides = array<i32>} : memref<32x1536xf32, #tpu.memory_space<vmem>>, vector<16xf32>,
        tpu.vector_store %arg9[%swap3A_265, %swap3A_266], %mul3A_263 {strides = array<i32>} : memref<32x1536xf32, #tpu.memory_space<vmem>>, vector<16xf32>,
        %get3A_268 = arith.constant 14 : i32
        %get3A_269 = arith.index_cast %get3A_268 : i32 to index
        %get3A_270 = arith.index_cast %mul3A_114 : i32 to index
        %get3A_271 = tpu.vector_load %arg9[%get3A_269, %get3A_270] {strides = array<i32>} : memref<32x1536xf32, #tpu.memory_space<vmem>>, vector<16xf32>,
        %mul3A_272 = arith.constant 6.400000e+01 : f32
        %mul3A_273 = vector.broadcast %mul3A_272 : f32 to vector<16xf32>
        %mul3A_274 = arith.mulf %get3A_271, %mul3A_273 : vector<16xf32>
        %swap3A_275 = arith.constant 14 : i32
        %swap3A_276 = arith.index_cast %swap3A_275 : i32 to index
        %swap3A_277 = arith.index_cast %mul3A_114 : i32 to index
        %swap3A_278 = tpu.vector_load %arg9[%swap3A_276, %swap3A_277] {strides = array<i32>} : memref<32x1536xf32, #tpu.memory_space<vmem>>, vector<16xf32>,
        tpu.vector_store %arg9[%swap3A_276, %swap3A_277], %mul3A_274 {strides = array<i32>} : memref<32x1536xf32, #tpu.memory_space<vmem>>, vector<16xf32>,
        %get3A_279 = arith.constant 15 : i32
        %get3A_280 = arith.index_cast %get3A_279 : i32 to index
        %get3A_281 = arith.index_cast %mul3A_114 : i32 to index
        %get3A_282 = tpu.vector_load %arg9[%get3A_280, %get3A_281] {strides = array<i32>} : memref<32x1536xf32, #tpu.memory_space<vmem>>, vector<16xf32>,
        %mul3A_283 = arith.constant 6.400000e+01 : f32
        %mul3A_284 = vector.broadcast %mul3A_283 : f32 to vector<16xf32>
        %mul3A_285 = arith.mulf %get3A_282, %mul3A_284 : vector<16xf32>
        %swap3A_286 = arith.constant 15 : i32
        %swap3A_287 = arith.index_cast %swap3A_286 : i32 to index
        %swap3A_288 = arith.index_cast %mul3A_114 : i32 to index
        %swap3A_289 = tpu.vector_load %arg9[%swap3A_287, %swap3A_288] {strides = array<i32>} : memref<32x1536xf32, #tpu.memory_space<vmem>>, vector<16xf32>,
        tpu.vector_store %arg9[%swap3A_287, %swap3A_288], %mul3A_285 {strides = array<i32>} : memref<32x1536xf32, #tpu.memory_space<vmem>>, vector<16xf32>,
        %get3A_290 = arith.constant 16 : i32
        %get3A_291 = arith.index_cast %get3A_290 : i32 to index
        %get3A_292 = arith.index_cast %mul3A_114 : i32 to index
        %get3A_293 = tpu.vector_load %arg9[%get3A_291, %get3A_292] {strides = array<i32>} : memref<32x1536xf32, #tpu.memory_space<vmem>>, vector<16xf32>,
        %mul3A_294 = arith.constant 6.400000e+01 : f32
        %mul3A_295 = vector.broadcast %mul3A_294 : f32 to vector<16xf32>
        %mul3A_296 = arith.mulf %get3A_293, %mul3A_295 : vector<16xf32>
        %swap3A_297 = arith.constant 16 : i32
        %swap3A_298 = arith.index_cast %swap3A_297 : i32 to index
        %swap3A_299 = arith.index_cast %mul3A_114 : i32 to index
        %swap3A_300 = tpu.vector_load %arg9[%swap3A_298, %swap3A_299] {strides = array<i32>} : memref<32x1536xf32, #tpu.memory_space<vmem>>, vector<16xf32>,
        tpu.vector_store %arg9[%swap3A_298, %swap3A_299], %mul3A_296 {strides = array<i32>} : memref<32x1536xf32, #tpu.memory_space<vmem>>, vector<16xf32>,
        %get3A_301 = arith.constant 17 : i32
        %get3A_302 = arith.index_cast %get3A_301 : i32 to index
        %get3A_303 = arith.index_cast %mul3A_114 : i32 to index
        %get3A_304 = tpu.vector_load %arg9[%get3A_302, %get3A_303] {strides = array<i32>} : memref<32x1536xf32, #tpu.memory_space<vmem>>, vector<16xf32>,
        %mul3A_305 = arith.constant 6.400000e+01 : f32
        %mul3A_306 = vector.broadcast %mul3A_305 : f32 to vector<16xf32>
        %mul3A_307 = arith.mulf %get3A_304, %mul3A_306 : vector<16xf32>
        %swap3A_308 = arith.constant 17 : i32
        %swap3A_309 = arith.index_cast %swap3A_308 : i32 to index
        %swap3A_310 = arith.index_cast %mul3A_114 : i32 to index
        %swap3A_311 = tpu.vector_load %arg9[%swap3A_309, %swap3A_310] {strides = array<i32>} : memref<32x1536xf32, #tpu.memory_space<vmem>>, vector<16xf32>,
        tpu.vector_store %arg9[%swap3A_309, %swap3A_310], %mul3A_307 {strides = array<i32>} : memref<32x1536xf32, #tpu.memory_space<vmem>>, vector<16xf32>,
        %get3A_312 = arith.constant 18 : i32
        %get3A_313 = arith.index_cast %get3A_312 : i32 to index
        %get3A_314 = arith.index_cast %mul3A_114 : i32 to index
        %get3A_315 = tpu.vector_load %arg9[%get3A_313, %get3A_314] {strides = array<i32>} : memref<32x1536xf32, #tpu.memory_space<vmem>>, vector<16xf32>,
        %mul3A_316 = arith.constant 6.400000e+01 : f32
        %mul3A_317 = vector.broadcast %mul3A_316 : f32 to vector<16xf32>
        %mul3A_318 = arith.mulf %get3A_315, %mul3A_317 : vector<16xf32>
        %swap3A_319 = arith.constant 18 : i32
        %swap3A_320 = arith.index_cast %swap3A_319 : i32 to index
        %swap3A_321 = arith.index_cast %mul3A_114 : i32 to index
        %swap3A_322 = tpu.vector_load %arg9[%swap3A_320, %swap3A_321] {strides = array<i32>} : memref<32x1536xf32, #tpu.memory_space<vmem>>, vector<16xf32>,
        tpu.vector_store %arg9[%swap3A_320, %swap3A_321], %mul3A_318 {strides = array<i32>} : memref<32x1536xf32, #tpu.memory_space<vmem>>, vector<16xf32>,
        %get3A_323 = arith.constant 19 : i32
        %get3A_324 = arith.index_cast %get3A_323 : i32 to index
        %get3A_325 = arith.index_cast %mul3A_114 : i32 to index
        %get3A_326 = tpu.vector_load %arg9[%get3A_324, %get3A_325] {strides = array<i32>} : memref<32x1536xf32, #tpu.memory_space<vmem>>, vector<16xf32>,
        %mul3A_327 = arith.constant 6.400000e+01 : f32
        %mul3A_328 = vector.broadcast %mul3A_327 : f32 to vector<16xf32>
        %mul3A_329 = arith.mulf %get3A_326, %mul3A_328 : vector<16xf32>
        %swap3A_330 = arith.constant 19 : i32
        %swap3A_331 = arith.index_cast %swap3A_330 : i32 to index
        %swap3A_332 = arith.index_cast %mul3A_114 : i32 to index
        %swap3A_333 = tpu.vector_load %arg9[%swap3A_331, %swap3A_332] {strides = array<i32>} : memref<32x1536xf32, #tpu.memory_space<vmem>>, vector<16xf32>,
        tpu.vector_store %arg9[%swap3A_331, %swap3A_332], %mul3A_329 {strides = array<i32>} : memref<32x1536xf32, #tpu.memory_space<vmem>>, vector<16xf32>,
        %get3A_334 = arith.constant 20 : i32
        %get3A_335 = arith.index_cast %get3A_334 : i32 to index
        %get3A_336 = arith.index_cast %mul3A_114 : i32 to index
        %get3A_337 = tpu.vector_load %arg9[%get3A_335, %get3A_336] {strides = array<i32>} : memref<32x1536xf32, #tpu.memory_space<vmem>>, vector<16xf32>,
        %mul3A_338 = arith.constant 6.400000e+01 : f32
        %mul3A_339 = vector.broadcast %mul3A_338 : f32 to vector<16xf32>
        %mul3A_340 = arith.mulf %get3A_337, %mul3A_339 : vector<16xf32>
        %swap3A_341 = arith.constant 20 : i32
        %swap3A_342 = arith.index_cast %swap3A_341 : i32 to index
        %swap3A_343 = arith.index_cast %mul3A_114 : i32 to index
        %swap3A_344 = tpu.vector_load %arg9[%swap3A_342, %swap3A_343] {strides = array<i32>} : memref<32x1536xf32, #tpu.memory_space<vmem>>, vector<16xf32>,
        tpu.vector_store %arg9[%swap3A_342, %swap3A_343], %mul3A_340 {strides = array<i32>} : memref<32x1536xf32, #tpu.memory_space<vmem>>, vector<16xf32>,
        %get3A_345 = arith.constant 21 : i32
        %get3A_346 = arith.index_cast %get3A_345 : i32 to index
        %get3A_347 = arith.index_cast %mul3A_114 : i32 to index
        %get3A_348 = tpu.vector_load %arg9[%get3A_346, %get3A_347] {strides = array<i32>} : memref<32x1536xf32, #tpu.memory_space<vmem>>, vector<16xf32>,
        %mul3A_349 = arith.constant 6.400000e+01 : f32
        %mul3A_350 = vector.broadcast %mul3A_349 : f32 to vector<16xf32>
        %mul3A_351 = arith.mulf %get3A_348, %mul3A_350 : vector<16xf32>
        %swap3A_352 = arith.constant 21 : i32
        %swap3A_353 = arith.index_cast %swap3A_352 : i32 to index
        %swap3A_354 = arith.index_cast %mul3A_114 : i32 to index
        %swap3A_355 = tpu.vector_load %arg9[%swap3A_353, %swap3A_354] {strides = array<i32>} : memref<32x1536xf32, #tpu.memory_space<vmem>>, vector<16xf32>,
        tpu.vector_store %arg9[%swap3A_353, %swap3A_354], %mul3A_351 {strides = array<i32>} : memref<32x1536xf32, #tpu.memory_space<vmem>>, vector<16xf32>,
        %get3A_356 = arith.constant 22 : i32
        %get3A_357 = arith.index_cast %get3A_356 : i32 to index
        %get3A_358 = arith.index_cast %mul3A_114 : i32 to index
        %get3A_359 = tpu.vector_load %arg9[%get3A_357, %get3A_358] {strides = array<i32>} : memref<32x1536xf32, #tpu.memory_space<vmem>>, vector<16xf32>,
        %mul3A_360 = arith.constant 6.400000e+01 : f32
        %mul3A_361 = vector.broadcast %mul3A_360 : f32 to vector<16xf32>
        %mul3A_362 = arith.mulf %get3A_359, %mul3A_361 : vector<16xf32>
        %swap3A_363 = arith.constant 22 : i32
        %swap3A_364 = arith.index_cast %swap3A_363 : i32 to index
        %swap3A_365 = arith.index_cast %mul3A_114 : i32 to index
        %swap3A_366 = tpu.vector_load %arg9[%swap3A_364, %swap3A_365] {strides = array<i32>} : memref<32x1536xf32, #tpu.memory_space<vmem>>, vector<16xf32>,
        tpu.vector_store %arg9[%swap3A_364, %swap3A_365], %mul3A_362 {strides = array<i32>} : memref<32x1536xf32, #tpu.memory_space<vmem>>, vector<16xf32>,
        %get3A_367 = arith.constant 23 : i32
        %get3A_368 = arith.index_cast %get3A_367 : i32 to index
        %get3A_369 = arith.index_cast %mul3A_114 : i32 to index
        %get3A_370 = tpu.vector_load %arg9[%get3A_368, %get3A_369] {strides = array<i32>} : memref<32x1536xf32, #tpu.memory_space<vmem>>, vector<16xf32>,
        %mul3A_371 = arith.constant 6.400000e+01 : f32
        %mul3A_372 = vector.broadcast %mul3A_371 : f32 to vector<16xf32>
        %mul3A_373 = arith.mulf %get3A_370, %mul3A_372 : vector<16xf32>
        %swap3A_374 = arith.constant 23 : i32
        %swap3A_375 = arith.index_cast %swap3A_374 : i32 to index
        %swap3A_376 = arith.index_cast %mul3A_114 : i32 to index
        %swap3A_377 = tpu.vector_load %arg9[%swap3A_375, %swap3A_376] {strides = array<i32>} : memref<32x1536xf32, #tpu.memory_space<vmem>>, vector<16xf32>,
        tpu.vector_store %arg9[%swap3A_375, %swap3A_376], %mul3A_373 {strides = array<i32>} : memref<32x1536xf32, #tpu.memory_space<vmem>>, vector<16xf32>,
        %get3A_378 = arith.constant 24 : i32
        %get3A_379 = arith.index_cast %get3A_378 : i32 to index
        %get3A_380 = arith.index_cast %mul3A_114 : i32 to index
        %get3A_381 = tpu.vector_load %arg9[%get3A_379, %get3A_380] {strides = array<i32>} : memref<32x1536xf32, #tpu.memory_space<vmem>>, vector<16xf32>,
        %mul3A_382 = arith.constant 6.400000e+01 : f32
        %mul3A_383 = vector.broadcast %mul3A_382 : f32 to vector<16xf32>
        %mul3A_384 = arith.mulf %get3A_381, %mul3A_383 : vector<16xf32>
        %swap3A_385 = arith.constant 24 : i32
        %swap3A_386 = arith.index_cast %swap3A_385 : i32 to index
        %swap3A_387 = arith.index_cast %mul3A_114 : i32 to index
        %swap3A_388 = tpu.vector_load %arg9[%swap3A_386, %swap3A_387] {strides = array<i32>} : memref<32x1536xf32, #tpu.memory_space<vmem>>, vector<16xf32>,
        tpu.vector_store %arg9[%swap3A_386, %swap3A_387], %mul3A_384 {strides = array<i32>} : memref<32x1536xf32, #tpu.memory_space<vmem>>, vector<16xf32>,
        %get3A_389 = arith.constant 25 : i32
        %get3A_390 = arith.index_cast %get3A_389 : i32 to index
        %get3A_391 = arith.index_cast %mul3A_114 : i32 to index
        %get3A_392 = tpu.vector_load %arg9[%get3A_390, %get3A_391] {strides = array<i32>} : memref<32x1536xf32, #tpu.memory_space<vmem>>, vector<16xf32>,
        %mul3A_393 = arith.constant 6.400000e+01 : f32
        %mul3A_394 = vector.broadcast %mul3A_393 : f32 to vector<16xf32>
        %mul3A_395 = arith.mulf %get3A_392, %mul3A_394 : vector<16xf32>
        %swap3A_396 = arith.constant 25 : i32
        %swap3A_397 = arith.index_cast %swap3A_396 : i32 to index
        %swap3A_398 = arith.index_cast %mul3A_114 : i32 to index
        %swap3A_399 = tpu.vector_load %arg9[%swap3A_397, %swap3A_398] {strides = array<i32>} : memref<32x1536xf32, #tpu.memory_space<vmem>>, vector<16xf32>,
        tpu.vector_store %arg9[%swap3A_397, %swap3A_398], %mul3A_395 {strides = array<i32>} : memref<32x1536xf32, #tpu.memory_space<vmem>>, vector<16xf32>,
        %get3A_400 = arith.constant 26 : i32
        %get3A_401 = arith.index_cast %get3A_400 : i32 to index
        %get3A_402 = arith.index_cast %mul3A_114 : i32 to index
        %get3A_403 = tpu.vector_load %arg9[%get3A_401, %get3A_402] {strides = array<i32>} : memref<32x1536xf32, #tpu.memory_space<vmem>>, vector<16xf32>,
        %mul3A_404 = arith.constant 6.400000e+01 : f32
        %mul3A_405 = vector.broadcast %mul3A_404 : f32 to vector<16xf32>
        %mul3A_406 = arith.mulf %get3A_403, %mul3A_405 : vector<16xf32>
        %swap3A_407 = arith.constant 26 : i32
        %swap3A_408 = arith.index_cast %swap3A_407 : i32 to index
        %swap3A_409 = arith.index_cast %mul3A_114 : i32 to index
        %swap3A_410 = tpu.vector_load %arg9[%swap3A_408, %swap3A_409] {strides = array<i32>} : memref<32x1536xf32, #tpu.memory_space<vmem>>, vector<16xf32>,
        tpu.vector_store %arg9[%swap3A_408, %swap3A_409], %mul3A_406 {strides = array<i32>} : memref<32x1536xf32, #tpu.memory_space<vmem>>, vector<16xf32>,
        %get3A_411 = arith.constant 27 : i32
        %get3A_412 = arith.index_cast %get3A_411 : i32 to index
        %get3A_413 = arith.index_cast %mul3A_114 : i32 to index
        %get3A_414 = tpu.vector_load %arg9[%get3A_412, %get3A_413] {strides = array<i32>} : memref<32x1536xf32, #tpu.memory_space<vmem>>, vector<16xf32>,
        %mul3A_415 = arith.constant 6.400000e+01 : f32
        %mul3A_416 = vector.broadcast %mul3A_415 : f32 to vector<16xf32>
        %mul3A_417 = arith.mulf %get3A_414, %mul3A_416 : vector<16xf32>
        %swap3A_418 = arith.constant 27 : i32
        %swap3A_419 = arith.index_cast %swap3A_418 : i32 to index
        %swap3A_420 = arith.index_cast %mul3A_114 : i32 to index
        %swap3A_421 = tpu.vector_load %arg9[%swap3A_419, %swap3A_420] {strides = array<i32>} : memref<32x1536xf32, #tpu.memory_space<vmem>>, vector<16xf32>,
        tpu.vector_store %arg9[%swap3A_419, %swap3A_420], %mul3A_417 {strides = array<i32>} : memref<32x1536xf32, #tpu.memory_space<vmem>>, vector<16xf32>,
        %get3A_422 = arith.constant 28 : i32
        %get3A_423 = arith.index_cast %get3A_422 : i32 to index
        %get3A_424 = arith.index_cast %mul3A_114 : i32 to index
        %get3A_425 = tpu.vector_load %arg9[%get3A_423, %get3A_424] {strides = array<i32>} : memref<32x1536xf32, #tpu.memory_space<vmem>>, vector<16xf32>,
        %mul3A_426 = arith.constant 6.400000e+01 : f32
        %mul3A_427 = vector.broadcast %mul3A_426 : f32 to vector<16xf32>
        %mul3A_428 = arith.mulf %get3A_425, %mul3A_427 : vector<16xf32>
        %swap3A_429 = arith.constant 28 : i32
        %swap3A_430 = arith.index_cast %swap3A_429 : i32 to index
        %swap3A_431 = arith.index_cast %mul3A_114 : i32 to index
        %swap3A_432 = tpu.vector_load %arg9[%swap3A_430, %swap3A_431] {strides = array<i32>} : memref<32x1536xf32, #tpu.memory_space<vmem>>, vector<16xf32>,
        tpu.vector_store %arg9[%swap3A_430, %swap3A_431], %mul3A_428 {strides = array<i32>} : memref<32x1536xf32, #tpu.memory_space<vmem>>, vector<16xf32>,
        %get3A_433 = arith.constant 29 : i32
        %get3A_434 = arith.index_cast %get3A_433 : i32 to index
        %get3A_435 = arith.index_cast %mul3A_114 : i32 to index
        %get3A_436 = tpu.vector_load %arg9[%get3A_434, %get3A_435] {strides = array<i32>} : memref<32x1536xf32, #tpu.memory_space<vmem>>, vector<16xf32>,
        %mul3A_437 = arith.constant 6.400000e+01 : f32
        %mul3A_438 = vector.broadcast %mul3A_437 : f32 to vector<16xf32>
        %mul3A_439 = arith.mulf %get3A_436, %mul3A_438 : vector<16xf32>
        %swap3A_440 = arith.constant 29 : i32
        %swap3A_441 = arith.index_cast %swap3A_440 : i32 to index
        %swap3A_442 = arith.index_cast %mul3A_114 : i32 to index
        %swap3A_443 = tpu.vector_load %arg9[%swap3A_441, %swap3A_442] {strides = array<i32>} : memref<32x1536xf32, #tpu.memory_space<vmem>>, vector<16xf32>,
        tpu.vector_store %arg9[%swap3A_441, %swap3A_442], %mul3A_439 {strides = array<i32>} : memref<32x1536xf32, #tpu.memory_space<vmem>>, vector<16xf32>,
        %get3A_444 = arith.constant 30 : i32
        %get3A_445 = arith.index_cast %get3A_444 : i32 to index
        %get3A_446 = arith.index_cast %mul3A_114 : i32 to index
        %get3A_447 = tpu.vector_load %arg9[%get3A_445, %get3A_446] {strides = array<i32>} : memref<32x1536xf32, #tpu.memory_space<vmem>>, vector<16xf32>,
        %mul3A_448 = arith.constant 6.400000e+01 : f32
        %mul3A_449 = vector.broadcast %mul3A_448 : f32 to vector<16xf32>
        %mul3A_450 = arith.mulf %get3A_447, %mul3A_449 : vector<16xf32>
        %swap3A_451 = arith.constant 30 : i32
        %swap3A_452 = arith.index_cast %swap3A_451 : i32 to index
        %swap3A_453 = arith.index_cast %mul3A_114 : i32 to index
        %swap3A_454 = tpu.vector_load %arg9[%swap3A_452, %swap3A_453] {strides = array<i32>} : memref<32x1536xf32, #tpu.memory_space<vmem>>, vector<16xf32>,
        tpu.vector_store %arg9[%swap3A_452, %swap3A_453], %mul3A_450 {strides = array<i32>} : memref<32x1536xf32, #tpu.memory_space<vmem>>, vector<16xf32>,
        %get3A_455 = arith.constant 31 : i32
        %get3A_456 = arith.index_cast %get3A_455 : i32 to index
        %get3A_457 = arith.index_cast %mul3A_114 : i32 to index
        %get3A_458 = tpu.vector_load %arg9[%get3A_456, %get3A_457] {strides = array<i32>} : memref<32x1536xf32, #tpu.memory_space<vmem>>, vector<16xf32>,
        %mul3A_459 = arith.constant 6.400000e+01 : f32
        %mul3A_460 = vector.broadcast %mul3A_459 : f32 to vector<16xf32>
        %mul3A_461 = arith.mulf %get3A_458, %mul3A_460 : vector<16xf32>
        %swap3A_462 = arith.constant 31 : i32
        %swap3A_463 = arith.index_cast %swap3A_462 : i32 to index
        %swap3A_464 = arith.index_cast %mul3A_114 : i32 to index
        %swap3A_465 = tpu.vector_load %arg9[%swap3A_463, %swap3A_464] {strides = array<i32>} : memref<32x1536xf32, #tpu.memory_space<vmem>>, vector<16xf32>,
        tpu.vector_store %arg9[%swap3A_463, %swap3A_464], %mul3A_461 {strides = array<i32>} : memref<32x1536xf32, #tpu.memory_space<vmem>>, vector<16xf32>,
      }
      %scan3A_69 = arith.constant 96 : i32
      %get3A_70 = arith.constant 0 : index
      %get3A_71 = tpu.vector_load %arg6[%get3A_70] {strides = array<i32>} : memref<32xi32, #tpu.memory_space<vmem>>, vector<16xi32>,
      %get3A_72 = arith.constant 0 : index
      %get3A_73 = tpu.vector_load %arg7[%get3A_72] {strides = array<i32>} : memref<32xf32, #tpu.memory_space<vmem>>, vector<16xf32>,
      %iota3A_74 = tpu.iota {dimensions = array<i32: 0>} : vector<16xi32>
      %add3A_75 = arith.constant 0 : i32
      %add3A_76 = vector.broadcast %add3A_75 : i32 to vector<16xi32>
      %add3A_77 = arith.addi %iota3A_74, %add3A_76 : vector<16xi32>
      %ge3A_78 = vector.broadcast %multiple_of3A_60 : i32 to vector<16xi32>
      %ge3A_79 = arith.cmpi sge, %get3A_71, %ge3A_78 : vector<16xi32>
      %add3A_80 = arith.constant 1536 : i32
      %add3A_81 = arith.addi %multiple_of3A_60, %add3A_80 : i32
      %lt3A_82 = vector.broadcast %add3A_81 : i32 to vector<16xi32>
      %lt3A_83 = arith.cmpi slt, %get3A_71, %lt3A_82 : vector<16xi32>
      %and3A_84 = arith.andi %ge3A_79, %lt3A_83 : vector<16xi1>
      %sub3A_85 = vector.broadcast %multiple_of3A_60 : i32 to vector<16xi32>
      %sub3A_86 = arith.subi %get3A_71, %sub3A_85 : vector<16xi32>
      tpu.vector_store_idx %arg9[%add3A_77, %sub3A_86], %get3A_73 masked %and3A_84 : memref<32x1536xf32, #tpu.memory_space<vmem>>[vector<16xi32>, vector<16xi32>], vector<16xf32>, vector<16xi1>
      %get3A_87 = arith.constant 16 : index
      %get3A_88 = tpu.vector_load %arg6[%get3A_87] {strides = array<i32>} : memref<32xi32, #tpu.memory_space<vmem>>, vector<16xi32>,
      %get3A_89 = arith.constant 16 : index
      %get3A_90 = tpu.vector_load %arg7[%get3A_89] {strides = array<i32>} : memref<32xf32, #tpu.memory_space<vmem>>, vector<16xf32>,
      %iota3A_91 = tpu.iota {dimensions = array<i32: 0>} : vector<16xi32>
      %add3A_92 = arith.constant 16 : i32
      %add3A_93 = vector.broadcast %add3A_92 : i32 to vector<16xi32>
      %add3A_94 = arith.addi %iota3A_91, %add3A_93 : vector<16xi32>
      %ge3A_95 = vector.broadcast %multiple_of3A_60 : i32 to vector<16xi32>
      %ge3A_96 = arith.cmpi sge, %get3A_88, %ge3A_95 : vector<16xi32>
      %add3A_97 = arith.constant 1536 : i32
      %add3A_98 = arith.addi %multiple_of3A_60, %add3A_97 : i32
      %lt3A_99 = vector.broadcast %add3A_98 : i32 to vector<16xi32>
      %lt3A_100 = arith.cmpi slt, %get3A_88, %lt3A_99 : vector<16xi32>
      %and3A_101 = arith.andi %ge3A_96, %lt3A_100 : vector<16xi1>
      %sub3A_102 = vector.broadcast %multiple_of3A_60 : i32 to vector<16xi32>
      %sub3A_103 = arith.subi %get3A_88, %sub3A_102 : vector<16xi32>
      tpu.vector_store_idx %arg9[%add3A_94, %sub3A_103], %get3A_90 masked %and3A_101 : memref<32x1536xf32, #tpu.memory_space<vmem>>[vector<16xi32>, vector<16xi32>], vector<16xf32>, vector<16xi1>
      %dma_start3A_104 = tpu.memref_slice %arg5[%multiple_of3A, %multiple_of3A_60] : memref<1024x100000xf32, #tpu.memory_space<hbm>> -> memref<32x1536xf32, #tpu.memory_space<hbm>>
      %dma_start3A_105 = tpu.memref_slice %arg5[%multiple_of3A, %multiple_of3A_60] : memref<1024x100000xf32, #tpu.memory_space<hbm>> -> memref<32x1536xf32, #tpu.memory_space<hbm>>
      tpu.enqueue_dma source(%arg9 : memref<32x1536xf32, #tpu.memory_space<vmem>>) target(%dma_start3A_105 : memref<32x1536xf32, #tpu.memory_space<hbm>>) target_semaphore(%arg13 : memref<!tpu.dma_semaphore, #tpu.memory_space<semaphore_mem>>)
      %dma_wait3A_106 = tpu.memref_slice %arg5[%multiple_of3A, %multiple_of3A_60] : memref<1024x100000xf32, #tpu.memory_space<hbm>> -> memref<32x1536xf32, #tpu.memory_space<hbm>>
      %dma_wait3A_107 = tpu.memref_slice %arg5[%multiple_of3A, %multiple_of3A_60] : memref<1024x100000xf32, #tpu.memory_space<hbm>> -> memref<32x1536xf32, #tpu.memory_space<hbm>>
      tpu.wait_dma2 semaphore(%arg13 : memref<!tpu.dma_semaphore, #tpu.memory_space<semaphore_mem>>) src(%arg9 : memref<32x1536xf32, #tpu.memory_space<vmem>>) dst(%dma_wait3A_107 : memref<32x1536xf32, #tpu.memory_space<hbm>>)
    }
    %scan3A_6 = arith.constant 32 : i32
    return
  }
}

#map = affine_map<(d0, d1) -> (0, 0)>
#map1 = affine_map<(d0, d1) -> (0)>
module attributes {stable_mosaic.version = 14 : i64} {
  func.func @_sc_gather_body(%arg0: i32, %arg1: i32, %arg2: memref<1024x100000xf32, #tpu.memory_space<hbm>>, %arg3: memref<1024xi32, #tpu.memory_space<hbm>>, %arg4: memref<1024xf32, #tpu.memory_space<hbm>>, %arg5: memref<32xi32, #tpu.memory_space<vmem>>, %arg6: memref<256x128xf32, #tpu.memory_space<vmem>>, %arg7: memref<32xf32, #tpu.memory_space<vmem>>, %arg8: memref<!tpu.dma_semaphore, #tpu.memory_space<semaphore_mem>>) attributes {dimension_semantics = [#tpu.dimension_semantics<core_parallel>, #tpu.dimension_semantics<subcore_parallel>], iteration_bounds = array<i64: 2, 16>, scalar_prefetch = 0 : i64, scratch_operands = 4 : i64, tpu.core_type = #tpu.core_type<sc_vector_subcore>, window_params = [{transform_indices = #map}, {transform_indices = #map1}, {transform_indices = #map1}]} {
    %mul3A = arith.constant 2 : i32
    %mul3A_0 = arith.muli %arg1, %mul3A : i32
    %add3A = arith.addi %mul3A_0, %arg0 : i32
    %mul3A_1 = arith.constant 32 : i32
    %mul3A_2 = arith.muli %add3A, %mul3A_1 : i32
    "tpu.region"() ({
      %run_scoped3A = tpu.sem_alloc : memref<!tpu.dma_semaphore, #tpu.memory_space<semaphore_mem>>
      %dma_start3A_964 = tpu.memref_slice %arg3[%mul3A_2] : memref<1024xi32, #tpu.memory_space<hbm>> -> memref<32xi32, #tpu.memory_space<hbm>>
      %dma_start3A_965 = tpu.memref_slice %arg3[%mul3A_2] : memref<1024xi32, #tpu.memory_space<hbm>> -> memref<32xi32, #tpu.memory_space<hbm>>
      tpu.enqueue_dma source(%dma_start3A_965 : memref<32xi32, #tpu.memory_space<hbm>>) target(%arg5 : memref<32xi32, #tpu.memory_space<vmem>>) target_semaphore(%run_scoped3A : memref<!tpu.dma_semaphore, #tpu.memory_space<semaphore_mem>>)
      %dma_wait3A_966 = tpu.memref_slice %arg3[%mul3A_2] : memref<1024xi32, #tpu.memory_space<hbm>> -> memref<32xi32, #tpu.memory_space<hbm>>
      %dma_wait3A_967 = tpu.memref_slice %arg3[%mul3A_2] : memref<1024xi32, #tpu.memory_space<hbm>> -> memref<32xi32, #tpu.memory_space<hbm>>
      tpu.wait_dma2 semaphore(%run_scoped3A : memref<!tpu.dma_semaphore, #tpu.memory_space<semaphore_mem>>) src(%dma_wait3A_967 : memref<32xi32, #tpu.memory_space<hbm>>) dst(%arg5 : memref<32xi32, #tpu.memory_space<vmem>>)
      tpu.yield
    }) : () -> ()
    %get3A = arith.constant 0 : index
    %get3A_3 = tpu.vector_load %arg5[%get3A] {strides = array<i32>} : memref<32xi32, #tpu.memory_space<vmem>>, vector<16xi32>,
    %max3A = arith.constant 0 : i32
    %max3A_4 = vector.broadcast %max3A : i32 to vector<16xi32>
    %max3A_5 = arith.maxsi %get3A_3, %max3A_4 : vector<16xi32>
    %slice3A = vector.extract_strided_slice %max3A_5 {offsets = [0], sizes = [1], strides = [1]} : vector<16xi32> to vector<1xi32>
    %squeeze3A = vector.extract %slice3A[0] : i32 from vector<1xi32>
    %and3A = arith.constant -128 : i32
    %and3A_6 = arith.andi %squeeze3A, %and3A : i32
    %multiple_of3A = tpu.assume_multiple %and3A_6, 128 : i32
    %add3A_7 = arith.constant 0 : i32
    %add3A_8 = arith.addi %mul3A_2, %add3A_7 : i32
    %multiple_of3A_9 = tpu.assume_multiple %add3A_8, 8 : i32
    %dma_start3A = arith.constant 0 : i32
    %dma_start3A_10 = arith.constant 0 : i32
    %dma_start3A_11 = tpu.memref_slice %arg6[%dma_start3A, %dma_start3A_10] : memref<256x128xf32, #tpu.memory_space<vmem>> -> memref<8x128xf32, #tpu.memory_space<vmem>>
    %dma_start3A_12 = tpu.memref_slice %arg2[%multiple_of3A_9, %multiple_of3A] : memref<1024x100000xf32, #tpu.memory_space<hbm>> -> memref<8x128xf32, #tpu.memory_space<hbm>>
    %dma_start3A_13 = arith.constant 0 : i32
    %dma_start3A_14 = arith.constant 0 : i32
    %dma_start3A_15 = tpu.memref_slice %arg6[%dma_start3A_13, %dma_start3A_14] : memref<256x128xf32, #tpu.memory_space<vmem>> -> memref<8x128xf32, #tpu.memory_space<vmem>>
    %dma_start3A_16 = tpu.memref_slice %arg2[%multiple_of3A_9, %multiple_of3A] : memref<1024x100000xf32, #tpu.memory_space<hbm>> -> memref<8x128xf32, #tpu.memory_space<hbm>>
    tpu.enqueue_dma source(%dma_start3A_16 : memref<8x128xf32, #tpu.memory_space<hbm>>) target(%dma_start3A_15 : memref<8x128xf32, #tpu.memory_space<vmem>>) target_semaphore(%arg8 : memref<!tpu.dma_semaphore, #tpu.memory_space<semaphore_mem>>)
    %get3A_17 = arith.constant 0 : index
    %get3A_18 = tpu.vector_load %arg5[%get3A_17] {strides = array<i32>} : memref<32xi32, #tpu.memory_space<vmem>>, vector<16xi32>,
    %max3A_19 = arith.constant 0 : i32
    %max3A_20 = vector.broadcast %max3A_19 : i32 to vector<16xi32>
    %max3A_21 = arith.maxsi %get3A_18, %max3A_20 : vector<16xi32>
    %slice3A_22 = vector.extract_strided_slice %max3A_21 {offsets = [1], sizes = [1], strides = [1]} : vector<16xi32> to vector<1xi32>
    %squeeze3A_23 = vector.extract %slice3A_22[0] : i32 from vector<1xi32>
    %and3A_24 = arith.constant -128 : i32
    %and3A_25 = arith.andi %squeeze3A_23, %and3A_24 : i32
    %multiple_of3A_26 = tpu.assume_multiple %and3A_25, 128 : i32
    %add3A_27 = arith.constant 0 : i32
    %add3A_28 = arith.addi %mul3A_2, %add3A_27 : i32
    %multiple_of3A_29 = tpu.assume_multiple %add3A_28, 8 : i32
    %dma_start3A_30 = arith.constant 8 : i32
    %dma_start3A_31 = arith.constant 0 : i32
    %dma_start3A_32 = tpu.memref_slice %arg6[%dma_start3A_30, %dma_start3A_31] : memref<256x128xf32, #tpu.memory_space<vmem>> -> memref<8x128xf32, #tpu.memory_space<vmem>>
    %dma_start3A_33 = tpu.memref_slice %arg2[%multiple_of3A_29, %multiple_of3A_26] : memref<1024x100000xf32, #tpu.memory_space<hbm>> -> memref<8x128xf32, #tpu.memory_space<hbm>>
    %dma_start3A_34 = arith.constant 8 : i32
    %dma_start3A_35 = arith.constant 0 : i32
    %dma_start3A_36 = tpu.memref_slice %arg6[%dma_start3A_34, %dma_start3A_35] : memref<256x128xf32, #tpu.memory_space<vmem>> -> memref<8x128xf32, #tpu.memory_space<vmem>>
    %dma_start3A_37 = tpu.memref_slice %arg2[%multiple_of3A_29, %multiple_of3A_26] : memref<1024x100000xf32, #tpu.memory_space<hbm>> -> memref<8x128xf32, #tpu.memory_space<hbm>>
    tpu.enqueue_dma source(%dma_start3A_37 : memref<8x128xf32, #tpu.memory_space<hbm>>) target(%dma_start3A_36 : memref<8x128xf32, #tpu.memory_space<vmem>>) target_semaphore(%arg8 : memref<!tpu.dma_semaphore, #tpu.memory_space<semaphore_mem>>)
    %get3A_38 = arith.constant 0 : index
    %get3A_39 = tpu.vector_load %arg5[%get3A_38] {strides = array<i32>} : memref<32xi32, #tpu.memory_space<vmem>>, vector<16xi32>,
    %max3A_40 = arith.constant 0 : i32
    %max3A_41 = vector.broadcast %max3A_40 : i32 to vector<16xi32>
    %max3A_42 = arith.maxsi %get3A_39, %max3A_41 : vector<16xi32>
    %slice3A_43 = vector.extract_strided_slice %max3A_42 {offsets = [2], sizes = [1], strides = [1]} : vector<16xi32> to vector<1xi32>
    %squeeze3A_44 = vector.extract %slice3A_43[0] : i32 from vector<1xi32>
    %and3A_45 = arith.constant -128 : i32
    %and3A_46 = arith.andi %squeeze3A_44, %and3A_45 : i32
    %multiple_of3A_47 = tpu.assume_multiple %and3A_46, 128 : i32
    %add3A_48 = arith.constant 0 : i32
    %add3A_49 = arith.addi %mul3A_2, %add3A_48 : i32
    %multiple_of3A_50 = tpu.assume_multiple %add3A_49, 8 : i32
    %dma_start3A_51 = arith.constant 16 : i32
    %dma_start3A_52 = arith.constant 0 : i32
    %dma_start3A_53 = tpu.memref_slice %arg6[%dma_start3A_51, %dma_start3A_52] : memref<256x128xf32, #tpu.memory_space<vmem>> -> memref<8x128xf32, #tpu.memory_space<vmem>>
    %dma_start3A_54 = tpu.memref_slice %arg2[%multiple_of3A_50, %multiple_of3A_47] : memref<1024x100000xf32, #tpu.memory_space<hbm>> -> memref<8x128xf32, #tpu.memory_space<hbm>>
    %dma_start3A_55 = arith.constant 16 : i32
    %dma_start3A_56 = arith.constant 0 : i32
    %dma_start3A_57 = tpu.memref_slice %arg6[%dma_start3A_55, %dma_start3A_56] : memref<256x128xf32, #tpu.memory_space<vmem>> -> memref<8x128xf32, #tpu.memory_space<vmem>>
    %dma_start3A_58 = tpu.memref_slice %arg2[%multiple_of3A_50, %multiple_of3A_47] : memref<1024x100000xf32, #tpu.memory_space<hbm>> -> memref<8x128xf32, #tpu.memory_space<hbm>>
    tpu.enqueue_dma source(%dma_start3A_58 : memref<8x128xf32, #tpu.memory_space<hbm>>) target(%dma_start3A_57 : memref<8x128xf32, #tpu.memory_space<vmem>>) target_semaphore(%arg8 : memref<!tpu.dma_semaphore, #tpu.memory_space<semaphore_mem>>)
    %get3A_59 = arith.constant 0 : index
    %get3A_60 = tpu.vector_load %arg5[%get3A_59] {strides = array<i32>} : memref<32xi32, #tpu.memory_space<vmem>>, vector<16xi32>,
    %max3A_61 = arith.constant 0 : i32
    %max3A_62 = vector.broadcast %max3A_61 : i32 to vector<16xi32>
    %max3A_63 = arith.maxsi %get3A_60, %max3A_62 : vector<16xi32>
    %slice3A_64 = vector.extract_strided_slice %max3A_63 {offsets = [3], sizes = [1], strides = [1]} : vector<16xi32> to vector<1xi32>
    %squeeze3A_65 = vector.extract %slice3A_64[0] : i32 from vector<1xi32>
    %and3A_66 = arith.constant -128 : i32
    %and3A_67 = arith.andi %squeeze3A_65, %and3A_66 : i32
    %multiple_of3A_68 = tpu.assume_multiple %and3A_67, 128 : i32
    %add3A_69 = arith.constant 0 : i32
    %add3A_70 = arith.addi %mul3A_2, %add3A_69 : i32
    %multiple_of3A_71 = tpu.assume_multiple %add3A_70, 8 : i32
    %dma_start3A_72 = arith.constant 24 : i32
    %dma_start3A_73 = arith.constant 0 : i32
    %dma_start3A_74 = tpu.memref_slice %arg6[%dma_start3A_72, %dma_start3A_73] : memref<256x128xf32, #tpu.memory_space<vmem>> -> memref<8x128xf32, #tpu.memory_space<vmem>>
    %dma_start3A_75 = tpu.memref_slice %arg2[%multiple_of3A_71, %multiple_of3A_68] : memref<1024x100000xf32, #tpu.memory_space<hbm>> -> memref<8x128xf32, #tpu.memory_space<hbm>>
    %dma_start3A_76 = arith.constant 24 : i32
    %dma_start3A_77 = arith.constant 0 : i32
    %dma_start3A_78 = tpu.memref_slice %arg6[%dma_start3A_76, %dma_start3A_77] : memref<256x128xf32, #tpu.memory_space<vmem>> -> memref<8x128xf32, #tpu.memory_space<vmem>>
    %dma_start3A_79 = tpu.memref_slice %arg2[%multiple_of3A_71, %multiple_of3A_68] : memref<1024x100000xf32, #tpu.memory_space<hbm>> -> memref<8x128xf32, #tpu.memory_space<hbm>>
    tpu.enqueue_dma source(%dma_start3A_79 : memref<8x128xf32, #tpu.memory_space<hbm>>) target(%dma_start3A_78 : memref<8x128xf32, #tpu.memory_space<vmem>>) target_semaphore(%arg8 : memref<!tpu.dma_semaphore, #tpu.memory_space<semaphore_mem>>)
    %get3A_80 = arith.constant 0 : index
    %get3A_81 = tpu.vector_load %arg5[%get3A_80] {strides = array<i32>} : memref<32xi32, #tpu.memory_space<vmem>>, vector<16xi32>,
    %max3A_82 = arith.constant 0 : i32
    %max3A_83 = vector.broadcast %max3A_82 : i32 to vector<16xi32>
    %max3A_84 = arith.maxsi %get3A_81, %max3A_83 : vector<16xi32>
    %slice3A_85 = vector.extract_strided_slice %max3A_84 {offsets = [4], sizes = [1], strides = [1]} : vector<16xi32> to vector<1xi32>
    %squeeze3A_86 = vector.extract %slice3A_85[0] : i32 from vector<1xi32>
    %and3A_87 = arith.constant -128 : i32
    %and3A_88 = arith.andi %squeeze3A_86, %and3A_87 : i32
    %multiple_of3A_89 = tpu.assume_multiple %and3A_88, 128 : i32
    %add3A_90 = arith.constant 0 : i32
    %add3A_91 = arith.addi %mul3A_2, %add3A_90 : i32
    %multiple_of3A_92 = tpu.assume_multiple %add3A_91, 8 : i32
    %dma_start3A_93 = arith.constant 32 : i32
    %dma_start3A_94 = arith.constant 0 : i32
    %dma_start3A_95 = tpu.memref_slice %arg6[%dma_start3A_93, %dma_start3A_94] : memref<256x128xf32, #tpu.memory_space<vmem>> -> memref<8x128xf32, #tpu.memory_space<vmem>>
    %dma_start3A_96 = tpu.memref_slice %arg2[%multiple_of3A_92, %multiple_of3A_89] : memref<1024x100000xf32, #tpu.memory_space<hbm>> -> memref<8x128xf32, #tpu.memory_space<hbm>>
    %dma_start3A_97 = arith.constant 32 : i32
    %dma_start3A_98 = arith.constant 0 : i32
    %dma_start3A_99 = tpu.memref_slice %arg6[%dma_start3A_97, %dma_start3A_98] : memref<256x128xf32, #tpu.memory_space<vmem>> -> memref<8x128xf32, #tpu.memory_space<vmem>>
    %dma_start3A_100 = tpu.memref_slice %arg2[%multiple_of3A_92, %multiple_of3A_89] : memref<1024x100000xf32, #tpu.memory_space<hbm>> -> memref<8x128xf32, #tpu.memory_space<hbm>>
    tpu.enqueue_dma source(%dma_start3A_100 : memref<8x128xf32, #tpu.memory_space<hbm>>) target(%dma_start3A_99 : memref<8x128xf32, #tpu.memory_space<vmem>>) target_semaphore(%arg8 : memref<!tpu.dma_semaphore, #tpu.memory_space<semaphore_mem>>)
    %get3A_101 = arith.constant 0 : index
    %get3A_102 = tpu.vector_load %arg5[%get3A_101] {strides = array<i32>} : memref<32xi32, #tpu.memory_space<vmem>>, vector<16xi32>,
    %max3A_103 = arith.constant 0 : i32
    %max3A_104 = vector.broadcast %max3A_103 : i32 to vector<16xi32>
    %max3A_105 = arith.maxsi %get3A_102, %max3A_104 : vector<16xi32>
    %slice3A_106 = vector.extract_strided_slice %max3A_105 {offsets = [5], sizes = [1], strides = [1]} : vector<16xi32> to vector<1xi32>
    %squeeze3A_107 = vector.extract %slice3A_106[0] : i32 from vector<1xi32>
    %and3A_108 = arith.constant -128 : i32
    %and3A_109 = arith.andi %squeeze3A_107, %and3A_108 : i32
    %multiple_of3A_110 = tpu.assume_multiple %and3A_109, 128 : i32
    %add3A_111 = arith.constant 0 : i32
    %add3A_112 = arith.addi %mul3A_2, %add3A_111 : i32
    %multiple_of3A_113 = tpu.assume_multiple %add3A_112, 8 : i32
    %dma_start3A_114 = arith.constant 40 : i32
    %dma_start3A_115 = arith.constant 0 : i32
    %dma_start3A_116 = tpu.memref_slice %arg6[%dma_start3A_114, %dma_start3A_115] : memref<256x128xf32, #tpu.memory_space<vmem>> -> memref<8x128xf32, #tpu.memory_space<vmem>>
    %dma_start3A_117 = tpu.memref_slice %arg2[%multiple_of3A_113, %multiple_of3A_110] : memref<1024x100000xf32, #tpu.memory_space<hbm>> -> memref<8x128xf32, #tpu.memory_space<hbm>>
    %dma_start3A_118 = arith.constant 40 : i32
    %dma_start3A_119 = arith.constant 0 : i32
    %dma_start3A_120 = tpu.memref_slice %arg6[%dma_start3A_118, %dma_start3A_119] : memref<256x128xf32, #tpu.memory_space<vmem>> -> memref<8x128xf32, #tpu.memory_space<vmem>>
    %dma_start3A_121 = tpu.memref_slice %arg2[%multiple_of3A_113, %multiple_of3A_110] : memref<1024x100000xf32, #tpu.memory_space<hbm>> -> memref<8x128xf32, #tpu.memory_space<hbm>>
    tpu.enqueue_dma source(%dma_start3A_121 : memref<8x128xf32, #tpu.memory_space<hbm>>) target(%dma_start3A_120 : memref<8x128xf32, #tpu.memory_space<vmem>>) target_semaphore(%arg8 : memref<!tpu.dma_semaphore, #tpu.memory_space<semaphore_mem>>)
    %get3A_122 = arith.constant 0 : index
    %get3A_123 = tpu.vector_load %arg5[%get3A_122] {strides = array<i32>} : memref<32xi32, #tpu.memory_space<vmem>>, vector<16xi32>,
    %max3A_124 = arith.constant 0 : i32
    %max3A_125 = vector.broadcast %max3A_124 : i32 to vector<16xi32>
    %max3A_126 = arith.maxsi %get3A_123, %max3A_125 : vector<16xi32>
    %slice3A_127 = vector.extract_strided_slice %max3A_126 {offsets = [6], sizes = [1], strides = [1]} : vector<16xi32> to vector<1xi32>
    %squeeze3A_128 = vector.extract %slice3A_127[0] : i32 from vector<1xi32>
    %and3A_129 = arith.constant -128 : i32
    %and3A_130 = arith.andi %squeeze3A_128, %and3A_129 : i32
    %multiple_of3A_131 = tpu.assume_multiple %and3A_130, 128 : i32
    %add3A_132 = arith.constant 0 : i32
    %add3A_133 = arith.addi %mul3A_2, %add3A_132 : i32
    %multiple_of3A_134 = tpu.assume_multiple %add3A_133, 8 : i32
    %dma_start3A_135 = arith.constant 48 : i32
    %dma_start3A_136 = arith.constant 0 : i32
    %dma_start3A_137 = tpu.memref_slice %arg6[%dma_start3A_135, %dma_start3A_136] : memref<256x128xf32, #tpu.memory_space<vmem>> -> memref<8x128xf32, #tpu.memory_space<vmem>>
    %dma_start3A_138 = tpu.memref_slice %arg2[%multiple_of3A_134, %multiple_of3A_131] : memref<1024x100000xf32, #tpu.memory_space<hbm>> -> memref<8x128xf32, #tpu.memory_space<hbm>>
    %dma_start3A_139 = arith.constant 48 : i32
    %dma_start3A_140 = arith.constant 0 : i32
    %dma_start3A_141 = tpu.memref_slice %arg6[%dma_start3A_139, %dma_start3A_140] : memref<256x128xf32, #tpu.memory_space<vmem>> -> memref<8x128xf32, #tpu.memory_space<vmem>>
    %dma_start3A_142 = tpu.memref_slice %arg2[%multiple_of3A_134, %multiple_of3A_131] : memref<1024x100000xf32, #tpu.memory_space<hbm>> -> memref<8x128xf32, #tpu.memory_space<hbm>>
    tpu.enqueue_dma source(%dma_start3A_142 : memref<8x128xf32, #tpu.memory_space<hbm>>) target(%dma_start3A_141 : memref<8x128xf32, #tpu.memory_space<vmem>>) target_semaphore(%arg8 : memref<!tpu.dma_semaphore, #tpu.memory_space<semaphore_mem>>)
    %get3A_143 = arith.constant 0 : index
    %get3A_144 = tpu.vector_load %arg5[%get3A_143] {strides = array<i32>} : memref<32xi32, #tpu.memory_space<vmem>>, vector<16xi32>,
    %max3A_145 = arith.constant 0 : i32
    %max3A_146 = vector.broadcast %max3A_145 : i32 to vector<16xi32>
    %max3A_147 = arith.maxsi %get3A_144, %max3A_146 : vector<16xi32>
    %slice3A_148 = vector.extract_strided_slice %max3A_147 {offsets = [7], sizes = [1], strides = [1]} : vector<16xi32> to vector<1xi32>
    %squeeze3A_149 = vector.extract %slice3A_148[0] : i32 from vector<1xi32>
    %and3A_150 = arith.constant -128 : i32
    %and3A_151 = arith.andi %squeeze3A_149, %and3A_150 : i32
    %multiple_of3A_152 = tpu.assume_multiple %and3A_151, 128 : i32
    %add3A_153 = arith.constant 0 : i32
    %add3A_154 = arith.addi %mul3A_2, %add3A_153 : i32
    %multiple_of3A_155 = tpu.assume_multiple %add3A_154, 8 : i32
    %dma_start3A_156 = arith.constant 56 : i32
    %dma_start3A_157 = arith.constant 0 : i32
    %dma_start3A_158 = tpu.memref_slice %arg6[%dma_start3A_156, %dma_start3A_157] : memref<256x128xf32, #tpu.memory_space<vmem>> -> memref<8x128xf32, #tpu.memory_space<vmem>>
    %dma_start3A_159 = tpu.memref_slice %arg2[%multiple_of3A_155, %multiple_of3A_152] : memref<1024x100000xf32, #tpu.memory_space<hbm>> -> memref<8x128xf32, #tpu.memory_space<hbm>>
    %dma_start3A_160 = arith.constant 56 : i32
    %dma_start3A_161 = arith.constant 0 : i32
    %dma_start3A_162 = tpu.memref_slice %arg6[%dma_start3A_160, %dma_start3A_161] : memref<256x128xf32, #tpu.memory_space<vmem>> -> memref<8x128xf32, #tpu.memory_space<vmem>>
    %dma_start3A_163 = tpu.memref_slice %arg2[%multiple_of3A_155, %multiple_of3A_152] : memref<1024x100000xf32, #tpu.memory_space<hbm>> -> memref<8x128xf32, #tpu.memory_space<hbm>>
    tpu.enqueue_dma source(%dma_start3A_163 : memref<8x128xf32, #tpu.memory_space<hbm>>) target(%dma_start3A_162 : memref<8x128xf32, #tpu.memory_space<vmem>>) target_semaphore(%arg8 : memref<!tpu.dma_semaphore, #tpu.memory_space<semaphore_mem>>)
    %get3A_164 = arith.constant 0 : index
    %get3A_165 = tpu.vector_load %arg5[%get3A_164] {strides = array<i32>} : memref<32xi32, #tpu.memory_space<vmem>>, vector<16xi32>,
    %max3A_166 = arith.constant 0 : i32
    %max3A_167 = vector.broadcast %max3A_166 : i32 to vector<16xi32>
    %max3A_168 = arith.maxsi %get3A_165, %max3A_167 : vector<16xi32>
    %slice3A_169 = vector.extract_strided_slice %max3A_168 {offsets = [8], sizes = [1], strides = [1]} : vector<16xi32> to vector<1xi32>
    %squeeze3A_170 = vector.extract %slice3A_169[0] : i32 from vector<1xi32>
    %and3A_171 = arith.constant -128 : i32
    %and3A_172 = arith.andi %squeeze3A_170, %and3A_171 : i32
    %multiple_of3A_173 = tpu.assume_multiple %and3A_172, 128 : i32
    %add3A_174 = arith.constant 8 : i32
    %add3A_175 = arith.addi %mul3A_2, %add3A_174 : i32
    %multiple_of3A_176 = tpu.assume_multiple %add3A_175, 8 : i32
    %dma_start3A_177 = arith.constant 64 : i32
    %dma_start3A_178 = arith.constant 0 : i32
    %dma_start3A_179 = tpu.memref_slice %arg6[%dma_start3A_177, %dma_start3A_178] : memref<256x128xf32, #tpu.memory_space<vmem>> -> memref<8x128xf32, #tpu.memory_space<vmem>>
    %dma_start3A_180 = tpu.memref_slice %arg2[%multiple_of3A_176, %multiple_of3A_173] : memref<1024x100000xf32, #tpu.memory_space<hbm>> -> memref<8x128xf32, #tpu.memory_space<hbm>>
    %dma_start3A_181 = arith.constant 64 : i32
    %dma_start3A_182 = arith.constant 0 : i32
    %dma_start3A_183 = tpu.memref_slice %arg6[%dma_start3A_181, %dma_start3A_182] : memref<256x128xf32, #tpu.memory_space<vmem>> -> memref<8x128xf32, #tpu.memory_space<vmem>>
    %dma_start3A_184 = tpu.memref_slice %arg2[%multiple_of3A_176, %multiple_of3A_173] : memref<1024x100000xf32, #tpu.memory_space<hbm>> -> memref<8x128xf32, #tpu.memory_space<hbm>>
    tpu.enqueue_dma source(%dma_start3A_184 : memref<8x128xf32, #tpu.memory_space<hbm>>) target(%dma_start3A_183 : memref<8x128xf32, #tpu.memory_space<vmem>>) target_semaphore(%arg8 : memref<!tpu.dma_semaphore, #tpu.memory_space<semaphore_mem>>)
    %get3A_185 = arith.constant 0 : index
    %get3A_186 = tpu.vector_load %arg5[%get3A_185] {strides = array<i32>} : memref<32xi32, #tpu.memory_space<vmem>>, vector<16xi32>,
    %max3A_187 = arith.constant 0 : i32
    %max3A_188 = vector.broadcast %max3A_187 : i32 to vector<16xi32>
    %max3A_189 = arith.maxsi %get3A_186, %max3A_188 : vector<16xi32>
    %slice3A_190 = vector.extract_strided_slice %max3A_189 {offsets = [9], sizes = [1], strides = [1]} : vector<16xi32> to vector<1xi32>
    %squeeze3A_191 = vector.extract %slice3A_190[0] : i32 from vector<1xi32>
    %and3A_192 = arith.constant -128 : i32
    %and3A_193 = arith.andi %squeeze3A_191, %and3A_192 : i32
    %multiple_of3A_194 = tpu.assume_multiple %and3A_193, 128 : i32
    %add3A_195 = arith.constant 8 : i32
    %add3A_196 = arith.addi %mul3A_2, %add3A_195 : i32
    %multiple_of3A_197 = tpu.assume_multiple %add3A_196, 8 : i32
    %dma_start3A_198 = arith.constant 72 : i32
    %dma_start3A_199 = arith.constant 0 : i32
    %dma_start3A_200 = tpu.memref_slice %arg6[%dma_start3A_198, %dma_start3A_199] : memref<256x128xf32, #tpu.memory_space<vmem>> -> memref<8x128xf32, #tpu.memory_space<vmem>>
    %dma_start3A_201 = tpu.memref_slice %arg2[%multiple_of3A_197, %multiple_of3A_194] : memref<1024x100000xf32, #tpu.memory_space<hbm>> -> memref<8x128xf32, #tpu.memory_space<hbm>>
    %dma_start3A_202 = arith.constant 72 : i32
    %dma_start3A_203 = arith.constant 0 : i32
    %dma_start3A_204 = tpu.memref_slice %arg6[%dma_start3A_202, %dma_start3A_203] : memref<256x128xf32, #tpu.memory_space<vmem>> -> memref<8x128xf32, #tpu.memory_space<vmem>>
    %dma_start3A_205 = tpu.memref_slice %arg2[%multiple_of3A_197, %multiple_of3A_194] : memref<1024x100000xf32, #tpu.memory_space<hbm>> -> memref<8x128xf32, #tpu.memory_space<hbm>>
    tpu.enqueue_dma source(%dma_start3A_205 : memref<8x128xf32, #tpu.memory_space<hbm>>) target(%dma_start3A_204 : memref<8x128xf32, #tpu.memory_space<vmem>>) target_semaphore(%arg8 : memref<!tpu.dma_semaphore, #tpu.memory_space<semaphore_mem>>)
    %get3A_206 = arith.constant 0 : index
    %get3A_207 = tpu.vector_load %arg5[%get3A_206] {strides = array<i32>} : memref<32xi32, #tpu.memory_space<vmem>>, vector<16xi32>,
    %max3A_208 = arith.constant 0 : i32
    %max3A_209 = vector.broadcast %max3A_208 : i32 to vector<16xi32>
    %max3A_210 = arith.maxsi %get3A_207, %max3A_209 : vector<16xi32>
    %slice3A_211 = vector.extract_strided_slice %max3A_210 {offsets = [10], sizes = [1], strides = [1]} : vector<16xi32> to vector<1xi32>
    %squeeze3A_212 = vector.extract %slice3A_211[0] : i32 from vector<1xi32>
    %and3A_213 = arith.constant -128 : i32
    %and3A_214 = arith.andi %squeeze3A_212, %and3A_213 : i32
    %multiple_of3A_215 = tpu.assume_multiple %and3A_214, 128 : i32
    %add3A_216 = arith.constant 8 : i32
    %add3A_217 = arith.addi %mul3A_2, %add3A_216 : i32
    %multiple_of3A_218 = tpu.assume_multiple %add3A_217, 8 : i32
    %dma_start3A_219 = arith.constant 80 : i32
    %dma_start3A_220 = arith.constant 0 : i32
    %dma_start3A_221 = tpu.memref_slice %arg6[%dma_start3A_219, %dma_start3A_220] : memref<256x128xf32, #tpu.memory_space<vmem>> -> memref<8x128xf32, #tpu.memory_space<vmem>>
    %dma_start3A_222 = tpu.memref_slice %arg2[%multiple_of3A_218, %multiple_of3A_215] : memref<1024x100000xf32, #tpu.memory_space<hbm>> -> memref<8x128xf32, #tpu.memory_space<hbm>>
    %dma_start3A_223 = arith.constant 80 : i32
    %dma_start3A_224 = arith.constant 0 : i32
    %dma_start3A_225 = tpu.memref_slice %arg6[%dma_start3A_223, %dma_start3A_224] : memref<256x128xf32, #tpu.memory_space<vmem>> -> memref<8x128xf32, #tpu.memory_space<vmem>>
    %dma_start3A_226 = tpu.memref_slice %arg2[%multiple_of3A_218, %multiple_of3A_215] : memref<1024x100000xf32, #tpu.memory_space<hbm>> -> memref<8x128xf32, #tpu.memory_space<hbm>>
    tpu.enqueue_dma source(%dma_start3A_226 : memref<8x128xf32, #tpu.memory_space<hbm>>) target(%dma_start3A_225 : memref<8x128xf32, #tpu.memory_space<vmem>>) target_semaphore(%arg8 : memref<!tpu.dma_semaphore, #tpu.memory_space<semaphore_mem>>)
    %get3A_227 = arith.constant 0 : index
    %get3A_228 = tpu.vector_load %arg5[%get3A_227] {strides = array<i32>} : memref<32xi32, #tpu.memory_space<vmem>>, vector<16xi32>,
    %max3A_229 = arith.constant 0 : i32
    %max3A_230 = vector.broadcast %max3A_229 : i32 to vector<16xi32>
    %max3A_231 = arith.maxsi %get3A_228, %max3A_230 : vector<16xi32>
    %slice3A_232 = vector.extract_strided_slice %max3A_231 {offsets = [11], sizes = [1], strides = [1]} : vector<16xi32> to vector<1xi32>
    %squeeze3A_233 = vector.extract %slice3A_232[0] : i32 from vector<1xi32>
    %and3A_234 = arith.constant -128 : i32
    %and3A_235 = arith.andi %squeeze3A_233, %and3A_234 : i32
    %multiple_of3A_236 = tpu.assume_multiple %and3A_235, 128 : i32
    %add3A_237 = arith.constant 8 : i32
    %add3A_238 = arith.addi %mul3A_2, %add3A_237 : i32
    %multiple_of3A_239 = tpu.assume_multiple %add3A_238, 8 : i32
    %dma_start3A_240 = arith.constant 88 : i32
    %dma_start3A_241 = arith.constant 0 : i32
    %dma_start3A_242 = tpu.memref_slice %arg6[%dma_start3A_240, %dma_start3A_241] : memref<256x128xf32, #tpu.memory_space<vmem>> -> memref<8x128xf32, #tpu.memory_space<vmem>>
    %dma_start3A_243 = tpu.memref_slice %arg2[%multiple_of3A_239, %multiple_of3A_236] : memref<1024x100000xf32, #tpu.memory_space<hbm>> -> memref<8x128xf32, #tpu.memory_space<hbm>>
    %dma_start3A_244 = arith.constant 88 : i32
    %dma_start3A_245 = arith.constant 0 : i32
    %dma_start3A_246 = tpu.memref_slice %arg6[%dma_start3A_244, %dma_start3A_245] : memref<256x128xf32, #tpu.memory_space<vmem>> -> memref<8x128xf32, #tpu.memory_space<vmem>>
    %dma_start3A_247 = tpu.memref_slice %arg2[%multiple_of3A_239, %multiple_of3A_236] : memref<1024x100000xf32, #tpu.memory_space<hbm>> -> memref<8x128xf32, #tpu.memory_space<hbm>>
    tpu.enqueue_dma source(%dma_start3A_247 : memref<8x128xf32, #tpu.memory_space<hbm>>) target(%dma_start3A_246 : memref<8x128xf32, #tpu.memory_space<vmem>>) target_semaphore(%arg8 : memref<!tpu.dma_semaphore, #tpu.memory_space<semaphore_mem>>)
    %get3A_248 = arith.constant 0 : index
    %get3A_249 = tpu.vector_load %arg5[%get3A_248] {strides = array<i32>} : memref<32xi32, #tpu.memory_space<vmem>>, vector<16xi32>,
    %max3A_250 = arith.constant 0 : i32
    %max3A_251 = vector.broadcast %max3A_250 : i32 to vector<16xi32>
    %max3A_252 = arith.maxsi %get3A_249, %max3A_251 : vector<16xi32>
    %slice3A_253 = vector.extract_strided_slice %max3A_252 {offsets = [12], sizes = [1], strides = [1]} : vector<16xi32> to vector<1xi32>
    %squeeze3A_254 = vector.extract %slice3A_253[0] : i32 from vector<1xi32>
    %and3A_255 = arith.constant -128 : i32
    %and3A_256 = arith.andi %squeeze3A_254, %and3A_255 : i32
    %multiple_of3A_257 = tpu.assume_multiple %and3A_256, 128 : i32
    %add3A_258 = arith.constant 8 : i32
    %add3A_259 = arith.addi %mul3A_2, %add3A_258 : i32
    %multiple_of3A_260 = tpu.assume_multiple %add3A_259, 8 : i32
    %dma_start3A_261 = arith.constant 96 : i32
    %dma_start3A_262 = arith.constant 0 : i32
    %dma_start3A_263 = tpu.memref_slice %arg6[%dma_start3A_261, %dma_start3A_262] : memref<256x128xf32, #tpu.memory_space<vmem>> -> memref<8x128xf32, #tpu.memory_space<vmem>>
    %dma_start3A_264 = tpu.memref_slice %arg2[%multiple_of3A_260, %multiple_of3A_257] : memref<1024x100000xf32, #tpu.memory_space<hbm>> -> memref<8x128xf32, #tpu.memory_space<hbm>>
    %dma_start3A_265 = arith.constant 96 : i32
    %dma_start3A_266 = arith.constant 0 : i32
    %dma_start3A_267 = tpu.memref_slice %arg6[%dma_start3A_265, %dma_start3A_266] : memref<256x128xf32, #tpu.memory_space<vmem>> -> memref<8x128xf32, #tpu.memory_space<vmem>>
    %dma_start3A_268 = tpu.memref_slice %arg2[%multiple_of3A_260, %multiple_of3A_257] : memref<1024x100000xf32, #tpu.memory_space<hbm>> -> memref<8x128xf32, #tpu.memory_space<hbm>>
    tpu.enqueue_dma source(%dma_start3A_268 : memref<8x128xf32, #tpu.memory_space<hbm>>) target(%dma_start3A_267 : memref<8x128xf32, #tpu.memory_space<vmem>>) target_semaphore(%arg8 : memref<!tpu.dma_semaphore, #tpu.memory_space<semaphore_mem>>)
    %get3A_269 = arith.constant 0 : index
    %get3A_270 = tpu.vector_load %arg5[%get3A_269] {strides = array<i32>} : memref<32xi32, #tpu.memory_space<vmem>>, vector<16xi32>,
    %max3A_271 = arith.constant 0 : i32
    %max3A_272 = vector.broadcast %max3A_271 : i32 to vector<16xi32>
    %max3A_273 = arith.maxsi %get3A_270, %max3A_272 : vector<16xi32>
    %slice3A_274 = vector.extract_strided_slice %max3A_273 {offsets = [13], sizes = [1], strides = [1]} : vector<16xi32> to vector<1xi32>
    %squeeze3A_275 = vector.extract %slice3A_274[0] : i32 from vector<1xi32>
    %and3A_276 = arith.constant -128 : i32
    %and3A_277 = arith.andi %squeeze3A_275, %and3A_276 : i32
    %multiple_of3A_278 = tpu.assume_multiple %and3A_277, 128 : i32
    %add3A_279 = arith.constant 8 : i32
    %add3A_280 = arith.addi %mul3A_2, %add3A_279 : i32
    %multiple_of3A_281 = tpu.assume_multiple %add3A_280, 8 : i32
    %dma_start3A_282 = arith.constant 104 : i32
    %dma_start3A_283 = arith.constant 0 : i32
    %dma_start3A_284 = tpu.memref_slice %arg6[%dma_start3A_282, %dma_start3A_283] : memref<256x128xf32, #tpu.memory_space<vmem>> -> memref<8x128xf32, #tpu.memory_space<vmem>>
    %dma_start3A_285 = tpu.memref_slice %arg2[%multiple_of3A_281, %multiple_of3A_278] : memref<1024x100000xf32, #tpu.memory_space<hbm>> -> memref<8x128xf32, #tpu.memory_space<hbm>>
    %dma_start3A_286 = arith.constant 104 : i32
    %dma_start3A_287 = arith.constant 0 : i32
    %dma_start3A_288 = tpu.memref_slice %arg6[%dma_start3A_286, %dma_start3A_287] : memref<256x128xf32, #tpu.memory_space<vmem>> -> memref<8x128xf32, #tpu.memory_space<vmem>>
    %dma_start3A_289 = tpu.memref_slice %arg2[%multiple_of3A_281, %multiple_of3A_278] : memref<1024x100000xf32, #tpu.memory_space<hbm>> -> memref<8x128xf32, #tpu.memory_space<hbm>>
    tpu.enqueue_dma source(%dma_start3A_289 : memref<8x128xf32, #tpu.memory_space<hbm>>) target(%dma_start3A_288 : memref<8x128xf32, #tpu.memory_space<vmem>>) target_semaphore(%arg8 : memref<!tpu.dma_semaphore, #tpu.memory_space<semaphore_mem>>)
    %get3A_290 = arith.constant 0 : index
    %get3A_291 = tpu.vector_load %arg5[%get3A_290] {strides = array<i32>} : memref<32xi32, #tpu.memory_space<vmem>>, vector<16xi32>,
    %max3A_292 = arith.constant 0 : i32
    %max3A_293 = vector.broadcast %max3A_292 : i32 to vector<16xi32>
    %max3A_294 = arith.maxsi %get3A_291, %max3A_293 : vector<16xi32>
    %slice3A_295 = vector.extract_strided_slice %max3A_294 {offsets = [14], sizes = [1], strides = [1]} : vector<16xi32> to vector<1xi32>
    %squeeze3A_296 = vector.extract %slice3A_295[0] : i32 from vector<1xi32>
    %and3A_297 = arith.constant -128 : i32
    %and3A_298 = arith.andi %squeeze3A_296, %and3A_297 : i32
    %multiple_of3A_299 = tpu.assume_multiple %and3A_298, 128 : i32
    %add3A_300 = arith.constant 8 : i32
    %add3A_301 = arith.addi %mul3A_2, %add3A_300 : i32
    %multiple_of3A_302 = tpu.assume_multiple %add3A_301, 8 : i32
    %dma_start3A_303 = arith.constant 112 : i32
    %dma_start3A_304 = arith.constant 0 : i32
    %dma_start3A_305 = tpu.memref_slice %arg6[%dma_start3A_303, %dma_start3A_304] : memref<256x128xf32, #tpu.memory_space<vmem>> -> memref<8x128xf32, #tpu.memory_space<vmem>>
    %dma_start3A_306 = tpu.memref_slice %arg2[%multiple_of3A_302, %multiple_of3A_299] : memref<1024x100000xf32, #tpu.memory_space<hbm>> -> memref<8x128xf32, #tpu.memory_space<hbm>>
    %dma_start3A_307 = arith.constant 112 : i32
    %dma_start3A_308 = arith.constant 0 : i32
    %dma_start3A_309 = tpu.memref_slice %arg6[%dma_start3A_307, %dma_start3A_308] : memref<256x128xf32, #tpu.memory_space<vmem>> -> memref<8x128xf32, #tpu.memory_space<vmem>>
    %dma_start3A_310 = tpu.memref_slice %arg2[%multiple_of3A_302, %multiple_of3A_299] : memref<1024x100000xf32, #tpu.memory_space<hbm>> -> memref<8x128xf32, #tpu.memory_space<hbm>>
    tpu.enqueue_dma source(%dma_start3A_310 : memref<8x128xf32, #tpu.memory_space<hbm>>) target(%dma_start3A_309 : memref<8x128xf32, #tpu.memory_space<vmem>>) target_semaphore(%arg8 : memref<!tpu.dma_semaphore, #tpu.memory_space<semaphore_mem>>)
    %get3A_311 = arith.constant 0 : index
    %get3A_312 = tpu.vector_load %arg5[%get3A_311] {strides = array<i32>} : memref<32xi32, #tpu.memory_space<vmem>>, vector<16xi32>,
    %max3A_313 = arith.constant 0 : i32
    %max3A_314 = vector.broadcast %max3A_313 : i32 to vector<16xi32>
    %max3A_315 = arith.maxsi %get3A_312, %max3A_314 : vector<16xi32>
    %slice3A_316 = vector.extract_strided_slice %max3A_315 {offsets = [15], sizes = [1], strides = [1]} : vector<16xi32> to vector<1xi32>
    %squeeze3A_317 = vector.extract %slice3A_316[0] : i32 from vector<1xi32>
    %and3A_318 = arith.constant -128 : i32
    %and3A_319 = arith.andi %squeeze3A_317, %and3A_318 : i32
    %multiple_of3A_320 = tpu.assume_multiple %and3A_319, 128 : i32
    %add3A_321 = arith.constant 8 : i32
    %add3A_322 = arith.addi %mul3A_2, %add3A_321 : i32
    %multiple_of3A_323 = tpu.assume_multiple %add3A_322, 8 : i32
    %dma_start3A_324 = arith.constant 120 : i32
    %dma_start3A_325 = arith.constant 0 : i32
    %dma_start3A_326 = tpu.memref_slice %arg6[%dma_start3A_324, %dma_start3A_325] : memref<256x128xf32, #tpu.memory_space<vmem>> -> memref<8x128xf32, #tpu.memory_space<vmem>>
    %dma_start3A_327 = tpu.memref_slice %arg2[%multiple_of3A_323, %multiple_of3A_320] : memref<1024x100000xf32, #tpu.memory_space<hbm>> -> memref<8x128xf32, #tpu.memory_space<hbm>>
    %dma_start3A_328 = arith.constant 120 : i32
    %dma_start3A_329 = arith.constant 0 : i32
    %dma_start3A_330 = tpu.memref_slice %arg6[%dma_start3A_328, %dma_start3A_329] : memref<256x128xf32, #tpu.memory_space<vmem>> -> memref<8x128xf32, #tpu.memory_space<vmem>>
    %dma_start3A_331 = tpu.memref_slice %arg2[%multiple_of3A_323, %multiple_of3A_320] : memref<1024x100000xf32, #tpu.memory_space<hbm>> -> memref<8x128xf32, #tpu.memory_space<hbm>>
    tpu.enqueue_dma source(%dma_start3A_331 : memref<8x128xf32, #tpu.memory_space<hbm>>) target(%dma_start3A_330 : memref<8x128xf32, #tpu.memory_space<vmem>>) target_semaphore(%arg8 : memref<!tpu.dma_semaphore, #tpu.memory_space<semaphore_mem>>)
    %get3A_332 = arith.constant 16 : index
    %get3A_333 = tpu.vector_load %arg5[%get3A_332] {strides = array<i32>} : memref<32xi32, #tpu.memory_space<vmem>>, vector<16xi32>,
    %max3A_334 = arith.constant 0 : i32
    %max3A_335 = vector.broadcast %max3A_334 : i32 to vector<16xi32>
    %max3A_336 = arith.maxsi %get3A_333, %max3A_335 : vector<16xi32>
    %slice3A_337 = vector.extract_strided_slice %max3A_336 {offsets = [0], sizes = [1], strides = [1]} : vector<16xi32> to vector<1xi32>
    %squeeze3A_338 = vector.extract %slice3A_337[0] : i32 from vector<1xi32>
    %and3A_339 = arith.constant -128 : i32
    %and3A_340 = arith.andi %squeeze3A_338, %and3A_339 : i32
    %multiple_of3A_341 = tpu.assume_multiple %and3A_340, 128 : i32
    %add3A_342 = arith.constant 16 : i32
    %add3A_343 = arith.addi %mul3A_2, %add3A_342 : i32
    %multiple_of3A_344 = tpu.assume_multiple %add3A_343, 8 : i32
    %dma_start3A_345 = arith.constant 128 : i32
    %dma_start3A_346 = arith.constant 0 : i32
    %dma_start3A_347 = tpu.memref_slice %arg6[%dma_start3A_345, %dma_start3A_346] : memref<256x128xf32, #tpu.memory_space<vmem>> -> memref<8x128xf32, #tpu.memory_space<vmem>>
    %dma_start3A_348 = tpu.memref_slice %arg2[%multiple_of3A_344, %multiple_of3A_341] : memref<1024x100000xf32, #tpu.memory_space<hbm>> -> memref<8x128xf32, #tpu.memory_space<hbm>>
    %dma_start3A_349 = arith.constant 128 : i32
    %dma_start3A_350 = arith.constant 0 : i32
    %dma_start3A_351 = tpu.memref_slice %arg6[%dma_start3A_349, %dma_start3A_350] : memref<256x128xf32, #tpu.memory_space<vmem>> -> memref<8x128xf32, #tpu.memory_space<vmem>>
    %dma_start3A_352 = tpu.memref_slice %arg2[%multiple_of3A_344, %multiple_of3A_341] : memref<1024x100000xf32, #tpu.memory_space<hbm>> -> memref<8x128xf32, #tpu.memory_space<hbm>>
    tpu.enqueue_dma source(%dma_start3A_352 : memref<8x128xf32, #tpu.memory_space<hbm>>) target(%dma_start3A_351 : memref<8x128xf32, #tpu.memory_space<vmem>>) target_semaphore(%arg8 : memref<!tpu.dma_semaphore, #tpu.memory_space<semaphore_mem>>)
    %get3A_353 = arith.constant 16 : index
    %get3A_354 = tpu.vector_load %arg5[%get3A_353] {strides = array<i32>} : memref<32xi32, #tpu.memory_space<vmem>>, vector<16xi32>,
    %max3A_355 = arith.constant 0 : i32
    %max3A_356 = vector.broadcast %max3A_355 : i32 to vector<16xi32>
    %max3A_357 = arith.maxsi %get3A_354, %max3A_356 : vector<16xi32>
    %slice3A_358 = vector.extract_strided_slice %max3A_357 {offsets = [1], sizes = [1], strides = [1]} : vector<16xi32> to vector<1xi32>
    %squeeze3A_359 = vector.extract %slice3A_358[0] : i32 from vector<1xi32>
    %and3A_360 = arith.constant -128 : i32
    %and3A_361 = arith.andi %squeeze3A_359, %and3A_360 : i32
    %multiple_of3A_362 = tpu.assume_multiple %and3A_361, 128 : i32
    %add3A_363 = arith.constant 16 : i32
    %add3A_364 = arith.addi %mul3A_2, %add3A_363 : i32
    %multiple_of3A_365 = tpu.assume_multiple %add3A_364, 8 : i32
    %dma_start3A_366 = arith.constant 136 : i32
    %dma_start3A_367 = arith.constant 0 : i32
    %dma_start3A_368 = tpu.memref_slice %arg6[%dma_start3A_366, %dma_start3A_367] : memref<256x128xf32, #tpu.memory_space<vmem>> -> memref<8x128xf32, #tpu.memory_space<vmem>>
    %dma_start3A_369 = tpu.memref_slice %arg2[%multiple_of3A_365, %multiple_of3A_362] : memref<1024x100000xf32, #tpu.memory_space<hbm>> -> memref<8x128xf32, #tpu.memory_space<hbm>>
    %dma_start3A_370 = arith.constant 136 : i32
    %dma_start3A_371 = arith.constant 0 : i32
    %dma_start3A_372 = tpu.memref_slice %arg6[%dma_start3A_370, %dma_start3A_371] : memref<256x128xf32, #tpu.memory_space<vmem>> -> memref<8x128xf32, #tpu.memory_space<vmem>>
    %dma_start3A_373 = tpu.memref_slice %arg2[%multiple_of3A_365, %multiple_of3A_362] : memref<1024x100000xf32, #tpu.memory_space<hbm>> -> memref<8x128xf32, #tpu.memory_space<hbm>>
    tpu.enqueue_dma source(%dma_start3A_373 : memref<8x128xf32, #tpu.memory_space<hbm>>) target(%dma_start3A_372 : memref<8x128xf32, #tpu.memory_space<vmem>>) target_semaphore(%arg8 : memref<!tpu.dma_semaphore, #tpu.memory_space<semaphore_mem>>)
    %get3A_374 = arith.constant 16 : index
    %get3A_375 = tpu.vector_load %arg5[%get3A_374] {strides = array<i32>} : memref<32xi32, #tpu.memory_space<vmem>>, vector<16xi32>,
    %max3A_376 = arith.constant 0 : i32
    %max3A_377 = vector.broadcast %max3A_376 : i32 to vector<16xi32>
    %max3A_378 = arith.maxsi %get3A_375, %max3A_377 : vector<16xi32>
    %slice3A_379 = vector.extract_strided_slice %max3A_378 {offsets = [2], sizes = [1], strides = [1]} : vector<16xi32> to vector<1xi32>
    %squeeze3A_380 = vector.extract %slice3A_379[0] : i32 from vector<1xi32>
    %and3A_381 = arith.constant -128 : i32
    %and3A_382 = arith.andi %squeeze3A_380, %and3A_381 : i32
    %multiple_of3A_383 = tpu.assume_multiple %and3A_382, 128 : i32
    %add3A_384 = arith.constant 16 : i32
    %add3A_385 = arith.addi %mul3A_2, %add3A_384 : i32
    %multiple_of3A_386 = tpu.assume_multiple %add3A_385, 8 : i32
    %dma_start3A_387 = arith.constant 144 : i32
    %dma_start3A_388 = arith.constant 0 : i32
    %dma_start3A_389 = tpu.memref_slice %arg6[%dma_start3A_387, %dma_start3A_388] : memref<256x128xf32, #tpu.memory_space<vmem>> -> memref<8x128xf32, #tpu.memory_space<vmem>>
    %dma_start3A_390 = tpu.memref_slice %arg2[%multiple_of3A_386, %multiple_of3A_383] : memref<1024x100000xf32, #tpu.memory_space<hbm>> -> memref<8x128xf32, #tpu.memory_space<hbm>>
    %dma_start3A_391 = arith.constant 144 : i32
    %dma_start3A_392 = arith.constant 0 : i32
    %dma_start3A_393 = tpu.memref_slice %arg6[%dma_start3A_391, %dma_start3A_392] : memref<256x128xf32, #tpu.memory_space<vmem>> -> memref<8x128xf32, #tpu.memory_space<vmem>>
    %dma_start3A_394 = tpu.memref_slice %arg2[%multiple_of3A_386, %multiple_of3A_383] : memref<1024x100000xf32, #tpu.memory_space<hbm>> -> memref<8x128xf32, #tpu.memory_space<hbm>>
    tpu.enqueue_dma source(%dma_start3A_394 : memref<8x128xf32, #tpu.memory_space<hbm>>) target(%dma_start3A_393 : memref<8x128xf32, #tpu.memory_space<vmem>>) target_semaphore(%arg8 : memref<!tpu.dma_semaphore, #tpu.memory_space<semaphore_mem>>)
    %get3A_395 = arith.constant 16 : index
    %get3A_396 = tpu.vector_load %arg5[%get3A_395] {strides = array<i32>} : memref<32xi32, #tpu.memory_space<vmem>>, vector<16xi32>,
    %max3A_397 = arith.constant 0 : i32
    %max3A_398 = vector.broadcast %max3A_397 : i32 to vector<16xi32>
    %max3A_399 = arith.maxsi %get3A_396, %max3A_398 : vector<16xi32>
    %slice3A_400 = vector.extract_strided_slice %max3A_399 {offsets = [3], sizes = [1], strides = [1]} : vector<16xi32> to vector<1xi32>
    %squeeze3A_401 = vector.extract %slice3A_400[0] : i32 from vector<1xi32>
    %and3A_402 = arith.constant -128 : i32
    %and3A_403 = arith.andi %squeeze3A_401, %and3A_402 : i32
    %multiple_of3A_404 = tpu.assume_multiple %and3A_403, 128 : i32
    %add3A_405 = arith.constant 16 : i32
    %add3A_406 = arith.addi %mul3A_2, %add3A_405 : i32
    %multiple_of3A_407 = tpu.assume_multiple %add3A_406, 8 : i32
    %dma_start3A_408 = arith.constant 152 : i32
    %dma_start3A_409 = arith.constant 0 : i32
    %dma_start3A_410 = tpu.memref_slice %arg6[%dma_start3A_408, %dma_start3A_409] : memref<256x128xf32, #tpu.memory_space<vmem>> -> memref<8x128xf32, #tpu.memory_space<vmem>>
    %dma_start3A_411 = tpu.memref_slice %arg2[%multiple_of3A_407, %multiple_of3A_404] : memref<1024x100000xf32, #tpu.memory_space<hbm>> -> memref<8x128xf32, #tpu.memory_space<hbm>>
    %dma_start3A_412 = arith.constant 152 : i32
    %dma_start3A_413 = arith.constant 0 : i32
    %dma_start3A_414 = tpu.memref_slice %arg6[%dma_start3A_412, %dma_start3A_413] : memref<256x128xf32, #tpu.memory_space<vmem>> -> memref<8x128xf32, #tpu.memory_space<vmem>>
    %dma_start3A_415 = tpu.memref_slice %arg2[%multiple_of3A_407, %multiple_of3A_404] : memref<1024x100000xf32, #tpu.memory_space<hbm>> -> memref<8x128xf32, #tpu.memory_space<hbm>>
    tpu.enqueue_dma source(%dma_start3A_415 : memref<8x128xf32, #tpu.memory_space<hbm>>) target(%dma_start3A_414 : memref<8x128xf32, #tpu.memory_space<vmem>>) target_semaphore(%arg8 : memref<!tpu.dma_semaphore, #tpu.memory_space<semaphore_mem>>)
    %get3A_416 = arith.constant 16 : index
    %get3A_417 = tpu.vector_load %arg5[%get3A_416] {strides = array<i32>} : memref<32xi32, #tpu.memory_space<vmem>>, vector<16xi32>,
    %max3A_418 = arith.constant 0 : i32
    %max3A_419 = vector.broadcast %max3A_418 : i32 to vector<16xi32>
    %max3A_420 = arith.maxsi %get3A_417, %max3A_419 : vector<16xi32>
    %slice3A_421 = vector.extract_strided_slice %max3A_420 {offsets = [4], sizes = [1], strides = [1]} : vector<16xi32> to vector<1xi32>
    %squeeze3A_422 = vector.extract %slice3A_421[0] : i32 from vector<1xi32>
    %and3A_423 = arith.constant -128 : i32
    %and3A_424 = arith.andi %squeeze3A_422, %and3A_423 : i32
    %multiple_of3A_425 = tpu.assume_multiple %and3A_424, 128 : i32
    %add3A_426 = arith.constant 16 : i32
    %add3A_427 = arith.addi %mul3A_2, %add3A_426 : i32
    %multiple_of3A_428 = tpu.assume_multiple %add3A_427, 8 : i32
    %dma_start3A_429 = arith.constant 160 : i32
    %dma_start3A_430 = arith.constant 0 : i32
    %dma_start3A_431 = tpu.memref_slice %arg6[%dma_start3A_429, %dma_start3A_430] : memref<256x128xf32, #tpu.memory_space<vmem>> -> memref<8x128xf32, #tpu.memory_space<vmem>>
    %dma_start3A_432 = tpu.memref_slice %arg2[%multiple_of3A_428, %multiple_of3A_425] : memref<1024x100000xf32, #tpu.memory_space<hbm>> -> memref<8x128xf32, #tpu.memory_space<hbm>>
    %dma_start3A_433 = arith.constant 160 : i32
    %dma_start3A_434 = arith.constant 0 : i32
    %dma_start3A_435 = tpu.memref_slice %arg6[%dma_start3A_433, %dma_start3A_434] : memref<256x128xf32, #tpu.memory_space<vmem>> -> memref<8x128xf32, #tpu.memory_space<vmem>>
    %dma_start3A_436 = tpu.memref_slice %arg2[%multiple_of3A_428, %multiple_of3A_425] : memref<1024x100000xf32, #tpu.memory_space<hbm>> -> memref<8x128xf32, #tpu.memory_space<hbm>>
    tpu.enqueue_dma source(%dma_start3A_436 : memref<8x128xf32, #tpu.memory_space<hbm>>) target(%dma_start3A_435 : memref<8x128xf32, #tpu.memory_space<vmem>>) target_semaphore(%arg8 : memref<!tpu.dma_semaphore, #tpu.memory_space<semaphore_mem>>)
    %get3A_437 = arith.constant 16 : index
    %get3A_438 = tpu.vector_load %arg5[%get3A_437] {strides = array<i32>} : memref<32xi32, #tpu.memory_space<vmem>>, vector<16xi32>,
    %max3A_439 = arith.constant 0 : i32
    %max3A_440 = vector.broadcast %max3A_439 : i32 to vector<16xi32>
    %max3A_441 = arith.maxsi %get3A_438, %max3A_440 : vector<16xi32>
    %slice3A_442 = vector.extract_strided_slice %max3A_441 {offsets = [5], sizes = [1], strides = [1]} : vector<16xi32> to vector<1xi32>
    %squeeze3A_443 = vector.extract %slice3A_442[0] : i32 from vector<1xi32>
    %and3A_444 = arith.constant -128 : i32
    %and3A_445 = arith.andi %squeeze3A_443, %and3A_444 : i32
    %multiple_of3A_446 = tpu.assume_multiple %and3A_445, 128 : i32
    %add3A_447 = arith.constant 16 : i32
    %add3A_448 = arith.addi %mul3A_2, %add3A_447 : i32
    %multiple_of3A_449 = tpu.assume_multiple %add3A_448, 8 : i32
    %dma_start3A_450 = arith.constant 168 : i32
    %dma_start3A_451 = arith.constant 0 : i32
    %dma_start3A_452 = tpu.memref_slice %arg6[%dma_start3A_450, %dma_start3A_451] : memref<256x128xf32, #tpu.memory_space<vmem>> -> memref<8x128xf32, #tpu.memory_space<vmem>>
    %dma_start3A_453 = tpu.memref_slice %arg2[%multiple_of3A_449, %multiple_of3A_446] : memref<1024x100000xf32, #tpu.memory_space<hbm>> -> memref<8x128xf32, #tpu.memory_space<hbm>>
    %dma_start3A_454 = arith.constant 168 : i32
    %dma_start3A_455 = arith.constant 0 : i32
    %dma_start3A_456 = tpu.memref_slice %arg6[%dma_start3A_454, %dma_start3A_455] : memref<256x128xf32, #tpu.memory_space<vmem>> -> memref<8x128xf32, #tpu.memory_space<vmem>>
    %dma_start3A_457 = tpu.memref_slice %arg2[%multiple_of3A_449, %multiple_of3A_446] : memref<1024x100000xf32, #tpu.memory_space<hbm>> -> memref<8x128xf32, #tpu.memory_space<hbm>>
    tpu.enqueue_dma source(%dma_start3A_457 : memref<8x128xf32, #tpu.memory_space<hbm>>) target(%dma_start3A_456 : memref<8x128xf32, #tpu.memory_space<vmem>>) target_semaphore(%arg8 : memref<!tpu.dma_semaphore, #tpu.memory_space<semaphore_mem>>)
    %get3A_458 = arith.constant 16 : index
    %get3A_459 = tpu.vector_load %arg5[%get3A_458] {strides = array<i32>} : memref<32xi32, #tpu.memory_space<vmem>>, vector<16xi32>,
    %max3A_460 = arith.constant 0 : i32
    %max3A_461 = vector.broadcast %max3A_460 : i32 to vector<16xi32>
    %max3A_462 = arith.maxsi %get3A_459, %max3A_461 : vector<16xi32>
    %slice3A_463 = vector.extract_strided_slice %max3A_462 {offsets = [6], sizes = [1], strides = [1]} : vector<16xi32> to vector<1xi32>
    %squeeze3A_464 = vector.extract %slice3A_463[0] : i32 from vector<1xi32>
    %and3A_465 = arith.constant -128 : i32
    %and3A_466 = arith.andi %squeeze3A_464, %and3A_465 : i32
    %multiple_of3A_467 = tpu.assume_multiple %and3A_466, 128 : i32
    %add3A_468 = arith.constant 16 : i32
    %add3A_469 = arith.addi %mul3A_2, %add3A_468 : i32
    %multiple_of3A_470 = tpu.assume_multiple %add3A_469, 8 : i32
    %dma_start3A_471 = arith.constant 176 : i32
    %dma_start3A_472 = arith.constant 0 : i32
    %dma_start3A_473 = tpu.memref_slice %arg6[%dma_start3A_471, %dma_start3A_472] : memref<256x128xf32, #tpu.memory_space<vmem>> -> memref<8x128xf32, #tpu.memory_space<vmem>>
    %dma_start3A_474 = tpu.memref_slice %arg2[%multiple_of3A_470, %multiple_of3A_467] : memref<1024x100000xf32, #tpu.memory_space<hbm>> -> memref<8x128xf32, #tpu.memory_space<hbm>>
    %dma_start3A_475 = arith.constant 176 : i32
    %dma_start3A_476 = arith.constant 0 : i32
    %dma_start3A_477 = tpu.memref_slice %arg6[%dma_start3A_475, %dma_start3A_476] : memref<256x128xf32, #tpu.memory_space<vmem>> -> memref<8x128xf32, #tpu.memory_space<vmem>>
    %dma_start3A_478 = tpu.memref_slice %arg2[%multiple_of3A_470, %multiple_of3A_467] : memref<1024x100000xf32, #tpu.memory_space<hbm>> -> memref<8x128xf32, #tpu.memory_space<hbm>>
    tpu.enqueue_dma source(%dma_start3A_478 : memref<8x128xf32, #tpu.memory_space<hbm>>) target(%dma_start3A_477 : memref<8x128xf32, #tpu.memory_space<vmem>>) target_semaphore(%arg8 : memref<!tpu.dma_semaphore, #tpu.memory_space<semaphore_mem>>)
    %get3A_479 = arith.constant 16 : index
    %get3A_480 = tpu.vector_load %arg5[%get3A_479] {strides = array<i32>} : memref<32xi32, #tpu.memory_space<vmem>>, vector<16xi32>,
    %max3A_481 = arith.constant 0 : i32
    %max3A_482 = vector.broadcast %max3A_481 : i32 to vector<16xi32>
    %max3A_483 = arith.maxsi %get3A_480, %max3A_482 : vector<16xi32>
    %slice3A_484 = vector.extract_strided_slice %max3A_483 {offsets = [7], sizes = [1], strides = [1]} : vector<16xi32> to vector<1xi32>
    %squeeze3A_485 = vector.extract %slice3A_484[0] : i32 from vector<1xi32>
    %and3A_486 = arith.constant -128 : i32
    %and3A_487 = arith.andi %squeeze3A_485, %and3A_486 : i32
    %multiple_of3A_488 = tpu.assume_multiple %and3A_487, 128 : i32
    %add3A_489 = arith.constant 16 : i32
    %add3A_490 = arith.addi %mul3A_2, %add3A_489 : i32
    %multiple_of3A_491 = tpu.assume_multiple %add3A_490, 8 : i32
    %dma_start3A_492 = arith.constant 184 : i32
    %dma_start3A_493 = arith.constant 0 : i32
    %dma_start3A_494 = tpu.memref_slice %arg6[%dma_start3A_492, %dma_start3A_493] : memref<256x128xf32, #tpu.memory_space<vmem>> -> memref<8x128xf32, #tpu.memory_space<vmem>>
    %dma_start3A_495 = tpu.memref_slice %arg2[%multiple_of3A_491, %multiple_of3A_488] : memref<1024x100000xf32, #tpu.memory_space<hbm>> -> memref<8x128xf32, #tpu.memory_space<hbm>>
    %dma_start3A_496 = arith.constant 184 : i32
    %dma_start3A_497 = arith.constant 0 : i32
    %dma_start3A_498 = tpu.memref_slice %arg6[%dma_start3A_496, %dma_start3A_497] : memref<256x128xf32, #tpu.memory_space<vmem>> -> memref<8x128xf32, #tpu.memory_space<vmem>>
    %dma_start3A_499 = tpu.memref_slice %arg2[%multiple_of3A_491, %multiple_of3A_488] : memref<1024x100000xf32, #tpu.memory_space<hbm>> -> memref<8x128xf32, #tpu.memory_space<hbm>>
    tpu.enqueue_dma source(%dma_start3A_499 : memref<8x128xf32, #tpu.memory_space<hbm>>) target(%dma_start3A_498 : memref<8x128xf32, #tpu.memory_space<vmem>>) target_semaphore(%arg8 : memref<!tpu.dma_semaphore, #tpu.memory_space<semaphore_mem>>)
    %get3A_500 = arith.constant 16 : index
    %get3A_501 = tpu.vector_load %arg5[%get3A_500] {strides = array<i32>} : memref<32xi32, #tpu.memory_space<vmem>>, vector<16xi32>,
    %max3A_502 = arith.constant 0 : i32
    %max3A_503 = vector.broadcast %max3A_502 : i32 to vector<16xi32>
    %max3A_504 = arith.maxsi %get3A_501, %max3A_503 : vector<16xi32>
    %slice3A_505 = vector.extract_strided_slice %max3A_504 {offsets = [8], sizes = [1], strides = [1]} : vector<16xi32> to vector<1xi32>
    %squeeze3A_506 = vector.extract %slice3A_505[0] : i32 from vector<1xi32>
    %and3A_507 = arith.constant -128 : i32
    %and3A_508 = arith.andi %squeeze3A_506, %and3A_507 : i32
    %multiple_of3A_509 = tpu.assume_multiple %and3A_508, 128 : i32
    %add3A_510 = arith.constant 24 : i32
    %add3A_511 = arith.addi %mul3A_2, %add3A_510 : i32
    %multiple_of3A_512 = tpu.assume_multiple %add3A_511, 8 : i32
    %dma_start3A_513 = arith.constant 192 : i32
    %dma_start3A_514 = arith.constant 0 : i32
    %dma_start3A_515 = tpu.memref_slice %arg6[%dma_start3A_513, %dma_start3A_514] : memref<256x128xf32, #tpu.memory_space<vmem>> -> memref<8x128xf32, #tpu.memory_space<vmem>>
    %dma_start3A_516 = tpu.memref_slice %arg2[%multiple_of3A_512, %multiple_of3A_509] : memref<1024x100000xf32, #tpu.memory_space<hbm>> -> memref<8x128xf32, #tpu.memory_space<hbm>>
    %dma_start3A_517 = arith.constant 192 : i32
    %dma_start3A_518 = arith.constant 0 : i32
    %dma_start3A_519 = tpu.memref_slice %arg6[%dma_start3A_517, %dma_start3A_518] : memref<256x128xf32, #tpu.memory_space<vmem>> -> memref<8x128xf32, #tpu.memory_space<vmem>>
    %dma_start3A_520 = tpu.memref_slice %arg2[%multiple_of3A_512, %multiple_of3A_509] : memref<1024x100000xf32, #tpu.memory_space<hbm>> -> memref<8x128xf32, #tpu.memory_space<hbm>>
    tpu.enqueue_dma source(%dma_start3A_520 : memref<8x128xf32, #tpu.memory_space<hbm>>) target(%dma_start3A_519 : memref<8x128xf32, #tpu.memory_space<vmem>>) target_semaphore(%arg8 : memref<!tpu.dma_semaphore, #tpu.memory_space<semaphore_mem>>)
    %get3A_521 = arith.constant 16 : index
    %get3A_522 = tpu.vector_load %arg5[%get3A_521] {strides = array<i32>} : memref<32xi32, #tpu.memory_space<vmem>>, vector<16xi32>,
    %max3A_523 = arith.constant 0 : i32
    %max3A_524 = vector.broadcast %max3A_523 : i32 to vector<16xi32>
    %max3A_525 = arith.maxsi %get3A_522, %max3A_524 : vector<16xi32>
    %slice3A_526 = vector.extract_strided_slice %max3A_525 {offsets = [9], sizes = [1], strides = [1]} : vector<16xi32> to vector<1xi32>
    %squeeze3A_527 = vector.extract %slice3A_526[0] : i32 from vector<1xi32>
    %and3A_528 = arith.constant -128 : i32
    %and3A_529 = arith.andi %squeeze3A_527, %and3A_528 : i32
    %multiple_of3A_530 = tpu.assume_multiple %and3A_529, 128 : i32
    %add3A_531 = arith.constant 24 : i32
    %add3A_532 = arith.addi %mul3A_2, %add3A_531 : i32
    %multiple_of3A_533 = tpu.assume_multiple %add3A_532, 8 : i32
    %dma_start3A_534 = arith.constant 200 : i32
    %dma_start3A_535 = arith.constant 0 : i32
    %dma_start3A_536 = tpu.memref_slice %arg6[%dma_start3A_534, %dma_start3A_535] : memref<256x128xf32, #tpu.memory_space<vmem>> -> memref<8x128xf32, #tpu.memory_space<vmem>>
    %dma_start3A_537 = tpu.memref_slice %arg2[%multiple_of3A_533, %multiple_of3A_530] : memref<1024x100000xf32, #tpu.memory_space<hbm>> -> memref<8x128xf32, #tpu.memory_space<hbm>>
    %dma_start3A_538 = arith.constant 200 : i32
    %dma_start3A_539 = arith.constant 0 : i32
    %dma_start3A_540 = tpu.memref_slice %arg6[%dma_start3A_538, %dma_start3A_539] : memref<256x128xf32, #tpu.memory_space<vmem>> -> memref<8x128xf32, #tpu.memory_space<vmem>>
    %dma_start3A_541 = tpu.memref_slice %arg2[%multiple_of3A_533, %multiple_of3A_530] : memref<1024x100000xf32, #tpu.memory_space<hbm>> -> memref<8x128xf32, #tpu.memory_space<hbm>>
    tpu.enqueue_dma source(%dma_start3A_541 : memref<8x128xf32, #tpu.memory_space<hbm>>) target(%dma_start3A_540 : memref<8x128xf32, #tpu.memory_space<vmem>>) target_semaphore(%arg8 : memref<!tpu.dma_semaphore, #tpu.memory_space<semaphore_mem>>)
    %get3A_542 = arith.constant 16 : index
    %get3A_543 = tpu.vector_load %arg5[%get3A_542] {strides = array<i32>} : memref<32xi32, #tpu.memory_space<vmem>>, vector<16xi32>,
    %max3A_544 = arith.constant 0 : i32
    %max3A_545 = vector.broadcast %max3A_544 : i32 to vector<16xi32>
    %max3A_546 = arith.maxsi %get3A_543, %max3A_545 : vector<16xi32>
    %slice3A_547 = vector.extract_strided_slice %max3A_546 {offsets = [10], sizes = [1], strides = [1]} : vector<16xi32> to vector<1xi32>
    %squeeze3A_548 = vector.extract %slice3A_547[0] : i32 from vector<1xi32>
    %and3A_549 = arith.constant -128 : i32
    %and3A_550 = arith.andi %squeeze3A_548, %and3A_549 : i32
    %multiple_of3A_551 = tpu.assume_multiple %and3A_550, 128 : i32
    %add3A_552 = arith.constant 24 : i32
    %add3A_553 = arith.addi %mul3A_2, %add3A_552 : i32
    %multiple_of3A_554 = tpu.assume_multiple %add3A_553, 8 : i32
    %dma_start3A_555 = arith.constant 208 : i32
    %dma_start3A_556 = arith.constant 0 : i32
    %dma_start3A_557 = tpu.memref_slice %arg6[%dma_start3A_555, %dma_start3A_556] : memref<256x128xf32, #tpu.memory_space<vmem>> -> memref<8x128xf32, #tpu.memory_space<vmem>>
    %dma_start3A_558 = tpu.memref_slice %arg2[%multiple_of3A_554, %multiple_of3A_551] : memref<1024x100000xf32, #tpu.memory_space<hbm>> -> memref<8x128xf32, #tpu.memory_space<hbm>>
    %dma_start3A_559 = arith.constant 208 : i32
    %dma_start3A_560 = arith.constant 0 : i32
    %dma_start3A_561 = tpu.memref_slice %arg6[%dma_start3A_559, %dma_start3A_560] : memref<256x128xf32, #tpu.memory_space<vmem>> -> memref<8x128xf32, #tpu.memory_space<vmem>>
    %dma_start3A_562 = tpu.memref_slice %arg2[%multiple_of3A_554, %multiple_of3A_551] : memref<1024x100000xf32, #tpu.memory_space<hbm>> -> memref<8x128xf32, #tpu.memory_space<hbm>>
    tpu.enqueue_dma source(%dma_start3A_562 : memref<8x128xf32, #tpu.memory_space<hbm>>) target(%dma_start3A_561 : memref<8x128xf32, #tpu.memory_space<vmem>>) target_semaphore(%arg8 : memref<!tpu.dma_semaphore, #tpu.memory_space<semaphore_mem>>)
    %get3A_563 = arith.constant 16 : index
    %get3A_564 = tpu.vector_load %arg5[%get3A_563] {strides = array<i32>} : memref<32xi32, #tpu.memory_space<vmem>>, vector<16xi32>,
    %max3A_565 = arith.constant 0 : i32
    %max3A_566 = vector.broadcast %max3A_565 : i32 to vector<16xi32>
    %max3A_567 = arith.maxsi %get3A_564, %max3A_566 : vector<16xi32>
    %slice3A_568 = vector.extract_strided_slice %max3A_567 {offsets = [11], sizes = [1], strides = [1]} : vector<16xi32> to vector<1xi32>
    %squeeze3A_569 = vector.extract %slice3A_568[0] : i32 from vector<1xi32>
    %and3A_570 = arith.constant -128 : i32
    %and3A_571 = arith.andi %squeeze3A_569, %and3A_570 : i32
    %multiple_of3A_572 = tpu.assume_multiple %and3A_571, 128 : i32
    %add3A_573 = arith.constant 24 : i32
    %add3A_574 = arith.addi %mul3A_2, %add3A_573 : i32
    %multiple_of3A_575 = tpu.assume_multiple %add3A_574, 8 : i32
    %dma_start3A_576 = arith.constant 216 : i32
    %dma_start3A_577 = arith.constant 0 : i32
    %dma_start3A_578 = tpu.memref_slice %arg6[%dma_start3A_576, %dma_start3A_577] : memref<256x128xf32, #tpu.memory_space<vmem>> -> memref<8x128xf32, #tpu.memory_space<vmem>>
    %dma_start3A_579 = tpu.memref_slice %arg2[%multiple_of3A_575, %multiple_of3A_572] : memref<1024x100000xf32, #tpu.memory_space<hbm>> -> memref<8x128xf32, #tpu.memory_space<hbm>>
    %dma_start3A_580 = arith.constant 216 : i32
    %dma_start3A_581 = arith.constant 0 : i32
    %dma_start3A_582 = tpu.memref_slice %arg6[%dma_start3A_580, %dma_start3A_581] : memref<256x128xf32, #tpu.memory_space<vmem>> -> memref<8x128xf32, #tpu.memory_space<vmem>>
    %dma_start3A_583 = tpu.memref_slice %arg2[%multiple_of3A_575, %multiple_of3A_572] : memref<1024x100000xf32, #tpu.memory_space<hbm>> -> memref<8x128xf32, #tpu.memory_space<hbm>>
    tpu.enqueue_dma source(%dma_start3A_583 : memref<8x128xf32, #tpu.memory_space<hbm>>) target(%dma_start3A_582 : memref<8x128xf32, #tpu.memory_space<vmem>>) target_semaphore(%arg8 : memref<!tpu.dma_semaphore, #tpu.memory_space<semaphore_mem>>)
    %get3A_584 = arith.constant 16 : index
    %get3A_585 = tpu.vector_load %arg5[%get3A_584] {strides = array<i32>} : memref<32xi32, #tpu.memory_space<vmem>>, vector<16xi32>,
    %max3A_586 = arith.constant 0 : i32
    %max3A_587 = vector.broadcast %max3A_586 : i32 to vector<16xi32>
    %max3A_588 = arith.maxsi %get3A_585, %max3A_587 : vector<16xi32>
    %slice3A_589 = vector.extract_strided_slice %max3A_588 {offsets = [12], sizes = [1], strides = [1]} : vector<16xi32> to vector<1xi32>
    %squeeze3A_590 = vector.extract %slice3A_589[0] : i32 from vector<1xi32>
    %and3A_591 = arith.constant -128 : i32
    %and3A_592 = arith.andi %squeeze3A_590, %and3A_591 : i32
    %multiple_of3A_593 = tpu.assume_multiple %and3A_592, 128 : i32
    %add3A_594 = arith.constant 24 : i32
    %add3A_595 = arith.addi %mul3A_2, %add3A_594 : i32
    %multiple_of3A_596 = tpu.assume_multiple %add3A_595, 8 : i32
    %dma_start3A_597 = arith.constant 224 : i32
    %dma_start3A_598 = arith.constant 0 : i32
    %dma_start3A_599 = tpu.memref_slice %arg6[%dma_start3A_597, %dma_start3A_598] : memref<256x128xf32, #tpu.memory_space<vmem>> -> memref<8x128xf32, #tpu.memory_space<vmem>>
    %dma_start3A_600 = tpu.memref_slice %arg2[%multiple_of3A_596, %multiple_of3A_593] : memref<1024x100000xf32, #tpu.memory_space<hbm>> -> memref<8x128xf32, #tpu.memory_space<hbm>>
    %dma_start3A_601 = arith.constant 224 : i32
    %dma_start3A_602 = arith.constant 0 : i32
    %dma_start3A_603 = tpu.memref_slice %arg6[%dma_start3A_601, %dma_start3A_602] : memref<256x128xf32, #tpu.memory_space<vmem>> -> memref<8x128xf32, #tpu.memory_space<vmem>>
    %dma_start3A_604 = tpu.memref_slice %arg2[%multiple_of3A_596, %multiple_of3A_593] : memref<1024x100000xf32, #tpu.memory_space<hbm>> -> memref<8x128xf32, #tpu.memory_space<hbm>>
    tpu.enqueue_dma source(%dma_start3A_604 : memref<8x128xf32, #tpu.memory_space<hbm>>) target(%dma_start3A_603 : memref<8x128xf32, #tpu.memory_space<vmem>>) target_semaphore(%arg8 : memref<!tpu.dma_semaphore, #tpu.memory_space<semaphore_mem>>)
    %get3A_605 = arith.constant 16 : index
    %get3A_606 = tpu.vector_load %arg5[%get3A_605] {strides = array<i32>} : memref<32xi32, #tpu.memory_space<vmem>>, vector<16xi32>,
    %max3A_607 = arith.constant 0 : i32
    %max3A_608 = vector.broadcast %max3A_607 : i32 to vector<16xi32>
    %max3A_609 = arith.maxsi %get3A_606, %max3A_608 : vector<16xi32>
    %slice3A_610 = vector.extract_strided_slice %max3A_609 {offsets = [13], sizes = [1], strides = [1]} : vector<16xi32> to vector<1xi32>
    %squeeze3A_611 = vector.extract %slice3A_610[0] : i32 from vector<1xi32>
    %and3A_612 = arith.constant -128 : i32
    %and3A_613 = arith.andi %squeeze3A_611, %and3A_612 : i32
    %multiple_of3A_614 = tpu.assume_multiple %and3A_613, 128 : i32
    %add3A_615 = arith.constant 24 : i32
    %add3A_616 = arith.addi %mul3A_2, %add3A_615 : i32
    %multiple_of3A_617 = tpu.assume_multiple %add3A_616, 8 : i32
    %dma_start3A_618 = arith.constant 232 : i32
    %dma_start3A_619 = arith.constant 0 : i32
    %dma_start3A_620 = tpu.memref_slice %arg6[%dma_start3A_618, %dma_start3A_619] : memref<256x128xf32, #tpu.memory_space<vmem>> -> memref<8x128xf32, #tpu.memory_space<vmem>>
    %dma_start3A_621 = tpu.memref_slice %arg2[%multiple_of3A_617, %multiple_of3A_614] : memref<1024x100000xf32, #tpu.memory_space<hbm>> -> memref<8x128xf32, #tpu.memory_space<hbm>>
    %dma_start3A_622 = arith.constant 232 : i32
    %dma_start3A_623 = arith.constant 0 : i32
    %dma_start3A_624 = tpu.memref_slice %arg6[%dma_start3A_622, %dma_start3A_623] : memref<256x128xf32, #tpu.memory_space<vmem>> -> memref<8x128xf32, #tpu.memory_space<vmem>>
    %dma_start3A_625 = tpu.memref_slice %arg2[%multiple_of3A_617, %multiple_of3A_614] : memref<1024x100000xf32, #tpu.memory_space<hbm>> -> memref<8x128xf32, #tpu.memory_space<hbm>>
    tpu.enqueue_dma source(%dma_start3A_625 : memref<8x128xf32, #tpu.memory_space<hbm>>) target(%dma_start3A_624 : memref<8x128xf32, #tpu.memory_space<vmem>>) target_semaphore(%arg8 : memref<!tpu.dma_semaphore, #tpu.memory_space<semaphore_mem>>)
    %get3A_626 = arith.constant 16 : index
    %get3A_627 = tpu.vector_load %arg5[%get3A_626] {strides = array<i32>} : memref<32xi32, #tpu.memory_space<vmem>>, vector<16xi32>,
    %max3A_628 = arith.constant 0 : i32
    %max3A_629 = vector.broadcast %max3A_628 : i32 to vector<16xi32>
    %max3A_630 = arith.maxsi %get3A_627, %max3A_629 : vector<16xi32>
    %slice3A_631 = vector.extract_strided_slice %max3A_630 {offsets = [14], sizes = [1], strides = [1]} : vector<16xi32> to vector<1xi32>
    %squeeze3A_632 = vector.extract %slice3A_631[0] : i32 from vector<1xi32>
    %and3A_633 = arith.constant -128 : i32
    %and3A_634 = arith.andi %squeeze3A_632, %and3A_633 : i32
    %multiple_of3A_635 = tpu.assume_multiple %and3A_634, 128 : i32
    %add3A_636 = arith.constant 24 : i32
    %add3A_637 = arith.addi %mul3A_2, %add3A_636 : i32
    %multiple_of3A_638 = tpu.assume_multiple %add3A_637, 8 : i32
    %dma_start3A_639 = arith.constant 240 : i32
    %dma_start3A_640 = arith.constant 0 : i32
    %dma_start3A_641 = tpu.memref_slice %arg6[%dma_start3A_639, %dma_start3A_640] : memref<256x128xf32, #tpu.memory_space<vmem>> -> memref<8x128xf32, #tpu.memory_space<vmem>>
    %dma_start3A_642 = tpu.memref_slice %arg2[%multiple_of3A_638, %multiple_of3A_635] : memref<1024x100000xf32, #tpu.memory_space<hbm>> -> memref<8x128xf32, #tpu.memory_space<hbm>>
    %dma_start3A_643 = arith.constant 240 : i32
    %dma_start3A_644 = arith.constant 0 : i32
    %dma_start3A_645 = tpu.memref_slice %arg6[%dma_start3A_643, %dma_start3A_644] : memref<256x128xf32, #tpu.memory_space<vmem>> -> memref<8x128xf32, #tpu.memory_space<vmem>>
    %dma_start3A_646 = tpu.memref_slice %arg2[%multiple_of3A_638, %multiple_of3A_635] : memref<1024x100000xf32, #tpu.memory_space<hbm>> -> memref<8x128xf32, #tpu.memory_space<hbm>>
    tpu.enqueue_dma source(%dma_start3A_646 : memref<8x128xf32, #tpu.memory_space<hbm>>) target(%dma_start3A_645 : memref<8x128xf32, #tpu.memory_space<vmem>>) target_semaphore(%arg8 : memref<!tpu.dma_semaphore, #tpu.memory_space<semaphore_mem>>)
    %get3A_647 = arith.constant 16 : index
    %get3A_648 = tpu.vector_load %arg5[%get3A_647] {strides = array<i32>} : memref<32xi32, #tpu.memory_space<vmem>>, vector<16xi32>,
    %max3A_649 = arith.constant 0 : i32
    %max3A_650 = vector.broadcast %max3A_649 : i32 to vector<16xi32>
    %max3A_651 = arith.maxsi %get3A_648, %max3A_650 : vector<16xi32>
    %slice3A_652 = vector.extract_strided_slice %max3A_651 {offsets = [15], sizes = [1], strides = [1]} : vector<16xi32> to vector<1xi32>
    %squeeze3A_653 = vector.extract %slice3A_652[0] : i32 from vector<1xi32>
    %and3A_654 = arith.constant -128 : i32
    %and3A_655 = arith.andi %squeeze3A_653, %and3A_654 : i32
    %multiple_of3A_656 = tpu.assume_multiple %and3A_655, 128 : i32
    %add3A_657 = arith.constant 24 : i32
    %add3A_658 = arith.addi %mul3A_2, %add3A_657 : i32
    %multiple_of3A_659 = tpu.assume_multiple %add3A_658, 8 : i32
    %dma_start3A_660 = arith.constant 248 : i32
    %dma_start3A_661 = arith.constant 0 : i32
    %dma_start3A_662 = tpu.memref_slice %arg6[%dma_start3A_660, %dma_start3A_661] : memref<256x128xf32, #tpu.memory_space<vmem>> -> memref<8x128xf32, #tpu.memory_space<vmem>>
    %dma_start3A_663 = tpu.memref_slice %arg2[%multiple_of3A_659, %multiple_of3A_656] : memref<1024x100000xf32, #tpu.memory_space<hbm>> -> memref<8x128xf32, #tpu.memory_space<hbm>>
    %dma_start3A_664 = arith.constant 248 : i32
    %dma_start3A_665 = arith.constant 0 : i32
    %dma_start3A_666 = tpu.memref_slice %arg6[%dma_start3A_664, %dma_start3A_665] : memref<256x128xf32, #tpu.memory_space<vmem>> -> memref<8x128xf32, #tpu.memory_space<vmem>>
    %dma_start3A_667 = tpu.memref_slice %arg2[%multiple_of3A_659, %multiple_of3A_656] : memref<1024x100000xf32, #tpu.memory_space<hbm>> -> memref<8x128xf32, #tpu.memory_space<hbm>>
    tpu.enqueue_dma source(%dma_start3A_667 : memref<8x128xf32, #tpu.memory_space<hbm>>) target(%dma_start3A_666 : memref<8x128xf32, #tpu.memory_space<vmem>>) target_semaphore(%arg8 : memref<!tpu.dma_semaphore, #tpu.memory_space<semaphore_mem>>)
    %dma_wait3A = arith.constant 0 : i32
    %dma_wait3A_668 = arith.constant 0 : i32
    %dma_wait3A_669 = tpu.memref_slice %arg6[%dma_wait3A, %dma_wait3A_668] : memref<256x128xf32, #tpu.memory_space<vmem>> -> memref<8x128xf32, #tpu.memory_space<vmem>>
    %dma_wait3A_670 = tpu.memref_slice %arg2[%multiple_of3A_9, %multiple_of3A] : memref<1024x100000xf32, #tpu.memory_space<hbm>> -> memref<8x128xf32, #tpu.memory_space<hbm>>
    %dma_wait3A_671 = arith.constant 0 : i32
    %dma_wait3A_672 = arith.constant 0 : i32
    %dma_wait3A_673 = tpu.memref_slice %arg6[%dma_wait3A_671, %dma_wait3A_672] : memref<256x128xf32, #tpu.memory_space<vmem>> -> memref<8x128xf32, #tpu.memory_space<vmem>>
    %dma_wait3A_674 = tpu.memref_slice %arg2[%multiple_of3A_9, %multiple_of3A] : memref<1024x100000xf32, #tpu.memory_space<hbm>> -> memref<8x128xf32, #tpu.memory_space<hbm>>
    tpu.wait_dma2 semaphore(%arg8 : memref<!tpu.dma_semaphore, #tpu.memory_space<semaphore_mem>>) src(%dma_wait3A_674 : memref<8x128xf32, #tpu.memory_space<hbm>>) dst(%dma_wait3A_673 : memref<8x128xf32, #tpu.memory_space<vmem>>)
    %dma_wait3A_675 = arith.constant 8 : i32
    %dma_wait3A_676 = arith.constant 0 : i32
    %dma_wait3A_677 = tpu.memref_slice %arg6[%dma_wait3A_675, %dma_wait3A_676] : memref<256x128xf32, #tpu.memory_space<vmem>> -> memref<8x128xf32, #tpu.memory_space<vmem>>
    %dma_wait3A_678 = tpu.memref_slice %arg2[%multiple_of3A_29, %multiple_of3A_26] : memref<1024x100000xf32, #tpu.memory_space<hbm>> -> memref<8x128xf32, #tpu.memory_space<hbm>>
    %dma_wait3A_679 = arith.constant 8 : i32
    %dma_wait3A_680 = arith.constant 0 : i32
    %dma_wait3A_681 = tpu.memref_slice %arg6[%dma_wait3A_679, %dma_wait3A_680] : memref<256x128xf32, #tpu.memory_space<vmem>> -> memref<8x128xf32, #tpu.memory_space<vmem>>
    %dma_wait3A_682 = tpu.memref_slice %arg2[%multiple_of3A_29, %multiple_of3A_26] : memref<1024x100000xf32, #tpu.memory_space<hbm>> -> memref<8x128xf32, #tpu.memory_space<hbm>>
    tpu.wait_dma2 semaphore(%arg8 : memref<!tpu.dma_semaphore, #tpu.memory_space<semaphore_mem>>) src(%dma_wait3A_682 : memref<8x128xf32, #tpu.memory_space<hbm>>) dst(%dma_wait3A_681 : memref<8x128xf32, #tpu.memory_space<vmem>>)
    %dma_wait3A_683 = arith.constant 16 : i32
    %dma_wait3A_684 = arith.constant 0 : i32
    %dma_wait3A_685 = tpu.memref_slice %arg6[%dma_wait3A_683, %dma_wait3A_684] : memref<256x128xf32, #tpu.memory_space<vmem>> -> memref<8x128xf32, #tpu.memory_space<vmem>>
    %dma_wait3A_686 = tpu.memref_slice %arg2[%multiple_of3A_50, %multiple_of3A_47] : memref<1024x100000xf32, #tpu.memory_space<hbm>> -> memref<8x128xf32, #tpu.memory_space<hbm>>
    %dma_wait3A_687 = arith.constant 16 : i32
    %dma_wait3A_688 = arith.constant 0 : i32
    %dma_wait3A_689 = tpu.memref_slice %arg6[%dma_wait3A_687, %dma_wait3A_688] : memref<256x128xf32, #tpu.memory_space<vmem>> -> memref<8x128xf32, #tpu.memory_space<vmem>>
    %dma_wait3A_690 = tpu.memref_slice %arg2[%multiple_of3A_50, %multiple_of3A_47] : memref<1024x100000xf32, #tpu.memory_space<hbm>> -> memref<8x128xf32, #tpu.memory_space<hbm>>
    tpu.wait_dma2 semaphore(%arg8 : memref<!tpu.dma_semaphore, #tpu.memory_space<semaphore_mem>>) src(%dma_wait3A_690 : memref<8x128xf32, #tpu.memory_space<hbm>>) dst(%dma_wait3A_689 : memref<8x128xf32, #tpu.memory_space<vmem>>)
    %dma_wait3A_691 = arith.constant 24 : i32
    %dma_wait3A_692 = arith.constant 0 : i32
    %dma_wait3A_693 = tpu.memref_slice %arg6[%dma_wait3A_691, %dma_wait3A_692] : memref<256x128xf32, #tpu.memory_space<vmem>> -> memref<8x128xf32, #tpu.memory_space<vmem>>
    %dma_wait3A_694 = tpu.memref_slice %arg2[%multiple_of3A_71, %multiple_of3A_68] : memref<1024x100000xf32, #tpu.memory_space<hbm>> -> memref<8x128xf32, #tpu.memory_space<hbm>>
    %dma_wait3A_695 = arith.constant 24 : i32
    %dma_wait3A_696 = arith.constant 0 : i32
    %dma_wait3A_697 = tpu.memref_slice %arg6[%dma_wait3A_695, %dma_wait3A_696] : memref<256x128xf32, #tpu.memory_space<vmem>> -> memref<8x128xf32, #tpu.memory_space<vmem>>
    %dma_wait3A_698 = tpu.memref_slice %arg2[%multiple_of3A_71, %multiple_of3A_68] : memref<1024x100000xf32, #tpu.memory_space<hbm>> -> memref<8x128xf32, #tpu.memory_space<hbm>>
    tpu.wait_dma2 semaphore(%arg8 : memref<!tpu.dma_semaphore, #tpu.memory_space<semaphore_mem>>) src(%dma_wait3A_698 : memref<8x128xf32, #tpu.memory_space<hbm>>) dst(%dma_wait3A_697 : memref<8x128xf32, #tpu.memory_space<vmem>>)
    %dma_wait3A_699 = arith.constant 32 : i32
    %dma_wait3A_700 = arith.constant 0 : i32
    %dma_wait3A_701 = tpu.memref_slice %arg6[%dma_wait3A_699, %dma_wait3A_700] : memref<256x128xf32, #tpu.memory_space<vmem>> -> memref<8x128xf32, #tpu.memory_space<vmem>>
    %dma_wait3A_702 = tpu.memref_slice %arg2[%multiple_of3A_92, %multiple_of3A_89] : memref<1024x100000xf32, #tpu.memory_space<hbm>> -> memref<8x128xf32, #tpu.memory_space<hbm>>
    %dma_wait3A_703 = arith.constant 32 : i32
    %dma_wait3A_704 = arith.constant 0 : i32
    %dma_wait3A_705 = tpu.memref_slice %arg6[%dma_wait3A_703, %dma_wait3A_704] : memref<256x128xf32, #tpu.memory_space<vmem>> -> memref<8x128xf32, #tpu.memory_space<vmem>>
    %dma_wait3A_706 = tpu.memref_slice %arg2[%multiple_of3A_92, %multiple_of3A_89] : memref<1024x100000xf32, #tpu.memory_space<hbm>> -> memref<8x128xf32, #tpu.memory_space<hbm>>
    tpu.wait_dma2 semaphore(%arg8 : memref<!tpu.dma_semaphore, #tpu.memory_space<semaphore_mem>>) src(%dma_wait3A_706 : memref<8x128xf32, #tpu.memory_space<hbm>>) dst(%dma_wait3A_705 : memref<8x128xf32, #tpu.memory_space<vmem>>)
    %dma_wait3A_707 = arith.constant 40 : i32
    %dma_wait3A_708 = arith.constant 0 : i32
    %dma_wait3A_709 = tpu.memref_slice %arg6[%dma_wait3A_707, %dma_wait3A_708] : memref<256x128xf32, #tpu.memory_space<vmem>> -> memref<8x128xf32, #tpu.memory_space<vmem>>
    %dma_wait3A_710 = tpu.memref_slice %arg2[%multiple_of3A_113, %multiple_of3A_110] : memref<1024x100000xf32, #tpu.memory_space<hbm>> -> memref<8x128xf32, #tpu.memory_space<hbm>>
    %dma_wait3A_711 = arith.constant 40 : i32
    %dma_wait3A_712 = arith.constant 0 : i32
    %dma_wait3A_713 = tpu.memref_slice %arg6[%dma_wait3A_711, %dma_wait3A_712] : memref<256x128xf32, #tpu.memory_space<vmem>> -> memref<8x128xf32, #tpu.memory_space<vmem>>
    %dma_wait3A_714 = tpu.memref_slice %arg2[%multiple_of3A_113, %multiple_of3A_110] : memref<1024x100000xf32, #tpu.memory_space<hbm>> -> memref<8x128xf32, #tpu.memory_space<hbm>>
    tpu.wait_dma2 semaphore(%arg8 : memref<!tpu.dma_semaphore, #tpu.memory_space<semaphore_mem>>) src(%dma_wait3A_714 : memref<8x128xf32, #tpu.memory_space<hbm>>) dst(%dma_wait3A_713 : memref<8x128xf32, #tpu.memory_space<vmem>>)
    %dma_wait3A_715 = arith.constant 48 : i32
    %dma_wait3A_716 = arith.constant 0 : i32
    %dma_wait3A_717 = tpu.memref_slice %arg6[%dma_wait3A_715, %dma_wait3A_716] : memref<256x128xf32, #tpu.memory_space<vmem>> -> memref<8x128xf32, #tpu.memory_space<vmem>>
    %dma_wait3A_718 = tpu.memref_slice %arg2[%multiple_of3A_134, %multiple_of3A_131] : memref<1024x100000xf32, #tpu.memory_space<hbm>> -> memref<8x128xf32, #tpu.memory_space<hbm>>
    %dma_wait3A_719 = arith.constant 48 : i32
    %dma_wait3A_720 = arith.constant 0 : i32
    %dma_wait3A_721 = tpu.memref_slice %arg6[%dma_wait3A_719, %dma_wait3A_720] : memref<256x128xf32, #tpu.memory_space<vmem>> -> memref<8x128xf32, #tpu.memory_space<vmem>>
    %dma_wait3A_722 = tpu.memref_slice %arg2[%multiple_of3A_134, %multiple_of3A_131] : memref<1024x100000xf32, #tpu.memory_space<hbm>> -> memref<8x128xf32, #tpu.memory_space<hbm>>
    tpu.wait_dma2 semaphore(%arg8 : memref<!tpu.dma_semaphore, #tpu.memory_space<semaphore_mem>>) src(%dma_wait3A_722 : memref<8x128xf32, #tpu.memory_space<hbm>>) dst(%dma_wait3A_721 : memref<8x128xf32, #tpu.memory_space<vmem>>)
    %dma_wait3A_723 = arith.constant 56 : i32
    %dma_wait3A_724 = arith.constant 0 : i32
    %dma_wait3A_725 = tpu.memref_slice %arg6[%dma_wait3A_723, %dma_wait3A_724] : memref<256x128xf32, #tpu.memory_space<vmem>> -> memref<8x128xf32, #tpu.memory_space<vmem>>
    %dma_wait3A_726 = tpu.memref_slice %arg2[%multiple_of3A_155, %multiple_of3A_152] : memref<1024x100000xf32, #tpu.memory_space<hbm>> -> memref<8x128xf32, #tpu.memory_space<hbm>>
    %dma_wait3A_727 = arith.constant 56 : i32
    %dma_wait3A_728 = arith.constant 0 : i32
    %dma_wait3A_729 = tpu.memref_slice %arg6[%dma_wait3A_727, %dma_wait3A_728] : memref<256x128xf32, #tpu.memory_space<vmem>> -> memref<8x128xf32, #tpu.memory_space<vmem>>
    %dma_wait3A_730 = tpu.memref_slice %arg2[%multiple_of3A_155, %multiple_of3A_152] : memref<1024x100000xf32, #tpu.memory_space<hbm>> -> memref<8x128xf32, #tpu.memory_space<hbm>>
    tpu.wait_dma2 semaphore(%arg8 : memref<!tpu.dma_semaphore, #tpu.memory_space<semaphore_mem>>) src(%dma_wait3A_730 : memref<8x128xf32, #tpu.memory_space<hbm>>) dst(%dma_wait3A_729 : memref<8x128xf32, #tpu.memory_space<vmem>>)
    %dma_wait3A_731 = arith.constant 64 : i32
    %dma_wait3A_732 = arith.constant 0 : i32
    %dma_wait3A_733 = tpu.memref_slice %arg6[%dma_wait3A_731, %dma_wait3A_732] : memref<256x128xf32, #tpu.memory_space<vmem>> -> memref<8x128xf32, #tpu.memory_space<vmem>>
    %dma_wait3A_734 = tpu.memref_slice %arg2[%multiple_of3A_176, %multiple_of3A_173] : memref<1024x100000xf32, #tpu.memory_space<hbm>> -> memref<8x128xf32, #tpu.memory_space<hbm>>
    %dma_wait3A_735 = arith.constant 64 : i32
    %dma_wait3A_736 = arith.constant 0 : i32
    %dma_wait3A_737 = tpu.memref_slice %arg6[%dma_wait3A_735, %dma_wait3A_736] : memref<256x128xf32, #tpu.memory_space<vmem>> -> memref<8x128xf32, #tpu.memory_space<vmem>>
    %dma_wait3A_738 = tpu.memref_slice %arg2[%multiple_of3A_176, %multiple_of3A_173] : memref<1024x100000xf32, #tpu.memory_space<hbm>> -> memref<8x128xf32, #tpu.memory_space<hbm>>
    tpu.wait_dma2 semaphore(%arg8 : memref<!tpu.dma_semaphore, #tpu.memory_space<semaphore_mem>>) src(%dma_wait3A_738 : memref<8x128xf32, #tpu.memory_space<hbm>>) dst(%dma_wait3A_737 : memref<8x128xf32, #tpu.memory_space<vmem>>)
    %dma_wait3A_739 = arith.constant 72 : i32
    %dma_wait3A_740 = arith.constant 0 : i32
    %dma_wait3A_741 = tpu.memref_slice %arg6[%dma_wait3A_739, %dma_wait3A_740] : memref<256x128xf32, #tpu.memory_space<vmem>> -> memref<8x128xf32, #tpu.memory_space<vmem>>
    %dma_wait3A_742 = tpu.memref_slice %arg2[%multiple_of3A_197, %multiple_of3A_194] : memref<1024x100000xf32, #tpu.memory_space<hbm>> -> memref<8x128xf32, #tpu.memory_space<hbm>>
    %dma_wait3A_743 = arith.constant 72 : i32
    %dma_wait3A_744 = arith.constant 0 : i32
    %dma_wait3A_745 = tpu.memref_slice %arg6[%dma_wait3A_743, %dma_wait3A_744] : memref<256x128xf32, #tpu.memory_space<vmem>> -> memref<8x128xf32, #tpu.memory_space<vmem>>
    %dma_wait3A_746 = tpu.memref_slice %arg2[%multiple_of3A_197, %multiple_of3A_194] : memref<1024x100000xf32, #tpu.memory_space<hbm>> -> memref<8x128xf32, #tpu.memory_space<hbm>>
    tpu.wait_dma2 semaphore(%arg8 : memref<!tpu.dma_semaphore, #tpu.memory_space<semaphore_mem>>) src(%dma_wait3A_746 : memref<8x128xf32, #tpu.memory_space<hbm>>) dst(%dma_wait3A_745 : memref<8x128xf32, #tpu.memory_space<vmem>>)
    %dma_wait3A_747 = arith.constant 80 : i32
    %dma_wait3A_748 = arith.constant 0 : i32
    %dma_wait3A_749 = tpu.memref_slice %arg6[%dma_wait3A_747, %dma_wait3A_748] : memref<256x128xf32, #tpu.memory_space<vmem>> -> memref<8x128xf32, #tpu.memory_space<vmem>>
    %dma_wait3A_750 = tpu.memref_slice %arg2[%multiple_of3A_218, %multiple_of3A_215] : memref<1024x100000xf32, #tpu.memory_space<hbm>> -> memref<8x128xf32, #tpu.memory_space<hbm>>
    %dma_wait3A_751 = arith.constant 80 : i32
    %dma_wait3A_752 = arith.constant 0 : i32
    %dma_wait3A_753 = tpu.memref_slice %arg6[%dma_wait3A_751, %dma_wait3A_752] : memref<256x128xf32, #tpu.memory_space<vmem>> -> memref<8x128xf32, #tpu.memory_space<vmem>>
    %dma_wait3A_754 = tpu.memref_slice %arg2[%multiple_of3A_218, %multiple_of3A_215] : memref<1024x100000xf32, #tpu.memory_space<hbm>> -> memref<8x128xf32, #tpu.memory_space<hbm>>
    tpu.wait_dma2 semaphore(%arg8 : memref<!tpu.dma_semaphore, #tpu.memory_space<semaphore_mem>>) src(%dma_wait3A_754 : memref<8x128xf32, #tpu.memory_space<hbm>>) dst(%dma_wait3A_753 : memref<8x128xf32, #tpu.memory_space<vmem>>)
    %dma_wait3A_755 = arith.constant 88 : i32
    %dma_wait3A_756 = arith.constant 0 : i32
    %dma_wait3A_757 = tpu.memref_slice %arg6[%dma_wait3A_755, %dma_wait3A_756] : memref<256x128xf32, #tpu.memory_space<vmem>> -> memref<8x128xf32, #tpu.memory_space<vmem>>
    %dma_wait3A_758 = tpu.memref_slice %arg2[%multiple_of3A_239, %multiple_of3A_236] : memref<1024x100000xf32, #tpu.memory_space<hbm>> -> memref<8x128xf32, #tpu.memory_space<hbm>>
    %dma_wait3A_759 = arith.constant 88 : i32
    %dma_wait3A_760 = arith.constant 0 : i32
    %dma_wait3A_761 = tpu.memref_slice %arg6[%dma_wait3A_759, %dma_wait3A_760] : memref<256x128xf32, #tpu.memory_space<vmem>> -> memref<8x128xf32, #tpu.memory_space<vmem>>
    %dma_wait3A_762 = tpu.memref_slice %arg2[%multiple_of3A_239, %multiple_of3A_236] : memref<1024x100000xf32, #tpu.memory_space<hbm>> -> memref<8x128xf32, #tpu.memory_space<hbm>>
    tpu.wait_dma2 semaphore(%arg8 : memref<!tpu.dma_semaphore, #tpu.memory_space<semaphore_mem>>) src(%dma_wait3A_762 : memref<8x128xf32, #tpu.memory_space<hbm>>) dst(%dma_wait3A_761 : memref<8x128xf32, #tpu.memory_space<vmem>>)
    %dma_wait3A_763 = arith.constant 96 : i32
    %dma_wait3A_764 = arith.constant 0 : i32
    %dma_wait3A_765 = tpu.memref_slice %arg6[%dma_wait3A_763, %dma_wait3A_764] : memref<256x128xf32, #tpu.memory_space<vmem>> -> memref<8x128xf32, #tpu.memory_space<vmem>>
    %dma_wait3A_766 = tpu.memref_slice %arg2[%multiple_of3A_260, %multiple_of3A_257] : memref<1024x100000xf32, #tpu.memory_space<hbm>> -> memref<8x128xf32, #tpu.memory_space<hbm>>
    %dma_wait3A_767 = arith.constant 96 : i32
    %dma_wait3A_768 = arith.constant 0 : i32
    %dma_wait3A_769 = tpu.memref_slice %arg6[%dma_wait3A_767, %dma_wait3A_768] : memref<256x128xf32, #tpu.memory_space<vmem>> -> memref<8x128xf32, #tpu.memory_space<vmem>>
    %dma_wait3A_770 = tpu.memref_slice %arg2[%multiple_of3A_260, %multiple_of3A_257] : memref<1024x100000xf32, #tpu.memory_space<hbm>> -> memref<8x128xf32, #tpu.memory_space<hbm>>
    tpu.wait_dma2 semaphore(%arg8 : memref<!tpu.dma_semaphore, #tpu.memory_space<semaphore_mem>>) src(%dma_wait3A_770 : memref<8x128xf32, #tpu.memory_space<hbm>>) dst(%dma_wait3A_769 : memref<8x128xf32, #tpu.memory_space<vmem>>)
    %dma_wait3A_771 = arith.constant 104 : i32
    %dma_wait3A_772 = arith.constant 0 : i32
    %dma_wait3A_773 = tpu.memref_slice %arg6[%dma_wait3A_771, %dma_wait3A_772] : memref<256x128xf32, #tpu.memory_space<vmem>> -> memref<8x128xf32, #tpu.memory_space<vmem>>
    %dma_wait3A_774 = tpu.memref_slice %arg2[%multiple_of3A_281, %multiple_of3A_278] : memref<1024x100000xf32, #tpu.memory_space<hbm>> -> memref<8x128xf32, #tpu.memory_space<hbm>>
    %dma_wait3A_775 = arith.constant 104 : i32
    %dma_wait3A_776 = arith.constant 0 : i32
    %dma_wait3A_777 = tpu.memref_slice %arg6[%dma_wait3A_775, %dma_wait3A_776] : memref<256x128xf32, #tpu.memory_space<vmem>> -> memref<8x128xf32, #tpu.memory_space<vmem>>
    %dma_wait3A_778 = tpu.memref_slice %arg2[%multiple_of3A_281, %multiple_of3A_278] : memref<1024x100000xf32, #tpu.memory_space<hbm>> -> memref<8x128xf32, #tpu.memory_space<hbm>>
    tpu.wait_dma2 semaphore(%arg8 : memref<!tpu.dma_semaphore, #tpu.memory_space<semaphore_mem>>) src(%dma_wait3A_778 : memref<8x128xf32, #tpu.memory_space<hbm>>) dst(%dma_wait3A_777 : memref<8x128xf32, #tpu.memory_space<vmem>>)
    %dma_wait3A_779 = arith.constant 112 : i32
    %dma_wait3A_780 = arith.constant 0 : i32
    %dma_wait3A_781 = tpu.memref_slice %arg6[%dma_wait3A_779, %dma_wait3A_780] : memref<256x128xf32, #tpu.memory_space<vmem>> -> memref<8x128xf32, #tpu.memory_space<vmem>>
    %dma_wait3A_782 = tpu.memref_slice %arg2[%multiple_of3A_302, %multiple_of3A_299] : memref<1024x100000xf32, #tpu.memory_space<hbm>> -> memref<8x128xf32, #tpu.memory_space<hbm>>
    %dma_wait3A_783 = arith.constant 112 : i32
    %dma_wait3A_784 = arith.constant 0 : i32
    %dma_wait3A_785 = tpu.memref_slice %arg6[%dma_wait3A_783, %dma_wait3A_784] : memref<256x128xf32, #tpu.memory_space<vmem>> -> memref<8x128xf32, #tpu.memory_space<vmem>>
    %dma_wait3A_786 = tpu.memref_slice %arg2[%multiple_of3A_302, %multiple_of3A_299] : memref<1024x100000xf32, #tpu.memory_space<hbm>> -> memref<8x128xf32, #tpu.memory_space<hbm>>
    tpu.wait_dma2 semaphore(%arg8 : memref<!tpu.dma_semaphore, #tpu.memory_space<semaphore_mem>>) src(%dma_wait3A_786 : memref<8x128xf32, #tpu.memory_space<hbm>>) dst(%dma_wait3A_785 : memref<8x128xf32, #tpu.memory_space<vmem>>)
    %dma_wait3A_787 = arith.constant 120 : i32
    %dma_wait3A_788 = arith.constant 0 : i32
    %dma_wait3A_789 = tpu.memref_slice %arg6[%dma_wait3A_787, %dma_wait3A_788] : memref<256x128xf32, #tpu.memory_space<vmem>> -> memref<8x128xf32, #tpu.memory_space<vmem>>
    %dma_wait3A_790 = tpu.memref_slice %arg2[%multiple_of3A_323, %multiple_of3A_320] : memref<1024x100000xf32, #tpu.memory_space<hbm>> -> memref<8x128xf32, #tpu.memory_space<hbm>>
    %dma_wait3A_791 = arith.constant 120 : i32
    %dma_wait3A_792 = arith.constant 0 : i32
    %dma_wait3A_793 = tpu.memref_slice %arg6[%dma_wait3A_791, %dma_wait3A_792] : memref<256x128xf32, #tpu.memory_space<vmem>> -> memref<8x128xf32, #tpu.memory_space<vmem>>
    %dma_wait3A_794 = tpu.memref_slice %arg2[%multiple_of3A_323, %multiple_of3A_320] : memref<1024x100000xf32, #tpu.memory_space<hbm>> -> memref<8x128xf32, #tpu.memory_space<hbm>>
    tpu.wait_dma2 semaphore(%arg8 : memref<!tpu.dma_semaphore, #tpu.memory_space<semaphore_mem>>) src(%dma_wait3A_794 : memref<8x128xf32, #tpu.memory_space<hbm>>) dst(%dma_wait3A_793 : memref<8x128xf32, #tpu.memory_space<vmem>>)
    %dma_wait3A_795 = arith.constant 128 : i32
    %dma_wait3A_796 = arith.constant 0 : i32
    %dma_wait3A_797 = tpu.memref_slice %arg6[%dma_wait3A_795, %dma_wait3A_796] : memref<256x128xf32, #tpu.memory_space<vmem>> -> memref<8x128xf32, #tpu.memory_space<vmem>>
    %dma_wait3A_798 = tpu.memref_slice %arg2[%multiple_of3A_344, %multiple_of3A_341] : memref<1024x100000xf32, #tpu.memory_space<hbm>> -> memref<8x128xf32, #tpu.memory_space<hbm>>
    %dma_wait3A_799 = arith.constant 128 : i32
    %dma_wait3A_800 = arith.constant 0 : i32
    %dma_wait3A_801 = tpu.memref_slice %arg6[%dma_wait3A_799, %dma_wait3A_800] : memref<256x128xf32, #tpu.memory_space<vmem>> -> memref<8x128xf32, #tpu.memory_space<vmem>>
    %dma_wait3A_802 = tpu.memref_slice %arg2[%multiple_of3A_344, %multiple_of3A_341] : memref<1024x100000xf32, #tpu.memory_space<hbm>> -> memref<8x128xf32, #tpu.memory_space<hbm>>
    tpu.wait_dma2 semaphore(%arg8 : memref<!tpu.dma_semaphore, #tpu.memory_space<semaphore_mem>>) src(%dma_wait3A_802 : memref<8x128xf32, #tpu.memory_space<hbm>>) dst(%dma_wait3A_801 : memref<8x128xf32, #tpu.memory_space<vmem>>)
    %dma_wait3A_803 = arith.constant 136 : i32
    %dma_wait3A_804 = arith.constant 0 : i32
    %dma_wait3A_805 = tpu.memref_slice %arg6[%dma_wait3A_803, %dma_wait3A_804] : memref<256x128xf32, #tpu.memory_space<vmem>> -> memref<8x128xf32, #tpu.memory_space<vmem>>
    %dma_wait3A_806 = tpu.memref_slice %arg2[%multiple_of3A_365, %multiple_of3A_362] : memref<1024x100000xf32, #tpu.memory_space<hbm>> -> memref<8x128xf32, #tpu.memory_space<hbm>>
    %dma_wait3A_807 = arith.constant 136 : i32
    %dma_wait3A_808 = arith.constant 0 : i32
    %dma_wait3A_809 = tpu.memref_slice %arg6[%dma_wait3A_807, %dma_wait3A_808] : memref<256x128xf32, #tpu.memory_space<vmem>> -> memref<8x128xf32, #tpu.memory_space<vmem>>
    %dma_wait3A_810 = tpu.memref_slice %arg2[%multiple_of3A_365, %multiple_of3A_362] : memref<1024x100000xf32, #tpu.memory_space<hbm>> -> memref<8x128xf32, #tpu.memory_space<hbm>>
    tpu.wait_dma2 semaphore(%arg8 : memref<!tpu.dma_semaphore, #tpu.memory_space<semaphore_mem>>) src(%dma_wait3A_810 : memref<8x128xf32, #tpu.memory_space<hbm>>) dst(%dma_wait3A_809 : memref<8x128xf32, #tpu.memory_space<vmem>>)
    %dma_wait3A_811 = arith.constant 144 : i32
    %dma_wait3A_812 = arith.constant 0 : i32
    %dma_wait3A_813 = tpu.memref_slice %arg6[%dma_wait3A_811, %dma_wait3A_812] : memref<256x128xf32, #tpu.memory_space<vmem>> -> memref<8x128xf32, #tpu.memory_space<vmem>>
    %dma_wait3A_814 = tpu.memref_slice %arg2[%multiple_of3A_386, %multiple_of3A_383] : memref<1024x100000xf32, #tpu.memory_space<hbm>> -> memref<8x128xf32, #tpu.memory_space<hbm>>
    %dma_wait3A_815 = arith.constant 144 : i32
    %dma_wait3A_816 = arith.constant 0 : i32
    %dma_wait3A_817 = tpu.memref_slice %arg6[%dma_wait3A_815, %dma_wait3A_816] : memref<256x128xf32, #tpu.memory_space<vmem>> -> memref<8x128xf32, #tpu.memory_space<vmem>>
    %dma_wait3A_818 = tpu.memref_slice %arg2[%multiple_of3A_386, %multiple_of3A_383] : memref<1024x100000xf32, #tpu.memory_space<hbm>> -> memref<8x128xf32, #tpu.memory_space<hbm>>
    tpu.wait_dma2 semaphore(%arg8 : memref<!tpu.dma_semaphore, #tpu.memory_space<semaphore_mem>>) src(%dma_wait3A_818 : memref<8x128xf32, #tpu.memory_space<hbm>>) dst(%dma_wait3A_817 : memref<8x128xf32, #tpu.memory_space<vmem>>)
    %dma_wait3A_819 = arith.constant 152 : i32
    %dma_wait3A_820 = arith.constant 0 : i32
    %dma_wait3A_821 = tpu.memref_slice %arg6[%dma_wait3A_819, %dma_wait3A_820] : memref<256x128xf32, #tpu.memory_space<vmem>> -> memref<8x128xf32, #tpu.memory_space<vmem>>
    %dma_wait3A_822 = tpu.memref_slice %arg2[%multiple_of3A_407, %multiple_of3A_404] : memref<1024x100000xf32, #tpu.memory_space<hbm>> -> memref<8x128xf32, #tpu.memory_space<hbm>>
    %dma_wait3A_823 = arith.constant 152 : i32
    %dma_wait3A_824 = arith.constant 0 : i32
    %dma_wait3A_825 = tpu.memref_slice %arg6[%dma_wait3A_823, %dma_wait3A_824] : memref<256x128xf32, #tpu.memory_space<vmem>> -> memref<8x128xf32, #tpu.memory_space<vmem>>
    %dma_wait3A_826 = tpu.memref_slice %arg2[%multiple_of3A_407, %multiple_of3A_404] : memref<1024x100000xf32, #tpu.memory_space<hbm>> -> memref<8x128xf32, #tpu.memory_space<hbm>>
    tpu.wait_dma2 semaphore(%arg8 : memref<!tpu.dma_semaphore, #tpu.memory_space<semaphore_mem>>) src(%dma_wait3A_826 : memref<8x128xf32, #tpu.memory_space<hbm>>) dst(%dma_wait3A_825 : memref<8x128xf32, #tpu.memory_space<vmem>>)
    %dma_wait3A_827 = arith.constant 160 : i32
    %dma_wait3A_828 = arith.constant 0 : i32
    %dma_wait3A_829 = tpu.memref_slice %arg6[%dma_wait3A_827, %dma_wait3A_828] : memref<256x128xf32, #tpu.memory_space<vmem>> -> memref<8x128xf32, #tpu.memory_space<vmem>>
    %dma_wait3A_830 = tpu.memref_slice %arg2[%multiple_of3A_428, %multiple_of3A_425] : memref<1024x100000xf32, #tpu.memory_space<hbm>> -> memref<8x128xf32, #tpu.memory_space<hbm>>
    %dma_wait3A_831 = arith.constant 160 : i32
    %dma_wait3A_832 = arith.constant 0 : i32
    %dma_wait3A_833 = tpu.memref_slice %arg6[%dma_wait3A_831, %dma_wait3A_832] : memref<256x128xf32, #tpu.memory_space<vmem>> -> memref<8x128xf32, #tpu.memory_space<vmem>>
    %dma_wait3A_834 = tpu.memref_slice %arg2[%multiple_of3A_428, %multiple_of3A_425] : memref<1024x100000xf32, #tpu.memory_space<hbm>> -> memref<8x128xf32, #tpu.memory_space<hbm>>
    tpu.wait_dma2 semaphore(%arg8 : memref<!tpu.dma_semaphore, #tpu.memory_space<semaphore_mem>>) src(%dma_wait3A_834 : memref<8x128xf32, #tpu.memory_space<hbm>>) dst(%dma_wait3A_833 : memref<8x128xf32, #tpu.memory_space<vmem>>)
    %dma_wait3A_835 = arith.constant 168 : i32
    %dma_wait3A_836 = arith.constant 0 : i32
    %dma_wait3A_837 = tpu.memref_slice %arg6[%dma_wait3A_835, %dma_wait3A_836] : memref<256x128xf32, #tpu.memory_space<vmem>> -> memref<8x128xf32, #tpu.memory_space<vmem>>
    %dma_wait3A_838 = tpu.memref_slice %arg2[%multiple_of3A_449, %multiple_of3A_446] : memref<1024x100000xf32, #tpu.memory_space<hbm>> -> memref<8x128xf32, #tpu.memory_space<hbm>>
    %dma_wait3A_839 = arith.constant 168 : i32
    %dma_wait3A_840 = arith.constant 0 : i32
    %dma_wait3A_841 = tpu.memref_slice %arg6[%dma_wait3A_839, %dma_wait3A_840] : memref<256x128xf32, #tpu.memory_space<vmem>> -> memref<8x128xf32, #tpu.memory_space<vmem>>
    %dma_wait3A_842 = tpu.memref_slice %arg2[%multiple_of3A_449, %multiple_of3A_446] : memref<1024x100000xf32, #tpu.memory_space<hbm>> -> memref<8x128xf32, #tpu.memory_space<hbm>>
    tpu.wait_dma2 semaphore(%arg8 : memref<!tpu.dma_semaphore, #tpu.memory_space<semaphore_mem>>) src(%dma_wait3A_842 : memref<8x128xf32, #tpu.memory_space<hbm>>) dst(%dma_wait3A_841 : memref<8x128xf32, #tpu.memory_space<vmem>>)
    %dma_wait3A_843 = arith.constant 176 : i32
    %dma_wait3A_844 = arith.constant 0 : i32
    %dma_wait3A_845 = tpu.memref_slice %arg6[%dma_wait3A_843, %dma_wait3A_844] : memref<256x128xf32, #tpu.memory_space<vmem>> -> memref<8x128xf32, #tpu.memory_space<vmem>>
    %dma_wait3A_846 = tpu.memref_slice %arg2[%multiple_of3A_470, %multiple_of3A_467] : memref<1024x100000xf32, #tpu.memory_space<hbm>> -> memref<8x128xf32, #tpu.memory_space<hbm>>
    %dma_wait3A_847 = arith.constant 176 : i32
    %dma_wait3A_848 = arith.constant 0 : i32
    %dma_wait3A_849 = tpu.memref_slice %arg6[%dma_wait3A_847, %dma_wait3A_848] : memref<256x128xf32, #tpu.memory_space<vmem>> -> memref<8x128xf32, #tpu.memory_space<vmem>>
    %dma_wait3A_850 = tpu.memref_slice %arg2[%multiple_of3A_470, %multiple_of3A_467] : memref<1024x100000xf32, #tpu.memory_space<hbm>> -> memref<8x128xf32, #tpu.memory_space<hbm>>
    tpu.wait_dma2 semaphore(%arg8 : memref<!tpu.dma_semaphore, #tpu.memory_space<semaphore_mem>>) src(%dma_wait3A_850 : memref<8x128xf32, #tpu.memory_space<hbm>>) dst(%dma_wait3A_849 : memref<8x128xf32, #tpu.memory_space<vmem>>)
    %dma_wait3A_851 = arith.constant 184 : i32
    %dma_wait3A_852 = arith.constant 0 : i32
    %dma_wait3A_853 = tpu.memref_slice %arg6[%dma_wait3A_851, %dma_wait3A_852] : memref<256x128xf32, #tpu.memory_space<vmem>> -> memref<8x128xf32, #tpu.memory_space<vmem>>
    %dma_wait3A_854 = tpu.memref_slice %arg2[%multiple_of3A_491, %multiple_of3A_488] : memref<1024x100000xf32, #tpu.memory_space<hbm>> -> memref<8x128xf32, #tpu.memory_space<hbm>>
    %dma_wait3A_855 = arith.constant 184 : i32
    %dma_wait3A_856 = arith.constant 0 : i32
    %dma_wait3A_857 = tpu.memref_slice %arg6[%dma_wait3A_855, %dma_wait3A_856] : memref<256x128xf32, #tpu.memory_space<vmem>> -> memref<8x128xf32, #tpu.memory_space<vmem>>
    %dma_wait3A_858 = tpu.memref_slice %arg2[%multiple_of3A_491, %multiple_of3A_488] : memref<1024x100000xf32, #tpu.memory_space<hbm>> -> memref<8x128xf32, #tpu.memory_space<hbm>>
    tpu.wait_dma2 semaphore(%arg8 : memref<!tpu.dma_semaphore, #tpu.memory_space<semaphore_mem>>) src(%dma_wait3A_858 : memref<8x128xf32, #tpu.memory_space<hbm>>) dst(%dma_wait3A_857 : memref<8x128xf32, #tpu.memory_space<vmem>>)
    %dma_wait3A_859 = arith.constant 192 : i32
    %dma_wait3A_860 = arith.constant 0 : i32
    %dma_wait3A_861 = tpu.memref_slice %arg6[%dma_wait3A_859, %dma_wait3A_860] : memref<256x128xf32, #tpu.memory_space<vmem>> -> memref<8x128xf32, #tpu.memory_space<vmem>>
    %dma_wait3A_862 = tpu.memref_slice %arg2[%multiple_of3A_512, %multiple_of3A_509] : memref<1024x100000xf32, #tpu.memory_space<hbm>> -> memref<8x128xf32, #tpu.memory_space<hbm>>
    %dma_wait3A_863 = arith.constant 192 : i32
    %dma_wait3A_864 = arith.constant 0 : i32
    %dma_wait3A_865 = tpu.memref_slice %arg6[%dma_wait3A_863, %dma_wait3A_864] : memref<256x128xf32, #tpu.memory_space<vmem>> -> memref<8x128xf32, #tpu.memory_space<vmem>>
    %dma_wait3A_866 = tpu.memref_slice %arg2[%multiple_of3A_512, %multiple_of3A_509] : memref<1024x100000xf32, #tpu.memory_space<hbm>> -> memref<8x128xf32, #tpu.memory_space<hbm>>
    tpu.wait_dma2 semaphore(%arg8 : memref<!tpu.dma_semaphore, #tpu.memory_space<semaphore_mem>>) src(%dma_wait3A_866 : memref<8x128xf32, #tpu.memory_space<hbm>>) dst(%dma_wait3A_865 : memref<8x128xf32, #tpu.memory_space<vmem>>)
    %dma_wait3A_867 = arith.constant 200 : i32
    %dma_wait3A_868 = arith.constant 0 : i32
    %dma_wait3A_869 = tpu.memref_slice %arg6[%dma_wait3A_867, %dma_wait3A_868] : memref<256x128xf32, #tpu.memory_space<vmem>> -> memref<8x128xf32, #tpu.memory_space<vmem>>
    %dma_wait3A_870 = tpu.memref_slice %arg2[%multiple_of3A_533, %multiple_of3A_530] : memref<1024x100000xf32, #tpu.memory_space<hbm>> -> memref<8x128xf32, #tpu.memory_space<hbm>>
    %dma_wait3A_871 = arith.constant 200 : i32
    %dma_wait3A_872 = arith.constant 0 : i32
    %dma_wait3A_873 = tpu.memref_slice %arg6[%dma_wait3A_871, %dma_wait3A_872] : memref<256x128xf32, #tpu.memory_space<vmem>> -> memref<8x128xf32, #tpu.memory_space<vmem>>
    %dma_wait3A_874 = tpu.memref_slice %arg2[%multiple_of3A_533, %multiple_of3A_530] : memref<1024x100000xf32, #tpu.memory_space<hbm>> -> memref<8x128xf32, #tpu.memory_space<hbm>>
    tpu.wait_dma2 semaphore(%arg8 : memref<!tpu.dma_semaphore, #tpu.memory_space<semaphore_mem>>) src(%dma_wait3A_874 : memref<8x128xf32, #tpu.memory_space<hbm>>) dst(%dma_wait3A_873 : memref<8x128xf32, #tpu.memory_space<vmem>>)
    %dma_wait3A_875 = arith.constant 208 : i32
    %dma_wait3A_876 = arith.constant 0 : i32
    %dma_wait3A_877 = tpu.memref_slice %arg6[%dma_wait3A_875, %dma_wait3A_876] : memref<256x128xf32, #tpu.memory_space<vmem>> -> memref<8x128xf32, #tpu.memory_space<vmem>>
    %dma_wait3A_878 = tpu.memref_slice %arg2[%multiple_of3A_554, %multiple_of3A_551] : memref<1024x100000xf32, #tpu.memory_space<hbm>> -> memref<8x128xf32, #tpu.memory_space<hbm>>
    %dma_wait3A_879 = arith.constant 208 : i32
    %dma_wait3A_880 = arith.constant 0 : i32
    %dma_wait3A_881 = tpu.memref_slice %arg6[%dma_wait3A_879, %dma_wait3A_880] : memref<256x128xf32, #tpu.memory_space<vmem>> -> memref<8x128xf32, #tpu.memory_space<vmem>>
    %dma_wait3A_882 = tpu.memref_slice %arg2[%multiple_of3A_554, %multiple_of3A_551] : memref<1024x100000xf32, #tpu.memory_space<hbm>> -> memref<8x128xf32, #tpu.memory_space<hbm>>
    tpu.wait_dma2 semaphore(%arg8 : memref<!tpu.dma_semaphore, #tpu.memory_space<semaphore_mem>>) src(%dma_wait3A_882 : memref<8x128xf32, #tpu.memory_space<hbm>>) dst(%dma_wait3A_881 : memref<8x128xf32, #tpu.memory_space<vmem>>)
    %dma_wait3A_883 = arith.constant 216 : i32
    %dma_wait3A_884 = arith.constant 0 : i32
    %dma_wait3A_885 = tpu.memref_slice %arg6[%dma_wait3A_883, %dma_wait3A_884] : memref<256x128xf32, #tpu.memory_space<vmem>> -> memref<8x128xf32, #tpu.memory_space<vmem>>
    %dma_wait3A_886 = tpu.memref_slice %arg2[%multiple_of3A_575, %multiple_of3A_572] : memref<1024x100000xf32, #tpu.memory_space<hbm>> -> memref<8x128xf32, #tpu.memory_space<hbm>>
    %dma_wait3A_887 = arith.constant 216 : i32
    %dma_wait3A_888 = arith.constant 0 : i32
    %dma_wait3A_889 = tpu.memref_slice %arg6[%dma_wait3A_887, %dma_wait3A_888] : memref<256x128xf32, #tpu.memory_space<vmem>> -> memref<8x128xf32, #tpu.memory_space<vmem>>
    %dma_wait3A_890 = tpu.memref_slice %arg2[%multiple_of3A_575, %multiple_of3A_572] : memref<1024x100000xf32, #tpu.memory_space<hbm>> -> memref<8x128xf32, #tpu.memory_space<hbm>>
    tpu.wait_dma2 semaphore(%arg8 : memref<!tpu.dma_semaphore, #tpu.memory_space<semaphore_mem>>) src(%dma_wait3A_890 : memref<8x128xf32, #tpu.memory_space<hbm>>) dst(%dma_wait3A_889 : memref<8x128xf32, #tpu.memory_space<vmem>>)
    %dma_wait3A_891 = arith.constant 224 : i32
    %dma_wait3A_892 = arith.constant 0 : i32
    %dma_wait3A_893 = tpu.memref_slice %arg6[%dma_wait3A_891, %dma_wait3A_892] : memref<256x128xf32, #tpu.memory_space<vmem>> -> memref<8x128xf32, #tpu.memory_space<vmem>>
    %dma_wait3A_894 = tpu.memref_slice %arg2[%multiple_of3A_596, %multiple_of3A_593] : memref<1024x100000xf32, #tpu.memory_space<hbm>> -> memref<8x128xf32, #tpu.memory_space<hbm>>
    %dma_wait3A_895 = arith.constant 224 : i32
    %dma_wait3A_896 = arith.constant 0 : i32
    %dma_wait3A_897 = tpu.memref_slice %arg6[%dma_wait3A_895, %dma_wait3A_896] : memref<256x128xf32, #tpu.memory_space<vmem>> -> memref<8x128xf32, #tpu.memory_space<vmem>>
    %dma_wait3A_898 = tpu.memref_slice %arg2[%multiple_of3A_596, %multiple_of3A_593] : memref<1024x100000xf32, #tpu.memory_space<hbm>> -> memref<8x128xf32, #tpu.memory_space<hbm>>
    tpu.wait_dma2 semaphore(%arg8 : memref<!tpu.dma_semaphore, #tpu.memory_space<semaphore_mem>>) src(%dma_wait3A_898 : memref<8x128xf32, #tpu.memory_space<hbm>>) dst(%dma_wait3A_897 : memref<8x128xf32, #tpu.memory_space<vmem>>)
    %dma_wait3A_899 = arith.constant 232 : i32
    %dma_wait3A_900 = arith.constant 0 : i32
    %dma_wait3A_901 = tpu.memref_slice %arg6[%dma_wait3A_899, %dma_wait3A_900] : memref<256x128xf32, #tpu.memory_space<vmem>> -> memref<8x128xf32, #tpu.memory_space<vmem>>
    %dma_wait3A_902 = tpu.memref_slice %arg2[%multiple_of3A_617, %multiple_of3A_614] : memref<1024x100000xf32, #tpu.memory_space<hbm>> -> memref<8x128xf32, #tpu.memory_space<hbm>>
    %dma_wait3A_903 = arith.constant 232 : i32
    %dma_wait3A_904 = arith.constant 0 : i32
    %dma_wait3A_905 = tpu.memref_slice %arg6[%dma_wait3A_903, %dma_wait3A_904] : memref<256x128xf32, #tpu.memory_space<vmem>> -> memref<8x128xf32, #tpu.memory_space<vmem>>
    %dma_wait3A_906 = tpu.memref_slice %arg2[%multiple_of3A_617, %multiple_of3A_614] : memref<1024x100000xf32, #tpu.memory_space<hbm>> -> memref<8x128xf32, #tpu.memory_space<hbm>>
    tpu.wait_dma2 semaphore(%arg8 : memref<!tpu.dma_semaphore, #tpu.memory_space<semaphore_mem>>) src(%dma_wait3A_906 : memref<8x128xf32, #tpu.memory_space<hbm>>) dst(%dma_wait3A_905 : memref<8x128xf32, #tpu.memory_space<vmem>>)
    %dma_wait3A_907 = arith.constant 240 : i32
    %dma_wait3A_908 = arith.constant 0 : i32
    %dma_wait3A_909 = tpu.memref_slice %arg6[%dma_wait3A_907, %dma_wait3A_908] : memref<256x128xf32, #tpu.memory_space<vmem>> -> memref<8x128xf32, #tpu.memory_space<vmem>>
    %dma_wait3A_910 = tpu.memref_slice %arg2[%multiple_of3A_638, %multiple_of3A_635] : memref<1024x100000xf32, #tpu.memory_space<hbm>> -> memref<8x128xf32, #tpu.memory_space<hbm>>
    %dma_wait3A_911 = arith.constant 240 : i32
    %dma_wait3A_912 = arith.constant 0 : i32
    %dma_wait3A_913 = tpu.memref_slice %arg6[%dma_wait3A_911, %dma_wait3A_912] : memref<256x128xf32, #tpu.memory_space<vmem>> -> memref<8x128xf32, #tpu.memory_space<vmem>>
    %dma_wait3A_914 = tpu.memref_slice %arg2[%multiple_of3A_638, %multiple_of3A_635] : memref<1024x100000xf32, #tpu.memory_space<hbm>> -> memref<8x128xf32, #tpu.memory_space<hbm>>
    tpu.wait_dma2 semaphore(%arg8 : memref<!tpu.dma_semaphore, #tpu.memory_space<semaphore_mem>>) src(%dma_wait3A_914 : memref<8x128xf32, #tpu.memory_space<hbm>>) dst(%dma_wait3A_913 : memref<8x128xf32, #tpu.memory_space<vmem>>)
    %dma_wait3A_915 = arith.constant 248 : i32
    %dma_wait3A_916 = arith.constant 0 : i32
    %dma_wait3A_917 = tpu.memref_slice %arg6[%dma_wait3A_915, %dma_wait3A_916] : memref<256x128xf32, #tpu.memory_space<vmem>> -> memref<8x128xf32, #tpu.memory_space<vmem>>
    %dma_wait3A_918 = tpu.memref_slice %arg2[%multiple_of3A_659, %multiple_of3A_656] : memref<1024x100000xf32, #tpu.memory_space<hbm>> -> memref<8x128xf32, #tpu.memory_space<hbm>>
    %dma_wait3A_919 = arith.constant 248 : i32
    %dma_wait3A_920 = arith.constant 0 : i32
    %dma_wait3A_921 = tpu.memref_slice %arg6[%dma_wait3A_919, %dma_wait3A_920] : memref<256x128xf32, #tpu.memory_space<vmem>> -> memref<8x128xf32, #tpu.memory_space<vmem>>
    %dma_wait3A_922 = tpu.memref_slice %arg2[%multiple_of3A_659, %multiple_of3A_656] : memref<1024x100000xf32, #tpu.memory_space<hbm>> -> memref<8x128xf32, #tpu.memory_space<hbm>>
    tpu.wait_dma2 semaphore(%arg8 : memref<!tpu.dma_semaphore, #tpu.memory_space<semaphore_mem>>) src(%dma_wait3A_922 : memref<8x128xf32, #tpu.memory_space<hbm>>) dst(%dma_wait3A_921 : memref<8x128xf32, #tpu.memory_space<vmem>>)
    %get3A_923 = arith.constant 0 : index
    %get3A_924 = tpu.vector_load %arg5[%get3A_923] {strides = array<i32>} : memref<32xi32, #tpu.memory_space<vmem>>, vector<16xi32>,
    %max3A_925 = arith.constant 0 : i32
    %max3A_926 = vector.broadcast %max3A_925 : i32 to vector<16xi32>
    %max3A_927 = arith.maxsi %get3A_924, %max3A_926 : vector<16xi32>
    %iota3A = tpu.iota {dimensions = array<i32: 0>} : vector<16xi32>
    %add3A_928 = arith.constant 0 : i32
    %add3A_929 = vector.broadcast %add3A_928 : i32 to vector<16xi32>
    %add3A_930 = arith.addi %iota3A, %add3A_929 : vector<16xi32>
    %mul3A_931 = arith.constant 8 : i32
    %mul3A_932 = vector.broadcast %mul3A_931 : i32 to vector<16xi32>
    %mul3A_933 = arith.muli %add3A_930, %mul3A_932 : vector<16xi32>
    %and3A_934 = arith.constant 7 : i32
    %and3A_935 = vector.broadcast %and3A_934 : i32 to vector<16xi32>
    %and3A_936 = arith.andi %add3A_930, %and3A_935 : vector<16xi32>
    %add3A_937 = arith.addi %mul3A_933, %and3A_936 : vector<16xi32>
    %and3A_938 = arith.constant 127 : i32
    %and3A_939 = vector.broadcast %and3A_938 : i32 to vector<16xi32>
    %and3A_940 = arith.andi %max3A_927, %and3A_939 : vector<16xi32>
    %gather3A = tpu.vector_load_idx %arg6[%add3A_937, %and3A_940] : memref<256x128xf32, #tpu.memory_space<vmem>>[vector<16xi32>, vector<16xi32>], vector<16xf32>,
    %swap3A = arith.constant 0 : index
    %swap3A_941 = tpu.vector_load %arg7[%swap3A] {strides = array<i32>} : memref<32xf32, #tpu.memory_space<vmem>>, vector<16xf32>,
    tpu.vector_store %arg7[%swap3A], %gather3A {strides = array<i32>} : memref<32xf32, #tpu.memory_space<vmem>>, vector<16xf32>,
    %get3A_942 = arith.constant 16 : index
    %get3A_943 = tpu.vector_load %arg5[%get3A_942] {strides = array<i32>} : memref<32xi32, #tpu.memory_space<vmem>>, vector<16xi32>,
    %max3A_944 = arith.constant 0 : i32
    %max3A_945 = vector.broadcast %max3A_944 : i32 to vector<16xi32>
    %max3A_946 = arith.maxsi %get3A_943, %max3A_945 : vector<16xi32>
    %iota3A_947 = tpu.iota {dimensions = array<i32: 0>} : vector<16xi32>
    %add3A_948 = arith.constant 16 : i32
    %add3A_949 = vector.broadcast %add3A_948 : i32 to vector<16xi32>
    %add3A_950 = arith.addi %iota3A_947, %add3A_949 : vector<16xi32>
    %mul3A_951 = arith.constant 8 : i32
    %mul3A_952 = vector.broadcast %mul3A_951 : i32 to vector<16xi32>
    %mul3A_953 = arith.muli %add3A_950, %mul3A_952 : vector<16xi32>
    %and3A_954 = arith.constant 7 : i32
    %and3A_955 = vector.broadcast %and3A_954 : i32 to vector<16xi32>
    %and3A_956 = arith.andi %add3A_950, %and3A_955 : vector<16xi32>
    %add3A_957 = arith.addi %mul3A_953, %and3A_956 : vector<16xi32>
    %and3A_958 = arith.constant 127 : i32
    %and3A_959 = vector.broadcast %and3A_958 : i32 to vector<16xi32>
    %and3A_960 = arith.andi %max3A_946, %and3A_959 : vector<16xi32>
    %gather3A_961 = tpu.vector_load_idx %arg6[%add3A_957, %and3A_960] : memref<256x128xf32, #tpu.memory_space<vmem>>[vector<16xi32>, vector<16xi32>], vector<16xf32>,
    %swap3A_962 = arith.constant 16 : index
    %swap3A_963 = tpu.vector_load %arg7[%swap3A_962] {strides = array<i32>} : memref<32xf32, #tpu.memory_space<vmem>>, vector<16xf32>,
    tpu.vector_store %arg7[%swap3A_962], %gather3A_961 {strides = array<i32>} : memref<32xf32, #tpu.memory_space<vmem>>, vector<16xf32>,
    "tpu.region"() ({
      %run_scoped3A = tpu.sem_alloc : memref<!tpu.dma_semaphore, #tpu.memory_space<semaphore_mem>>
      %dma_start3A_964 = tpu.memref_slice %arg4[%mul3A_2] : memref<1024xf32, #tpu.memory_space<hbm>> -> memref<32xf32, #tpu.memory_space<hbm>>
      %dma_start3A_965 = tpu.memref_slice %arg4[%mul3A_2] : memref<1024xf32, #tpu.memory_space<hbm>> -> memref<32xf32, #tpu.memory_space<hbm>>
      tpu.enqueue_dma source(%arg7 : memref<32xf32, #tpu.memory_space<vmem>>) target(%dma_start3A_965 : memref<32xf32, #tpu.memory_space<hbm>>) target_semaphore(%run_scoped3A : memref<!tpu.dma_semaphore, #tpu.memory_space<semaphore_mem>>)
      %dma_wait3A_966 = tpu.memref_slice %arg4[%mul3A_2] : memref<1024xf32, #tpu.memory_space<hbm>> -> memref<32xf32, #tpu.memory_space<hbm>>
      %dma_wait3A_967 = tpu.memref_slice %arg4[%mul3A_2] : memref<1024xf32, #tpu.memory_space<hbm>> -> memref<32xf32, #tpu.memory_space<hbm>>
      tpu.wait_dma2 semaphore(%run_scoped3A : memref<!tpu.dma_semaphore, #tpu.memory_space<semaphore_mem>>) src(%arg7 : memref<32xf32, #tpu.memory_space<vmem>>) dst(%dma_wait3A_967 : memref<32xf32, #tpu.memory_space<hbm>>)
      tpu.yield
    }) : () -> ()
    return
  }
}

module attributes {stable_mosaic.version = 14 : i64} {
  func.func @_tc_nv_body(%arg0: memref<1024x1xf32, #tpu.memory_space<vmem>>, %arg1: memref<1024x1xf32, #tpu.memory_space<vmem>>, %arg2: memref<1024x1xf32, #tpu.memory_space<vmem>>) attributes {dimension_semantics = [], scalar_prefetch = 0 : i64, scratch_operands = 0 : i64, tpu.core_type = #tpu.core_type<tc>} {
    %get3A = arith.constant 0 : index
    %get3A_0 = arith.constant 0 : index
    %get3A_1 = vector.load %arg0[%get3A, %get3A_0] : memref<1024x1xf32, #tpu.memory_space<vmem>>, vector<1024x1xf32>
    %get3A_2 = arith.constant 0 : index
    %get3A_3 = arith.constant 0 : index
    %get3A_4 = vector.load %arg1[%get3A_2, %get3A_3] : memref<1024x1xf32, #tpu.memory_space<vmem>>, vector<1024x1xf32>
    %cos3A = math.cos %get3A_1 : vector<1024x1xf32>
    %sin3A = math.sin %get3A_1 : vector<1024x1xf32>
    %sub3A = arith.constant 3.14159274 : f32
    %sub3A_5 = vector.broadcast %sub3A : f32 to vector<1024x1xf32>
    %sub3A_6 = arith.subf %sub3A_5, %get3A_1 : vector<1024x1xf32>
    %cos3A_7 = math.cos %sub3A_6 : vector<1024x1xf32>
    %sub3A_8 = arith.constant 3.14159274 : f32
    %sub3A_9 = vector.broadcast %sub3A_8 : f32 to vector<1024x1xf32>
    %sub3A_10 = arith.subf %sub3A_9, %get3A_1 : vector<1024x1xf32>
    %sin3A_11 = math.sin %sub3A_10 : vector<1024x1xf32>
    %mul3A = arith.mulf %sin3A_11, %get3A_1 : vector<1024x1xf32>
    %mul3A_12 = arith.mulf %get3A_4, %get3A_4 : vector<1024x1xf32>
    %sub3A_13 = arith.constant 1.000000e+00 : f32
    %sub3A_14 = vector.broadcast %sub3A_13 : f32 to vector<1024x1xf32>
    %sub3A_15 = arith.subf %sub3A_14, %mul3A_12 : vector<1024x1xf32>
    %sqrt3A = math.sqrt %sub3A_15 : vector<1024x1xf32>
    %mul3A_16 = arith.mulf %get3A_4, %cos3A : vector<1024x1xf32>
    %mul3A_17 = arith.mulf %sqrt3A, %sin3A : vector<1024x1xf32>
    %sub3A_18 = arith.subf %mul3A_16, %mul3A_17 : vector<1024x1xf32>
    %gt3A = arith.cmpf ogt, %get3A_4, %cos3A_7 : vector<1024x1xf32>
    %sub3A_19 = arith.subf %get3A_4, %mul3A : vector<1024x1xf32>
    %select_n3A = arith.select %gt3A, %sub3A_18, %sub3A_19 : vector<1024x1xi1>, vector<1024x1xf32>
    %mul3A_20 = arith.constant 6.400000e+01 : f32
    %mul3A_21 = vector.broadcast %mul3A_20 : f32 to vector<1024x1xf32>
    %mul3A_22 = arith.mulf %select_n3A, %mul3A_21 : vector<1024x1xf32>
    %swap3A = arith.constant 0 : index
    %swap3A_23 = arith.constant 0 : index
    %swap3A_24 = vector.load %arg2[%swap3A, %swap3A_23] : memref<1024x1xf32, #tpu.memory_space<vmem>>, vector<1024x1xf32>
    tpu.vector_store %arg2[%swap3A, %swap3A_23], %mul3A_22 {strides = array<i32>} : memref<1024x1xf32, #tpu.memory_space<vmem>>, vector<1024x1xf32>,
    return
  }
}

module attributes {stable_mosaic.version = 14 : i64} {
  func.func @_tc_tail_body(%arg0: i32, %arg1: memref<8x128xf32, #tpu.memory_space<vmem>>, %arg2: memref<1024x1xi32, #tpu.memory_space<vmem>>, %arg3: memref<1024x1xf32, #tpu.memory_space<vmem>>, %arg4: memref<1024x2048xf32, #tpu.memory_space<vmem>>, %arg5: memref<1024x2048xf32, #tpu.memory_space<vmem>>) attributes {dimension_semantics = [#tpu.dimension_semantics<arbitrary>], iteration_bounds = array<i64: 1>, scalar_prefetch = 0 : i64, scratch_operands = 0 : i64, tpu.core_type = #tpu.core_type<tc>, window_params = [{transform_indices = @transform_0, window_bounds = array<i64: 8, 128>}, {pipeline_mode = #tpu.pipeline_mode<synchronous>, transform_indices = @transform_1, window_bounds = array<i64: 1024, 1>}, {pipeline_mode = #tpu.pipeline_mode<synchronous>, transform_indices = @transform_2, window_bounds = array<i64: 1024, 1>}, {transform_indices = @transform_3, window_bounds = array<i64: 1024, 2048>}, {transform_indices = @transform_4, window_bounds = array<i64: 1024, 2048>}]} {
    %get3A = arith.constant 0 : index
    %get3A_0 = arith.constant 0 : index
    %get3A_1 = vector.load %arg4[%get3A, %get3A_0] : memref<1024x2048xf32, #tpu.memory_space<vmem>>, vector<1024x2048xf32>
    %get3A_2 = arith.constant 0 : index
    %get3A_3 = arith.constant 0 : index
    %get3A_4 = vector.load %arg2[%get3A_2, %get3A_3] : memref<1024x1xi32, #tpu.memory_space<vmem>>, vector<1024x1xi32>
    %sub3A = arith.constant 98304 : i32
    %sub3A_5 = vector.broadcast %sub3A : i32 to vector<1024x1xi32>
    %sub3A_6 = arith.subi %get3A_4, %sub3A_5 : vector<1024x1xi32>
    %iota3A = tpu.iota {dimensions = array<i32: 1>} : vector<1024x2048xi32>
    %eq3A = vector.broadcast %sub3A_6 : vector<1024x1xi32> to vector<1024x2048xi32>
    %eq3A_7 = arith.cmpi eq, %iota3A, %eq3A : vector<1024x2048xi32>
    %get3A_8 = arith.constant 0 : index
    %get3A_9 = arith.constant 0 : index
    %get3A_10 = vector.load %arg3[%get3A_8, %get3A_9] : memref<1024x1xf32, #tpu.memory_space<vmem>>, vector<1024x1xf32>
    %mul3A = arith.constant 6.400000e+01 : f32
    %mul3A_11 = vector.broadcast %mul3A : f32 to vector<1024x2048xf32>
    %mul3A_12 = arith.mulf %get3A_1, %mul3A_11 : vector<1024x2048xf32>
    %broadcast_in_dim3A = vector.shape_cast %get3A_10 : vector<1024x1xf32> to vector<1024x1xf32>
    %broadcast_in_dim3A_13 = vector.broadcast %broadcast_in_dim3A : vector<1024x1xf32> to vector<1024x2048xf32>
    %select_n3A = arith.select %eq3A_7, %broadcast_in_dim3A_13, %mul3A_12 : vector<1024x2048xi1>, vector<1024x2048xf32>
    %swap3A = arith.constant 0 : index
    %swap3A_14 = arith.constant 0 : index
    %swap3A_15 = vector.load %arg5[%swap3A, %swap3A_14] : memref<1024x2048xf32, #tpu.memory_space<vmem>>, vector<1024x2048xf32>
    tpu.vector_store %arg5[%swap3A, %swap3A_14], %select_n3A {strides = array<i32>} : memref<1024x2048xf32, #tpu.memory_space<vmem>>, vector<1024x2048xf32>,
    return
  }
  func.func @transform_0(%arg0: i32) -> (i32, i32) {
    %c0_i32 = arith.constant 0 : i32
    %c0_i32_0 = arith.constant 0 : i32
    %c0_i32_1 = arith.constant 0 : i32
    return %c0_i32, %c0_i32_0 : i32, i32
  }
  func.func @transform_1(%arg0: i32) -> (i32, i32) {
    %c0_i32 = arith.constant 0 : i32
    %c0_i32_0 = arith.constant 0 : i32
    %c0_i32_1 = arith.constant 0 : i32
    return %c0_i32, %c0_i32_0 : i32, i32
  }
  func.func @transform_2(%arg0: i32) -> (i32, i32) {
    %c0_i32 = arith.constant 0 : i32
    %c0_i32_0 = arith.constant 0 : i32
    %c0_i32_1 = arith.constant 0 : i32
    return %c0_i32, %c0_i32_0 : i32, i32
  }
  func.func @transform_3(%arg0: i32) -> (i32, i32) {
    %c0_i32 = arith.constant 0 : i32
    %c48_i32 = arith.constant 48 : i32
    %c0_i32_0 = arith.constant 0 : i32
    return %c0_i32, %c48_i32 : i32, i32
  }
  func.func @transform_4(%arg0: i32) -> (i32, i32) {
    %c0_i32 = arith.constant 0 : i32
    %c48_i32 = arith.constant 48 : i32
    %c0_i32_0 = arith.constant 0 : i32
    return %c0_i32, %c48_i32 : i32, i32
  }
}

</mosaic_0001>

<sc_bundles>
// kernel: kernel.6.cloned.1.call-start
scs
__scs_entry_jumppad:
0x0: {  	(pc) =	sbr.rel $0x88, $3  }
0x1: {  	(tag) =	ssettag $0x0;
	lr =	simm.s32 $0x1  }
0x2: {  	[smem:$0x3F9E] =	sst lr;
	_ =	strace $0xD0000000  }
0x3: {  	_ = 	snop  }
0x4: {  	_ = 	snop  }
0x5: {  	_ = 	snop  }
0x6: {  	_ = 	snop  }
0x7: {  	_ = 	snop  }
__scs_overlays_trampoline_lowered:
0x8: {  	[smem:$0x3FAD] =	sst s0  }
0x9: {  	[smem:$0x3FAE] =	sst s1  }
0xa: {  	[smem:$0x3FAF] =	sst s2  }
0xb: {  	[smem:$0x3FB0] =	sst s3  }
0xc: {  	[smem:$0x3FB1] =	sst s4  }
0xd: {  	[smem:$0x3FB2] =	sst s5  }
0xe: {  	[smem:$0x3FB3] =	sst s6  }
0xf: {  	[smem:$0x3FB4] =	sst s7  }
0x10: {  	[smem:$0x3FB5] =	sst s8  }
0x11: {  	[smem:$0x3FB6] =	sst s9;
	s0 =	simm.s32 @!p0 $0x0  }
0x12: {  	s1 =	sld [smem:$0x3F9C];
	s0 =	simm.s32 @p0 $0x1  }
0x13: {  	[smem:$0x3FB7] =	sst s0;
	s0 =	simm.s32 @!p1 $0x0  }
0x14: {  	s2 =	sld [smem:$0x3F9B];
	s0 =	simm.s32 @p1 $0x1  }
0x15: {  	[smem:$0x3FB8] =	sst s0;
	s0 =	simm.s32 @!p2 $0x0  }
0x16: {  	s3 =	sld [smem:$0x3FDB];
	s0 =	simm.s32 @p2 $0x1  }
0x17: {  	s4 =	simm.s32 $0x1BF5;
	[smem:$0x3FBA] =	sst s0  }
0x18: {  	s0 =	sld [smem:$0x3F9D];
	_ =	swait.ge [sflag:s4], $0x0  }
0x19: {  	s7 =	sld [smem:$0x3F9E]  }
0x1a: {  	s8 =	sadd.s32 $0xFFFFE003, lr  }
0x1b: {  	s9 =	sadd.s32 $0xFFFFFEF7, lr;
	s5 =	simm.s32 $0xFFFFFFFF;
	p2 =	slt.u32 s8, $0xFFFFF086  }
0x1c: {  	p1 =	slt.u32 s9, $0xF7A;
	s5 =	simm.s32 @!p2 $0x0  }
0x1d: {  	s5 =	simm.s32 @p1 $0x1;
	p0 =	seq.s32 s7, s2  }
0x1e: {  	s7 =	smul.u32 @!p0 $0xF7A, s2;
	p2 =	seq.s32 @!p0 s5, $0x0  }
0x1f: {  	s9 =	smul.u32 $0xF7A, s1;
	s8 =	simm.s32 @!p0 $0x1BF5;
	p2 =	por !p2, p0  }
0x20: {  	[sflag:s8] =	ssyncset.s32 @!p0 $0xFFFFF086;
	s6 =	sadd.s32 @!p0 s3, s7;
	s7 =	simm.s32 @!p0 $0x108  }
0x21: {  	s3 =	sadd.s32 s3, s9;
	s6 =	sadd.s32 @!p0 $0x88, s6;
	s7 =	simm.s32 @p2 $0x1082  }
0x22: {  	[simem:s7], [sflag:s8] =	dma.local @!p0 [hbm:s6], $0xF7A  }
0x23: {  	s9 =	sor.u32 $0xD0000000, s2;
	s6 =	simm.s32 $0x108;
	_ =	swait.ge @!p0 [sflag:s8], $0x0  }
0x24: {  	s3 =	sadd.s32 $0x88, s3;
	s6 =	simm.s32 @!p1 $0x1082;
	[sflag:s4] =	ssyncset.s32 $0xFFFFF086  }
0x25: {  	[simem:s6], [sflag:s4] =	dma.local [hbm:s3], $0xF7A  }
0x26: {  	[smem:$0x3F9E] =	sst s1;
	(tag) =	ssettag s2;
	_ =	strace s9  }
0x27: {  	s1 =	sld [smem:$0x3FAE]  }
0x28: {  	s2 =	sld [smem:$0x3FAF]  }
0x29: {  	s4 =	sld [smem:$0x3FB1]  }
0x2a: {  	p0 =	seq.s32 s5, $0x0;
	s5 =	sld [smem:$0x3FB2]  }
0x2b: {  	s6 =	sld [smem:$0x3FB3]  }
0x2c: {  	s7 =	sld [smem:$0x3FB4]  }
0x2d: {  	s3 =	simm.s32 $0x108;
	s8 =	sld [smem:$0x3FB5]  }
0x2e: {  	s3 =	simm.s32 @!p0 $0x1082;
	s9 =	sld [smem:$0x3FB6]  }
0x2f: {  	lr =	sadd.s32 s0, s3;
	s0 =	sld [smem:$0x3FAD]  }
0x30: {  	s3 =	sld [smem:$0x3FB0]  }
0x31: {  	[smem:$0x3FB9] =	sst s10  }
0x32: {  	s10 =	sld [smem:$0x3FB7];
	_ =	sdelay $0x3  }
0x33: {  	p0 =	seq.s32 s10, $0x1;
	s10 =	sld [smem:$0x3FB9];
	_ =	sdelay $0x3  }
0x34: {  	[smem:$0x3FB9] =	sst s10  }
0x35: {  	s10 =	sld [smem:$0x3FB8];
	_ =	sdelay $0x3  }
0x36: {  	p1 =	seq.s32 s10, $0x1;
	s10 =	sld [smem:$0x3FB9];
	_ =	sdelay $0x3  }
0x37: {  	[smem:$0x3FB9] =	sst s10  }
0x38: {  	s10 =	sld [smem:$0x3FBA]  }
0x39: {  	_ = 	snop;
	(pc) =	sbr.ind lr, $3  }
0x3a: {  	_ = 	snop  }
0x3b: {  	_ = 	snop  }
0x3c: {  	p2 =	seq.s32 s10, $0x1;
	s10 =	sld [smem:$0x3FB9]  }
0x3d: {  	_ =	shalt  }
0x3e: {  	_ =	shalt  }
0x3f: {  	_ =	shalt  }
0x40: {  	_ =	shalt  }
0x41: {  	_ =	shalt  }
0x42: {  	_ =	shalt  }
0x43: {  	_ =	shalt  }
0x44: {  	_ =	shalt  }
0x45: {  	_ =	shalt  }
0x46: {  	_ =	shalt  }
0x47: {  	_ =	shalt  }
0x48: {  	_ =	shalt  }
0x49: {  	_ =	shalt  }
0x4a: {  	_ =	shalt  }
0x4b: {  	_ =	shalt  }
0x4c: {  	_ =	shalt  }
0x4d: {  	_ =	shalt  }
0x4e: {  	_ =	shalt  }
0x4f: {  	_ =	shalt  }
0x50: {  	_ =	shalt  }
0x51: {  	_ =	shalt  }
0x52: {  	_ =	shalt  }
0x53: {  	_ =	shalt  }
0x54: {  	_ =	shalt  }
0x55: {  	_ =	shalt  }
0x56: {  	_ =	shalt  }
0x57: {  	_ =	shalt  }
0x58: {  	_ =	shalt  }
0x59: {  	_ =	shalt  }
0x5a: {  	_ =	shalt  }
0x5b: {  	_ =	shalt  }
0x5c: {  	_ =	shalt  }
0x5d: {  	_ =	shalt  }
0x5e: {  	_ =	shalt  }
0x5f: {  	_ =	shalt  }
0x60: {  	_ =	shalt  }
0x61: {  	_ =	shalt  }
0x62: {  	_ =	shalt  }
0x63: {  	_ =	shalt  }
0x64: {  	_ =	shalt  }
0x65: {  	_ =	shalt  }
0x66: {  	_ =	shalt  }
0x67: {  	_ =	shalt  }
0x68: {  	_ =	shalt  }
0x69: {  	_ =	shalt  }
0x6a: {  	_ =	shalt  }
0x6b: {  	_ =	shalt  }
0x6c: {  	_ =	shalt  }
0x6d: {  	_ =	shalt  }
0x6e: {  	_ =	shalt  }
0x6f: {  	_ =	shalt  }
0x70: {  	_ =	shalt  }
0x71: {  	_ =	shalt  }
0x72: {  	_ =	shalt  }
0x73: {  	_ =	shalt  }
0x74: {  	_ =	shalt  }
0x75: {  	_ =	shalt  }
0x76: {  	_ =	shalt  }
0x77: {  	_ =	shalt  }
0x78: {  	_ =	shalt  }
0x79: {  	_ =	shalt  }
0x7a: {  	_ =	shalt  }
0x7b: {  	_ =	shalt  }
0x7c: {  	_ =	shalt  }
0x7d: {  	_ =	shalt  }
0x7e: {  	_ =	shalt  }
0x7f: {  	_ =	shalt  }
0x80: {  	_ =	shalt  }
0x81: {  	_ =	shalt  }
0x82: {  	_ =	shalt  }
0x83: {  	_ =	shalt  }
0x84: {  	_ =	shalt  }
0x85: {  	_ =	shalt  }
0x86: {  	_ =	shalt  }
0x87: {  	_ =	shalt  }
.Lfunc_end0:
.L_simem_size_0:
called_computation_lowered:
.L_overlay_start_0:
0x88: {  	s2 =	sld [smem:$0x3FD9]  }
0x89: {  	s3 =	sld [smem:$0x3FFE];
	_ =	sdelay $0x1  }
0x8a: {  	s1 =	srdreg.scid  }
0x8b: {  	s0 =	sand.u32 $0x1, s1  }
0x8c: {  	s17 =	sshll.u32 s0, $0xA;
	s2 =	sadd.s32 s3, s2  }
0x8d: {  	s2 =	sadd.s32 s2, s17  }
0x8e: {  	[smem:$0x3FC5] =	sst s2  }
0x8f: {  	_ = 	snop  }
0x90: {  	s2 =	sld [smem:$0x3FC7]  }
0x91: {  	s18 =	sld [smem:$0x3FD0];
	(tm) =	ssettm $0x1  }
0x92: {  	s4 =	sld [smem:$0x3FFB];
	_ =	sdelay $0x3  }
0x93: {  	_ =	strace s4  }
0x94: {  	s4 =	sld [smem:$0x3FFC];
	_ =	sdelay $0x3  }
0x95: {  	_ =	strace s4  }
0x96: {  	s4 =	sld [smem:$0x3FFD];
	_ =	sdelay $0x3  }
0x97: {  	_ =	strace s4  }
0x98: {  	_ =	strace $0x8FFFFFFF  }
0x99: {  	s19 =	sld [smem:$0x3FDB];
	_ =	sdelay $0x1  }
0x9a: {  	s5 =	simm.s32 $_scs_section_size  }
0x9b: {  	s6 =	simm.s32 $_size__tile_overlayer_lowered;
	s7 =	simm.s32 $_tile_overlayer_lowered  }
0x9c: {  	s22 =	simm.s32 $0x1BFF;
	s21 =	sshll.u32 s7, $0x1;
	s4 =	sadd.s32 s5, s19  }
0x9d: {  	s8 =	simm.s32 $0x0;
	s20 =	sshll.u32 s6, $0x1;
	s6 =	sadd.s32 s21, s4  }
0x9e: {  	[timem:s8], [sflag:s22] =	dma.local [hbm:s6], s20  }
0x9f: {  	_ =	swait.ge [sflag:s22], s20  }
0xa0: {  	s5 =	ssub.s32 $0x0, s20;
	[sflag:s22] =	ssyncset.done $0x0  }
0xa1: {  	[sflag:s22] =	ssyncadd.s32 s5;
	_ =	sdelay $0x1  }
0xa2: {  	s23 =	simm.s32 $0x1B8B  }
0xa3: {  	_ =	swait.ge [sflag:s23], $0x1  }
0xa4: {  	[sflag:s23] =	ssyncset.done $0x0  }
0xa5: {  	s25 =	simm.s32 $0x1B8E;
	s24 =	sld [smem:$0x3FFE];
	[sflag:s23] =	ssyncadd.s32 $0xFFFFFFFF  }
0xa6: {  	s26 =	simm.s32 $execute0_lowered;
	[smem:$0x3FD2] =	sst s25  }
0xa7: {  	s6 =	sshll.u32 s26, $0x1;
	_ =	strace $0x80000046;
	[dreg:$0x1] =	wrdreg $0xFFFFFFFF  }
0xa8: {  	s28 =	simm.s32 $_size_execute0_lowered;
	s4 =	sadd.s32 s4, s6;
	[dreg:$0x0] =	wrdreg $0x0  }
0xa9: {  	s6 =	sshll.u32 s28, $0x1;
	[dreg:$0x2] =	wrdreg s4  }
0xaa: {  	[dreg:$0x3] =	wrdreg s6  }
0xab: {  	[dreg:$0x4] =	wrdreg $0xC0  }
0xac: {  	_ =	task [dreg:s8], $0x5FFFF  }
0xad: {  	[dreg:$0x1] =	wrdreg $0xFFFFFFFF  }
0xae: {  	[dreg:$0x0] =	wrdreg $0x60  }
0xaf: {  	[dreg:$0x2] =	wrdreg s24  }
0xb0: {  	[dreg:$0x3] =	wrdreg s2  }
0xb1: {  	[dreg:$0x4] =	wrdreg s18  }
0xb2: {  	[dreg:$0x5] =	wrdreg $0x9  }
0xb3: {  	_ =	task.clear_ibuf [dreg:s8], $0x6FFFF;
	_ =	strace $0x90000046  }
0xb4: {  	s29 =	simm.s32 $0x9;
	_ =	strace $0x80000048  }
0xb5: {  	_ =	swait.ge [sflag:s29], $0x1  }
0xb6: {  	[sflag:s29] =	ssyncadd.s32 $0xFFFFFFFF  }
0xb7: {  	_ =	strace $0x90000048  }
0xb8: {  	_ =	sfence  }
0xb9: {  	s30 =	sld [smem:$0x0];
	_ =	sdelay $0x2  }
0xba: {  	s31 =	sshll.u32 s1, $0xD;
	s1 =	sshrl.u32 s1, $0x2  }
0xbb: {  	s3 =	sand.u32 $0x4000, s31;
	s1 =	sadd.s32 s1, s30  }
0xbc: {  	s0 =	sor.u32 s3, s0;
	s1 =	sshll.u32 s1, $0x11  }
0xbd: {  	s0 =	sor.u32 s1, s0  }
0xbe: {  	s0 =	sadd.s32 $0x8F2B, s0  }
0xbf: {  	[sflag:s0] =	ssyncadd.remote.s32 $0x1  }
0xc0: {  	_ =	sfence.sel $0xFFFF  }
0xc1: {  	[dreg:$0x0] =	wrdreg $0xFFFFFFFF;
	(pc) =	sbr.abs _section_cstart, $3  }
0xc2: {  	[dreg:$0x1] =	wrdreg $0xFFFFFFFF  }
0xc3: {  	_ =	task.clear_ibuf [dreg:s8], $0x2FFFF;
	_ =	strace $0x9FFFFFFF  }
0xc4: {  	(tm) =	ssettm $0x7FFFFFFF  }
0xc5: {  	_ =	shalt  }
tec
execute0_lowered:
.L_overlay_start_1:
0x0: {  	(tag) =	ssettag $0x1  }
0x1: {  	s3 =	rddreg [dreg:$0x0]  }
0x2: {  	s6 =	rddreg [dreg:$0x1]  }
0x3: {  	s7 =	rddreg [dreg:$0x2];
	s2 =	srdreg.scid  }
0x4: {  	s0 =	rddreg [dreg:$0x3];
	s5 =	sand.u32 $0x1, s2;
	s2 =	simm.s32 $0x0  }
0x5: {  	s24 =	simm.s32 $0x480;
	[smem:$0x7FF] =	sst s2  }
0x6: {  	s25 =	simm.s32 $0x880;
	_ =	strace $0x80000047;
	[dreg:$0x6] =	wrdreg s24  }
0x7: {  	s26 =	simm.s32 $0xC80;
	[dreg:$0x7] =	wrdreg s25  }
0x8: {  	s28 =	simm.s32 $0x1080;
	[dreg:$0x8] =	wrdreg s26  }
0x9: {  	s29 =	simm.s32 $0x1480;
	[dreg:$0x9] =	wrdreg s28  }
0xa: {  	s30 =	simm.s32 $0x1880;
	[dreg:$0xa] =	wrdreg s29  }
0xb: {  	s31 =	simm.s32 $0x1C80;
	[dreg:$0xb] =	wrdreg s30  }
0xc: {  	s9 =	simm.s32 $0x2880;
	[dreg:$0xc] =	wrdreg s31  }
0xd: {  	s10 =	simm.s32 $0x2C80;
	[dreg:$0xf] =	wrdreg s9  }
0xe: {  	s11 =	simm.s32 $0x3080;
	[dreg:$0x10] =	wrdreg s10  }
0xf: {  	s12 =	simm.s32 $0x3480;
	[dreg:$0x11] =	wrdreg s11  }
0x10: {  	s13 =	simm.s32 $0x3880;
	[dreg:$0x12] =	wrdreg s12  }
0x11: {  	s14 =	simm.s32 $0x3C80;
	[dreg:$0x13] =	wrdreg s13  }
0x12: {  	s15 =	simm.s32 $0x4080;
	[dreg:$0x14] =	wrdreg s14  }
0x13: {  	s16 =	simm.s32 $0x4480;
	[dreg:$0x15] =	wrdreg s15  }
0x14: {  	s17 =	simm.s32 $0x4880;
	[dreg:$0x16] =	wrdreg s16  }
0x15: {  	s18 =	simm.s32 $0x4C80;
	[dreg:$0x17] =	wrdreg s17  }
0x16: {  	s19 =	simm.s32 $0x5080;
	[dreg:$0x18] =	wrdreg s18  }
0x17: {  	s1 =	stileid.u32;
	s20 =	simm.s32 $0x5480;
	[dreg:$0x19] =	wrdreg s19  }
0x18: {  	s21 =	simm.s32 $0x5880;
	s22 =	simm.s32 $0x5C80;
	[dreg:$0x1a] =	wrdreg s20  }
0x19: {  	v0 =	vimm.s32 $0x3F80;
	vm0 =	vcmask $0x300;
	v1 =	vimm.s32 $0x7F80;
	s4 =	sshll.u32 s1, $0x3;
	s8 =	sshll.u32 s5, $0x2;
	[dreg:$0x1b] =	wrdreg s21  }
0x1a: {  	vm1 =	vcmask $0x704;
	v0 =	vsel vm0, $0x0, v0;
	v1 =	vsel vm0, $0x4000, v1;
	s4 =	sor.u32 s8, s4;
	s8 =	simm.s32 $0x2480;
	[dreg:$0x1c] =	wrdreg s22  }
0x1b: {  	vm15 =	vcmask $0xB08;
	v0 =	vsel vm1, $0x480, v0;
	v1 =	vsel vm1, $0x4480, v1;
	s25 =	simm.s32 $0x6480;
	[dreg:$0xe] =	wrdreg s8  }
0x1c: {  	vm4 =	vcmask $0xF0C;
	v0 =	vsel vm15, $0x900, v0;
	v1 =	vsel vm15, $0x4900, v1;
	s26 =	simm.s32 $0x6880;
	[dreg:$0x1e] =	wrdreg s25  }
0x1d: {  	vm5 =	vcmask $0x1310;
	s29 =	simm.s32 $0x6C80;
	v0 =	vsel vm4, $0xD80, v0;
	v1 =	vsel vm4, $0x4D80, v1;
	[dreg:$0x1f] =	wrdreg s26  }
0x1e: {  	vm6 =	vcmask $0x1714;
	s30 =	simm.s32 $0x7080;
	[smem:$0x7F8] =	sst s29;
	v0 =	vsel vm5, $0x1200, v0;
	v1 =	vsel vm5, $0x5200, v1  }
0x1f: {  	vm7 =	vcmask $0x1B18;
	s9 =	simm.s32 $0x7480;
	[smem:$0x7F9] =	sst s30;
	v0 =	vsel vm6, $0x1680, v0;
	v1 =	vsel vm6, $0x5680, v1  }
0x20: {  	vm8 =	vcmask $0x1F1C;
	s3 =	sadd.s32 $0xC00, s3;
	s31 =	simm.s32 $0x7880;
	[smem:$0x7FA] =	sst s9;
	v0 =	vsel vm7, $0x1B00, v0;
	v1 =	vsel vm7, $0x5B00, v1  }
0x21: {  	vm9 =	vcmask $0x2320;
	s5 =	ssub.s32 $0x2, s5;
	s10 =	simm.s32 $0x7C80;
	[smem:$0x7FB] =	sst s31;
	v0 =	vsel vm8, $0x1F80, v0;
	v1 =	vsel vm8, $0x5F80, v1  }
0x22: {  	vm10 =	vcmask $0x2724;
	s24 =	sshrl.u32 s5, $0x1;
	s12 =	simm.s32 $0x8080;
	[smem:$0x7FC] =	sst s10;
	v0 =	vsel vm9, $0x2000, v0;
	v1 =	vsel vm9, $0x6000, v1  }
0x23: {  	vm11 =	vcmask $0x2B28;
	s11 =	simm.s32 $0x1;
	s6 =	sadd.s32 s6, s4;
	[smem:$0x7FD] =	sst s12;
	v0 =	vsel vm10, $0x2480, v0;
	v1 =	vsel vm10, $0x6480, v1  }
0x24: {  	vm12 =	vcmask $0x2F2C;
	s23 =	sadd.s32 s7, s4;
	s7 =	simm.s32 $0x2080;
	[dreg:$0x4] =	wrdreg s6;
	v0 =	vsel vm11, $0x2900, v0;
	v1 =	vsel vm11, $0x6900, v1  }
0x25: {  	vm13 =	vcmask $0x3330;
	s4 =	smul.u32 $0xC3800, s4;
	s28 =	ssub.s32 s5, s24;
	[dreg:$0x5] =	wrdreg s23;
	v0 =	vsel vm12, $0x2D80, v0;
	v1 =	vsel vm12, $0x6D80, v1  }
0x26: {  	vm14 =	vcmask $0x3734;
	s9 =	simm.s32 $0x2;
	[dreg:$0xd] =	wrdreg s7;
	s23 =	simm.s32 $0x6080;
	v0 =	vsel vm13, $0x3200, v0;
	v1 =	vsel vm13, $0x7200, v1  }
0x27: {  	vm15 =	vcmask $0x3B38;
	s10 =	simm.s32 $0x80;
	s8 =	smax.u32 s28, $0x1;
	[dreg:$0x1d] =	wrdreg s23;
	v0 =	vsel vm14, $0x3680, v0;
	v1 =	vsel vm14, $0x7680, v1  }
0x28: {  	s5 =	sadd.s32 $0xC3800, s4;
	s6 =	sadd.s32 $0x187000, s4;
	s7 =	sadd.s32 $0x24A800, s4;
	v0 =	vsel vm15, $0x3B00, v0;
	v1 =	vsel vm15, $0x7B00, v1  }
.LBB2_1:
0x29: {  	s12 =	rddreg [dreg:$0x4]  }
0x2a: {  	[tilespmem:s2], [sflag:$0x2] =	stream.linear.gather [hbm4b:s12+s2], $0x20, $0x38;
	[tilespmem:$0x8100] =	vst v63  }
0x2b: {  	_ =	swait.ge [sflag:s9], $0x20  }
0x2c: {  	[sflag:s9] =	ssyncset.done $0x0  }
0x2d: {  	[sflag:s9] =	ssyncadd.s32 $0xFFFFFFE0  }
0x2e: {  	v2 =	vld [tilespmem:$0x0];
	_ =	sdelay $0x4  }
0x2f: {  	vm0 =	vgt.s32 v2, $0x0  }
0x30: {  	v2 =	vnsel vm0, $0x0, v2  }
0x31: {  	(v2sf) =	vpush v2, $0x0;
	_ =	sdelay $0xe  }
0x32: {  	s21 =	spop (v2sf)  }
0x33: {  	s12 =	sshll.u32 s21, $0x3  }
0x34: {  	s12 =	sand.u32 $0x7FFFFC00, s12  }
0x35: {  	s12 =	sadd.s32 s4, s12  }
0x36: {  	s12 =	sshrl.u32 s12, $0x3  }
0x37: {  	s12 =	sadd.s32 s3, s12  }
0x38: {  	[tilespmem:s10], [sflag:$0x1] =	stream.linear.gather [hbm4b:s12+s2], $0x400, $0x38;
	[tilespmem:$0x8100] =	vst v63  }
0x39: {  	v2 =	vld [tilespmem:$0x0];
	_ =	sdelay $0x4  }
0x3a: {  	vm7 =	vgt.s32 v2, $0x0  }
0x3b: {  	v2 =	vnsel vm7, $0x0, v2  }
0x3c: {  	(v2sf) =	vpush v2, $0x1;
	_ =	sdelay $0xe  }
0x3d: {  	s22 =	spop (v2sf)  }
0x3e: {  	s12 =	sshll.u32 s22, $0x3  }
0x3f: {  	s12 =	sand.u32 $0x7FFFFC00, s12  }
0x40: {  	s12 =	sadd.s32 s4, s12  }
0x41: {  	s12 =	sshrl.u32 s12, $0x3  }
0x42: {  	s13 =	rddreg [dreg:$0x6];
	s12 =	sadd.s32 s3, s12  }
0x43: {  	[tilespmem:s13], [sflag:$0x1] =	stream.linear.gather [hbm4b:s12+s2], $0x400, $0x38;
	[tilespmem:$0x8100] =	vst v63  }
0x44: {  	v2 =	vld [tilespmem:$0x0];
	_ =	sdelay $0x4  }
0x45: {  	vm8 =	vgt.s32 v2, $0x0  }
0x46: {  	v2 =	vnsel vm8, $0x0, v2  }
0x47: {  	(v2sf) =	vpush v2, $0x2;
	_ =	sdelay $0xe  }
0x48: {  	s23 =	spop (v2sf)  }
0x49: {  	s12 =	sshll.u32 s23, $0x3  }
0x4a: {  	s12 =	sand.u32 $0x7FFFFC00, s12  }
0x4b: {  	s12 =	sadd.s32 s4, s12  }
0x4c: {  	s12 =	sshrl.u32 s12, $0x3  }
0x4d: {  	s24 =	rddreg [dreg:$0x7];
	s12 =	sadd.s32 s3, s12  }
0x4e: {  	[tilespmem:s24], [sflag:$0x1] =	stream.linear.gather [hbm4b:s12+s2], $0x400, $0x38;
	[tilespmem:$0x8100] =	vst v63  }
0x4f: {  	v2 =	vld [tilespmem:$0x0];
	_ =	sdelay $0x4  }
0x50: {  	vm9 =	vgt.s32 v2, $0x0  }
0x51: {  	v2 =	vnsel vm9, $0x0, v2  }
0x52: {  	(v2sf) =	vpush v2, $0x3;
	_ =	sdelay $0xe  }
0x53: {  	s25 =	spop (v2sf)  }
0x54: {  	s12 =	sshll.u32 s25, $0x3  }
0x55: {  	s12 =	sand.u32 $0x7FFFFC00, s12  }
0x56: {  	s12 =	sadd.s32 s4, s12  }
0x57: {  	s12 =	sshrl.u32 s12, $0x3  }
0x58: {  	s26 =	rddreg [dreg:$0x8];
	s12 =	sadd.s32 s3, s12  }
0x59: {  	[tilespmem:s26], [sflag:$0x1] =	stream.linear.gather [hbm4b:s12+s2], $0x400, $0x38;
	[tilespmem:$0x8100] =	vst v63  }
0x5a: {  	v2 =	vld [tilespmem:$0x0];
	_ =	sdelay $0x4  }
0x5b: {  	vm10 =	vgt.s32 v2, $0x0  }
0x5c: {  	v2 =	vnsel vm10, $0x0, v2  }
0x5d: {  	(v2sf) =	vpush v2, $0x4;
	_ =	sdelay $0xe  }
0x5e: {  	s28 =	spop (v2sf)  }
0x5f: {  	s12 =	sshll.u32 s28, $0x3  }
0x60: {  	s12 =	sand.u32 $0x7FFFFC00, s12  }
0x61: {  	s12 =	sadd.s32 s4, s12  }
0x62: {  	s12 =	sshrl.u32 s12, $0x3  }
0x63: {  	s29 =	rddreg [dreg:$0x9];
	s12 =	sadd.s32 s3, s12  }
0x64: {  	[tilespmem:s29], [sflag:$0x1] =	stream.linear.gather [hbm4b:s12+s2], $0x400, $0x38;
	[tilespmem:$0x8100] =	vst v63  }
0x65: {  	v2 =	vld [tilespmem:$0x0];
	_ =	sdelay $0x4  }
0x66: {  	vm11 =	vgt.s32 v2, $0x0  }
0x67: {  	v2 =	vnsel vm11, $0x0, v2  }
0x68: {  	(v2sf) =	vpush v2, $0x5;
	_ =	sdelay $0xe  }
0x69: {  	s30 =	spop (v2sf)  }
0x6a: {  	s12 =	sshll.u32 s30, $0x3  }
0x6b: {  	s12 =	sand.u32 $0x7FFFFC00, s12  }
0x6c: {  	s12 =	sadd.s32 s4, s12  }
0x6d: {  	s12 =	sshrl.u32 s12, $0x3  }
0x6e: {  	s31 =	rddreg [dreg:$0xa];
	s12 =	sadd.s32 s3, s12  }
0x6f: {  	[tilespmem:s31], [sflag:$0x1] =	stream.linear.gather [hbm4b:s12+s2], $0x400, $0x38;
	[tilespmem:$0x8100] =	vst v63  }
0x70: {  	v2 =	vld [tilespmem:$0x0];
	_ =	sdelay $0x4  }
0x71: {  	vm12 =	vgt.s32 v2, $0x0  }
0x72: {  	v2 =	vnsel vm12, $0x0, v2  }
0x73: {  	(v2sf) =	vpush v2, $0x6;
	_ =	sdelay $0xe  }
0x74: {  	s13 =	spop (v2sf)  }
0x75: {  	s12 =	sshll.u32 s13, $0x3  }
0x76: {  	s12 =	sand.u32 $0x7FFFFC00, s12  }
0x77: {  	s12 =	sadd.s32 s4, s12  }
0x78: {  	s12 =	sshrl.u32 s12, $0x3  }
0x79: {  	s14 =	rddreg [dreg:$0xb];
	s12 =	sadd.s32 s3, s12  }
0x7a: {  	[tilespmem:s14], [sflag:$0x1] =	stream.linear.gather [hbm4b:s12+s2], $0x400, $0x38;
	[tilespmem:$0x8100] =	vst v63  }
0x7b: {  	v2 =	vld [tilespmem:$0x0];
	_ =	sdelay $0x4  }
0x7c: {  	vm13 =	vgt.s32 v2, $0x0  }
0x7d: {  	v2 =	vnsel vm13, $0x0, v2  }
0x7e: {  	(v2sf) =	vpush v2, $0x7;
	_ =	sdelay $0xe  }
0x7f: {  	s15 =	spop (v2sf)  }
0x80: {  	s12 =	sshll.u32 s15, $0x3  }
0x81: {  	s12 =	sand.u32 $0x7FFFFC00, s12  }
0x82: {  	s12 =	sadd.s32 s4, s12  }
0x83: {  	s12 =	sshrl.u32 s12, $0x3  }
0x84: {  	s16 =	rddreg [dreg:$0xc];
	s12 =	sadd.s32 s3, s12  }
0x85: {  	[tilespmem:s16], [sflag:$0x1] =	stream.linear.gather [hbm4b:s12+s2], $0x400, $0x38;
	[tilespmem:$0x8100] =	vst v63  }
0x86: {  	v2 =	vld [tilespmem:$0x0];
	_ =	sdelay $0x4  }
0x87: {  	vm14 =	vgt.s32 v2, $0x0  }
0x88: {  	v2 =	vnsel vm14, $0x0, v2  }
0x89: {  	(v2sf) =	vpush v2, $0x8;
	_ =	sdelay $0xe  }
0x8a: {  	s17 =	spop (v2sf)  }
0x8b: {  	s12 =	sshll.u32 s17, $0x3  }
0x8c: {  	s12 =	sand.u32 $0x7FFFFC00, s12  }
0x8d: {  	s12 =	sadd.s32 s5, s12  }
0x8e: {  	s12 =	sshrl.u32 s12, $0x3  }
0x8f: {  	s18 =	rddreg [dreg:$0xd];
	s12 =	sadd.s32 s3, s12  }
0x90: {  	[tilespmem:s18], [sflag:$0x1] =	stream.linear.gather [hbm4b:s12+s2], $0x400, $0x38;
	[tilespmem:$0x8100] =	vst v63  }
0x91: {  	v2 =	vld [tilespmem:$0x0];
	_ =	sdelay $0x4  }
0x92: {  	vm15 =	vgt.s32 v2, $0x0  }
0x93: {  	v2 =	vnsel vm15, $0x0, v2  }
0x94: {  	(v2sf) =	vpush v2, $0x9;
	_ =	sdelay $0xe  }
0x95: {  	s19 =	spop (v2sf)  }
0x96: {  	s12 =	sshll.u32 s19, $0x3  }
0x97: {  	s12 =	sand.u32 $0x7FFFFC00, s12  }
0x98: {  	s12 =	sadd.s32 s5, s12  }
0x99: {  	s12 =	sshrl.u32 s12, $0x3  }
0x9a: {  	s20 =	rddreg [dreg:$0xe];
	s12 =	sadd.s32 s3, s12  }
0x9b: {  	[tilespmem:s20], [sflag:$0x1] =	stream.linear.gather [hbm4b:s12+s2], $0x400, $0x38;
	[tilespmem:$0x8100] =	vst v63  }
0x9c: {  	v2 =	vld [tilespmem:$0x0];
	_ =	sdelay $0x4  }
0x9d: {  	vm4 =	vgt.s32 v2, $0x0  }
0x9e: {  	v2 =	vnsel vm4, $0x0, v2  }
0x9f: {  	(v2sf) =	vpush v2, $0xA;
	_ =	sdelay $0xe  }
0xa0: {  	s21 =	spop (v2sf)  }
0xa1: {  	s12 =	sshll.u32 s21, $0x3  }
0xa2: {  	s12 =	sand.u32 $0x7FFFFC00, s12  }
0xa3: {  	s12 =	sadd.s32 s5, s12  }
0xa4: {  	s12 =	sshrl.u32 s12, $0x3  }
0xa5: {  	s22 =	rddreg [dreg:$0xf];
	s12 =	sadd.s32 s3, s12  }
0xa6: {  	[tilespmem:s22], [sflag:$0x1] =	stream.linear.gather [hbm4b:s12+s2], $0x400, $0x38;
	[tilespmem:$0x8100] =	vst v63  }
0xa7: {  	v2 =	vld [tilespmem:$0x0];
	_ =	sdelay $0x4  }
0xa8: {  	vm5 =	vgt.s32 v2, $0x0  }
0xa9: {  	v2 =	vnsel vm5, $0x0, v2  }
0xaa: {  	(v2sf) =	vpush v2, $0xB;
	_ =	sdelay $0xe  }
0xab: {  	s23 =	spop (v2sf)  }
0xac: {  	s12 =	sshll.u32 s23, $0x3  }
0xad: {  	s12 =	sand.u32 $0x7FFFFC00, s12  }
0xae: {  	s12 =	sadd.s32 s5, s12  }
0xaf: {  	s12 =	sshrl.u32 s12, $0x3  }
0xb0: {  	s24 =	rddreg [dreg:$0x10];
	s12 =	sadd.s32 s3, s12  }
0xb1: {  	[tilespmem:s24], [sflag:$0x1] =	stream.linear.gather [hbm4b:s12+s2], $0x400, $0x38;
	[tilespmem:$0x8100] =	vst v63  }
0xb2: {  	v2 =	vld [tilespmem:$0x0];
	_ =	sdelay $0x4  }
0xb3: {  	vm6 =	vgt.s32 v2, $0x0  }
0xb4: {  	v2 =	vnsel vm6, $0x0, v2  }
0xb5: {  	(v2sf) =	vpush v2, $0xC;
	_ =	sdelay $0xe  }
0xb6: {  	s25 =	spop (v2sf)  }
0xb7: {  	s12 =	sshll.u32 s25, $0x3  }
0xb8: {  	s12 =	sand.u32 $0x7FFFFC00, s12  }
0xb9: {  	s12 =	sadd.s32 s5, s12  }
0xba: {  	s12 =	sshrl.u32 s12, $0x3  }
0xbb: {  	s26 =	rddreg [dreg:$0x11];
	s12 =	sadd.s32 s3, s12  }
0xbc: {  	[tilespmem:s26], [sflag:$0x1] =	stream.linear.gather [hbm4b:s12+s2], $0x400, $0x38;
	[tilespmem:$0x8100] =	vst v63  }
0xbd: {  	v2 =	vld [tilespmem:$0x0];
	_ =	sdelay $0x4  }
0xbe: {  	vm7 =	vgt.s32 v2, $0x0  }
0xbf: {  	v2 =	vnsel vm7, $0x0, v2  }
0xc0: {  	(v2sf) =	vpush v2, $0xD;
	_ =	sdelay $0xe  }
0xc1: {  	s28 =	spop (v2sf)  }
0xc2: {  	s12 =	sshll.u32 s28, $0x3  }
0xc3: {  	s12 =	sand.u32 $0x7FFFFC00, s12  }
0xc4: {  	s12 =	sadd.s32 s5, s12  }
0xc5: {  	s12 =	sshrl.u32 s12, $0x3  }
0xc6: {  	s29 =	rddreg [dreg:$0x12];
	s12 =	sadd.s32 s3, s12  }
0xc7: {  	[tilespmem:s29], [sflag:$0x1] =	stream.linear.gather [hbm4b:s12+s2], $0x400, $0x38;
	[tilespmem:$0x8100] =	vst v63  }
0xc8: {  	v2 =	vld [tilespmem:$0x0];
	_ =	sdelay $0x4  }
0xc9: {  	vm8 =	vgt.s32 v2, $0x0  }
0xca: {  	v2 =	vnsel vm8, $0x0, v2  }
0xcb: {  	(v2sf) =	vpush v2, $0xE;
	_ =	sdelay $0xe  }
0xcc: {  	s30 =	spop (v2sf)  }
0xcd: {  	s12 =	sshll.u32 s30, $0x3  }
0xce: {  	s12 =	sand.u32 $0x7FFFFC00, s12  }
0xcf: {  	s12 =	sadd.s32 s5, s12  }
0xd0: {  	s12 =	sshrl.u32 s12, $0x3  }
0xd1: {  	s31 =	rddreg [dreg:$0x13];
	s12 =	sadd.s32 s3, s12  }
0xd2: {  	[tilespmem:s31], [sflag:$0x1] =	stream.linear.gather [hbm4b:s12+s2], $0x400, $0x38;
	[tilespmem:$0x8100] =	vst v63  }
0xd3: {  	v2 =	vld [tilespmem:$0x0];
	_ =	sdelay $0x4  }
0xd4: {  	vm9 =	vgt.s32 v2, $0x0  }
0xd5: {  	v2 =	vnsel vm9, $0x0, v2  }
0xd6: {  	(v2sf) =	vpush v2, $0xF;
	_ =	sdelay $0xe  }
0xd7: {  	s13 =	spop (v2sf)  }
0xd8: {  	s12 =	sshll.u32 s13, $0x3  }
0xd9: {  	s12 =	sand.u32 $0x7FFFFC00, s12  }
0xda: {  	s12 =	sadd.s32 s5, s12  }
0xdb: {  	s12 =	sshrl.u32 s12, $0x3  }
0xdc: {  	s14 =	rddreg [dreg:$0x14];
	s12 =	sadd.s32 s3, s12  }
0xdd: {  	[tilespmem:s14], [sflag:$0x1] =	stream.linear.gather [hbm4b:s12+s2], $0x400, $0x38;
	[tilespmem:$0x8100] =	vst v63  }
0xde: {  	v2 =	vld [tilespmem:$0x10];
	_ =	sdelay $0x4  }
0xdf: {  	vm10 =	vgt.s32 v2, $0x0  }
0xe0: {  	v2 =	vnsel vm10, $0x0, v2  }
0xe1: {  	(v2sf) =	vpush v2, $0x0;
	_ =	sdelay $0xe  }
0xe2: {  	s15 =	spop (v2sf)  }
0xe3: {  	s12 =	sshll.u32 s15, $0x3  }
0xe4: {  	s12 =	sand.u32 $0x7FFFFC00, s12  }
0xe5: {  	s12 =	sadd.s32 s6, s12  }
0xe6: {  	s12 =	sshrl.u32 s12, $0x3  }
0xe7: {  	s16 =	rddreg [dreg:$0x15];
	s12 =	sadd.s32 s3, s12  }
0xe8: {  	[tilespmem:s16], [sflag:$0x1] =	stream.linear.gather [hbm4b:s12+s2], $0x400, $0x38;
	[tilespmem:$0x8100] =	vst v63  }
0xe9: {  	v2 =	vld [tilespmem:$0x10];
	_ =	sdelay $0x4  }
0xea: {  	vm11 =	vgt.s32 v2, $0x0  }
0xeb: {  	v2 =	vnsel vm11, $0x0, v2  }
0xec: {  	(v2sf) =	vpush v2, $0x1;
	_ =	sdelay $0xe  }
0xed: {  	s17 =	spop (v2sf)  }
0xee: {  	s12 =	sshll.u32 s17, $0x3  }
0xef: {  	s12 =	sand.u32 $0x7FFFFC00, s12  }
0xf0: {  	s12 =	sadd.s32 s6, s12  }
0xf1: {  	s12 =	sshrl.u32 s12, $0x3  }
0xf2: {  	s18 =	rddreg [dreg:$0x16];
	s12 =	sadd.s32 s3, s12  }
0xf3: {  	[tilespmem:s18], [sflag:$0x1] =	stream.linear.gather [hbm4b:s12+s2], $0x400, $0x38;
	[tilespmem:$0x8100] =	vst v63  }
0xf4: {  	v2 =	vld [tilespmem:$0x10];
	_ =	sdelay $0x4  }
0xf5: {  	vm12 =	vgt.s32 v2, $0x0  }
0xf6: {  	v2 =	vnsel vm12, $0x0, v2  }
0xf7: {  	(v2sf) =	vpush v2, $0x2;
	_ =	sdelay $0xe  }
0xf8: {  	s19 =	spop (v2sf)  }
0xf9: {  	s12 =	sshll.u32 s19, $0x3  }
0xfa: {  	s12 =	sand.u32 $0x7FFFFC00, s12  }
0xfb: {  	s12 =	sadd.s32 s6, s12  }
0xfc: {  	s12 =	sshrl.u32 s12, $0x3  }
0xfd: {  	s20 =	rddreg [dreg:$0x17];
	s12 =	sadd.s32 s3, s12  }
0xfe: {  	[tilespmem:s20], [sflag:$0x1] =	stream.linear.gather [hbm4b:s12+s2], $0x400, $0x38;
	[tilespmem:$0x8100] =	vst v63  }
0xff: {  	v2 =	vld [tilespmem:$0x10];
	_ =	sdelay $0x4  }
0x100: {  	vm13 =	vgt.s32 v2, $0x0  }
0x101: {  	v2 =	vnsel vm13, $0x0, v2  }
0x102: {  	(v2sf) =	vpush v2, $0x3;
	_ =	sdelay $0xe  }
0x103: {  	s21 =	spop (v2sf)  }
0x104: {  	s12 =	sshll.u32 s21, $0x3  }
0x105: {  	s12 =	sand.u32 $0x7FFFFC00, s12  }
0x106: {  	s12 =	sadd.s32 s6, s12  }
0x107: {  	s12 =	sshrl.u32 s12, $0x3  }
0x108: {  	s22 =	rddreg [dreg:$0x18];
	s12 =	sadd.s32 s3, s12  }
0x109: {  	[tilespmem:s22], [sflag:$0x1] =	stream.linear.gather [hbm4b:s12+s2], $0x400, $0x38;
	[tilespmem:$0x8100] =	vst v63  }
0x10a: {  	v2 =	vld [tilespmem:$0x10];
	_ =	sdelay $0x4  }
0x10b: {  	vm14 =	vgt.s32 v2, $0x0  }
0x10c: {  	v2 =	vnsel vm14, $0x0, v2  }
0x10d: {  	(v2sf) =	vpush v2, $0x4;
	_ =	sdelay $0xe  }
0x10e: {  	s23 =	spop (v2sf)  }
0x10f: {  	s12 =	sshll.u32 s23, $0x3  }
0x110: {  	s12 =	sand.u32 $0x7FFFFC00, s12  }
0x111: {  	s12 =	sadd.s32 s6, s12  }
0x112: {  	s12 =	sshrl.u32 s12, $0x3  }
0x113: {  	s24 =	rddreg [dreg:$0x19];
	s12 =	sadd.s32 s3, s12  }
0x114: {  	[tilespmem:s24], [sflag:$0x1] =	stream.linear.gather [hbm4b:s12+s2], $0x400, $0x38;
	[tilespmem:$0x8100] =	vst v63  }
0x115: {  	v2 =	vld [tilespmem:$0x10];
	_ =	sdelay $0x4  }
0x116: {  	vm15 =	vgt.s32 v2, $0x0  }
0x117: {  	v2 =	vnsel vm15, $0x0, v2  }
0x118: {  	(v2sf) =	vpush v2, $0x5;
	_ =	sdelay $0xe  }
0x119: {  	s25 =	spop (v2sf)  }
0x11a: {  	s12 =	sshll.u32 s25, $0x3  }
0x11b: {  	s12 =	sand.u32 $0x7FFFFC00, s12  }
0x11c: {  	s12 =	sadd.s32 s6, s12  }
0x11d: {  	s12 =	sshrl.u32 s12, $0x3  }
0x11e: {  	s26 =	rddreg [dreg:$0x1a];
	s12 =	sadd.s32 s3, s12  }
0x11f: {  	[tilespmem:s26], [sflag:$0x1] =	stream.linear.gather [hbm4b:s12+s2], $0x400, $0x38;
	[tilespmem:$0x8100] =	vst v63  }
0x120: {  	v2 =	vld [tilespmem:$0x10];
	_ =	sdelay $0x4  }
0x121: {  	vm4 =	vgt.s32 v2, $0x0  }
0x122: {  	v2 =	vnsel vm4, $0x0, v2  }
0x123: {  	(v2sf) =	vpush v2, $0x6;
	_ =	sdelay $0xe  }
0x124: {  	s28 =	spop (v2sf)  }
0x125: {  	s12 =	sshll.u32 s28, $0x3  }
0x126: {  	s12 =	sand.u32 $0x7FFFFC00, s12  }
0x127: {  	s12 =	sadd.s32 s6, s12  }
0x128: {  	s12 =	sshrl.u32 s12, $0x3  }
0x129: {  	s29 =	rddreg [dreg:$0x1b];
	s12 =	sadd.s32 s3, s12  }
0x12a: {  	[tilespmem:s29], [sflag:$0x1] =	stream.linear.gather [hbm4b:s12+s2], $0x400, $0x38;
	[tilespmem:$0x8100] =	vst v63  }
0x12b: {  	v2 =	vld [tilespmem:$0x10];
	_ =	sdelay $0x4  }
0x12c: {  	vm5 =	vgt.s32 v2, $0x0  }
0x12d: {  	v2 =	vnsel vm5, $0x0, v2  }
0x12e: {  	(v2sf) =	vpush v2, $0x7;
	_ =	sdelay $0xe  }
0x12f: {  	s30 =	spop (v2sf)  }
0x130: {  	s12 =	sshll.u32 s30, $0x3  }
0x131: {  	s12 =	sand.u32 $0x7FFFFC00, s12  }
0x132: {  	s12 =	sadd.s32 s6, s12  }
0x133: {  	s12 =	sshrl.u32 s12, $0x3  }
0x134: {  	s31 =	rddreg [dreg:$0x1c];
	s12 =	sadd.s32 s3, s12  }
0x135: {  	[tilespmem:s31], [sflag:$0x1] =	stream.linear.gather [hbm4b:s12+s2], $0x400, $0x38;
	[tilespmem:$0x8100] =	vst v63  }
0x136: {  	v2 =	vld [tilespmem:$0x10];
	_ =	sdelay $0x4  }
0x137: {  	vm6 =	vgt.s32 v2, $0x0  }
0x138: {  	v2 =	vnsel vm6, $0x0, v2  }
0x139: {  	(v2sf) =	vpush v2, $0x8;
	_ =	sdelay $0xe  }
0x13a: {  	s13 =	spop (v2sf)  }
0x13b: {  	s12 =	sshll.u32 s13, $0x3  }
0x13c: {  	s12 =	sand.u32 $0x7FFFFC00, s12  }
0x13d: {  	s12 =	sadd.s32 s7, s12  }
0x13e: {  	s12 =	sshrl.u32 s12, $0x3  }
0x13f: {  	s14 =	rddreg [dreg:$0x1d];
	s12 =	sadd.s32 s3, s12  }
0x140: {  	[tilespmem:s14], [sflag:$0x1] =	stream.linear.gather [hbm4b:s12+s2], $0x400, $0x38;
	[tilespmem:$0x8100] =	vst v63  }
0x141: {  	v2 =	vld [tilespmem:$0x10];
	_ =	sdelay $0x4  }
0x142: {  	vm7 =	vgt.s32 v2, $0x0  }
0x143: {  	v2 =	vnsel vm7, $0x0, v2  }
0x144: {  	(v2sf) =	vpush v2, $0x9;
	_ =	sdelay $0xe  }
0x145: {  	s15 =	spop (v2sf)  }
0x146: {  	s12 =	sshll.u32 s15, $0x3  }
0x147: {  	s12 =	sand.u32 $0x7FFFFC00, s12  }
0x148: {  	s12 =	sadd.s32 s7, s12  }
0x149: {  	s12 =	sshrl.u32 s12, $0x3  }
0x14a: {  	s16 =	rddreg [dreg:$0x1e];
	s12 =	sadd.s32 s3, s12  }
0x14b: {  	[tilespmem:s16], [sflag:$0x1] =	stream.linear.gather [hbm4b:s12+s2], $0x400, $0x38;
	[tilespmem:$0x8100] =	vst v63  }
0x14c: {  	v2 =	vld [tilespmem:$0x10];
	_ =	sdelay $0x4  }
0x14d: {  	vm8 =	vgt.s32 v2, $0x0  }
0x14e: {  	v2 =	vnsel vm8, $0x0, v2  }
0x14f: {  	(v2sf) =	vpush v2, $0xA;
	_ =	sdelay $0xe  }
0x150: {  	s17 =	spop (v2sf)  }
0x151: {  	s12 =	sshll.u32 s17, $0x3  }
0x152: {  	s12 =	sand.u32 $0x7FFFFC00, s12  }
0x153: {  	s12 =	sadd.s32 s7, s12  }
0x154: {  	s12 =	sshrl.u32 s12, $0x3  }
0x155: {  	s18 =	rddreg [dreg:$0x1f];
	s12 =	sadd.s32 s3, s12  }
0x156: {  	[tilespmem:s18], [sflag:$0x1] =	stream.linear.gather [hbm4b:s12+s2], $0x400, $0x38;
	[tilespmem:$0x8100] =	vst v63  }
0x157: {  	v2 =	vld [tilespmem:$0x10];
	_ =	sdelay $0x4  }
0x158: {  	vm9 =	vgt.s32 v2, $0x0  }
0x159: {  	v2 =	vnsel vm9, $0x0, v2  }
0x15a: {  	(v2sf) =	vpush v2, $0xB;
	_ =	sdelay $0xe  }
0x15b: {  	s19 =	spop (v2sf)  }
0x15c: {  	s12 =	sshll.u32 s19, $0x3  }
0x15d: {  	s12 =	sand.u32 $0x7FFFFC00, s12  }
0x15e: {  	s20 =	sld [smem:$0x7F8];
	s12 =	sadd.s32 s7, s12  }
0x15f: {  	s12 =	sshrl.u32 s12, $0x3  }
0x160: {  	s12 =	sadd.s32 s3, s12  }
0x161: {  	[tilespmem:s20], [sflag:$0x1] =	stream.linear.gather [hbm4b:s12+s2], $0x400, $0x38;
	[tilespmem:$0x8100] =	vst v63  }
0x162: {  	v2 =	vld [tilespmem:$0x10];
	_ =	sdelay $0x4  }
0x163: {  	vm10 =	vgt.s32 v2, $0x0  }
0x164: {  	v2 =	vnsel vm10, $0x0, v2  }
0x165: {  	(v2sf) =	vpush v2, $0xC;
	_ =	sdelay $0xe  }
0x166: {  	s21 =	spop (v2sf)  }
0x167: {  	s12 =	sshll.u32 s21, $0x3  }
0x168: {  	s12 =	sand.u32 $0x7FFFFC00, s12  }
0x169: {  	s22 =	sld [smem:$0x7F9];
	s12 =	sadd.s32 s7, s12  }
0x16a: {  	s12 =	sshrl.u32 s12, $0x3  }
0x16b: {  	s12 =	sadd.s32 s3, s12  }
0x16c: {  	[tilespmem:s22], [sflag:$0x1] =	stream.linear.gather [hbm4b:s12+s2], $0x400, $0x38;
	[tilespmem:$0x8100] =	vst v63  }
0x16d: {  	v2 =	vld [tilespmem:$0x10];
	_ =	sdelay $0x4  }
0x16e: {  	vm11 =	vgt.s32 v2, $0x0  }
0x16f: {  	v2 =	vnsel vm11, $0x0, v2  }
0x170: {  	(v2sf) =	vpush v2, $0xD;
	_ =	sdelay $0xe  }
0x171: {  	s23 =	spop (v2sf)  }
0x172: {  	s12 =	sshll.u32 s23, $0x3  }
0x173: {  	s12 =	sand.u32 $0x7FFFFC00, s12  }
0x174: {  	s24 =	sld [smem:$0x7FA];
	s12 =	sadd.s32 s7, s12  }
0x175: {  	s12 =	sshrl.u32 s12, $0x3  }
0x176: {  	s12 =	sadd.s32 s3, s12  }
0x177: {  	[tilespmem:s24], [sflag:$0x1] =	stream.linear.gather [hbm4b:s12+s2], $0x400, $0x38;
	[tilespmem:$0x8100] =	vst v63  }
0x178: {  	v2 =	vld [tilespmem:$0x10];
	_ =	sdelay $0x4  }
0x179: {  	vm12 =	vgt.s32 v2, $0x0  }
0x17a: {  	v2 =	vnsel vm12, $0x0, v2  }
0x17b: {  	(v2sf) =	vpush v2, $0xE;
	_ =	sdelay $0xe  }
0x17c: {  	s25 =	spop (v2sf)  }
0x17d: {  	s12 =	sshll.u32 s25, $0x3  }
0x17e: {  	s12 =	sand.u32 $0x7FFFFC00, s12  }
0x17f: {  	s26 =	sld [smem:$0x7FB];
	s12 =	sadd.s32 s7, s12  }
0x180: {  	s12 =	sshrl.u32 s12, $0x3  }
0x181: {  	s12 =	sadd.s32 s3, s12  }
0x182: {  	[tilespmem:s26], [sflag:$0x1] =	stream.linear.gather [hbm4b:s12+s2], $0x400, $0x38;
	[tilespmem:$0x8100] =	vst v63  }
0x183: {  	v2 =	vld [tilespmem:$0x10];
	_ =	sdelay $0x4  }
0x184: {  	vm13 =	vgt.s32 v2, $0x0  }
0x185: {  	v2 =	vnsel vm13, $0x0, v2  }
0x186: {  	(v2sf) =	vpush v2, $0xF;
	_ =	sdelay $0xe  }
0x187: {  	s28 =	spop (v2sf)  }
0x188: {  	s12 =	sshll.u32 s28, $0x3  }
0x189: {  	s12 =	sand.u32 $0x7FFFFC00, s12  }
0x18a: {  	s29 =	sld [smem:$0x7FC];
	s12 =	sadd.s32 s7, s12  }
0x18b: {  	s12 =	sshrl.u32 s12, $0x3  }
0x18c: {  	s12 =	sadd.s32 s3, s12  }
0x18d: {  	[tilespmem:s29], [sflag:$0x1] =	stream.linear.gather [hbm4b:s12+s2], $0x400, $0x38;
	[tilespmem:$0x8100] =	vst v63  }
0x18e: {  	_ =	swait.ge [sflag:s11], $0x400  }
0x18f: {  	[sflag:s11] =	ssyncset.done $0x0  }
0x190: {  	[sflag:s11] =	ssyncadd.s32 $0xFFFFFC00  }
0x191: {  	_ =	swait.ge [sflag:s11], $0x400  }
0x192: {  	[sflag:s11] =	ssyncset.done $0x0  }
0x193: {  	[sflag:s11] =	ssyncadd.s32 $0xFFFFFC00  }
0x194: {  	_ =	swait.ge [sflag:s11], $0x400  }
0x195: {  	[sflag:s11] =	ssyncset.done $0x0  }
0x196: {  	[sflag:s11] =	ssyncadd.s32 $0xFFFFFC00  }
0x197: {  	_ =	swait.ge [sflag:s11], $0x400  }
0x198: {  	[sflag:s11] =	ssyncset.done $0x0  }
0x199: {  	[sflag:s11] =	ssyncadd.s32 $0xFFFFFC00  }
0x19a: {  	_ =	swait.ge [sflag:s11], $0x400  }
0x19b: {  	[sflag:s11] =	ssyncset.done $0x0  }
0x19c: {  	[sflag:s11] =	ssyncadd.s32 $0xFFFFFC00  }
0x19d: {  	_ =	swait.ge [sflag:s11], $0x400  }
0x19e: {  	[sflag:s11] =	ssyncset.done $0x0  }
0x19f: {  	[sflag:s11] =	ssyncadd.s32 $0xFFFFFC00  }
0x1a0: {  	_ =	swait.ge [sflag:s11], $0x400  }
0x1a1: {  	[sflag:s11] =	ssyncset.done $0x0  }
0x1a2: {  	[sflag:s11] =	ssyncadd.s32 $0xFFFFFC00  }
0x1a3: {  	_ =	swait.ge [sflag:s11], $0x400  }
0x1a4: {  	[sflag:s11] =	ssyncset.done $0x0  }
0x1a5: {  	[sflag:s11] =	ssyncadd.s32 $0xFFFFFC00  }
0x1a6: {  	_ =	swait.ge [sflag:s11], $0x400  }
0x1a7: {  	[sflag:s11] =	ssyncset.done $0x0  }
0x1a8: {  	[sflag:s11] =	ssyncadd.s32 $0xFFFFFC00  }
0x1a9: {  	_ =	swait.ge [sflag:s11], $0x400  }
0x1aa: {  	[sflag:s11] =	ssyncset.done $0x0  }
0x1ab: {  	[sflag:s11] =	ssyncadd.s32 $0xFFFFFC00  }
0x1ac: {  	_ =	swait.ge [sflag:s11], $0x400  }
0x1ad: {  	[sflag:s11] =	ssyncset.done $0x0  }
0x1ae: {  	[sflag:s11] =	ssyncadd.s32 $0xFFFFFC00  }
0x1af: {  	_ =	swait.ge [sflag:s11], $0x400  }
0x1b0: {  	[sflag:s11] =	ssyncset.done $0x0  }
0x1b1: {  	[sflag:s11] =	ssyncadd.s32 $0xFFFFFC00  }
0x1b2: {  	_ =	swait.ge [sflag:s11], $0x400  }
0x1b3: {  	[sflag:s11] =	ssyncset.done $0x0  }
0x1b4: {  	[sflag:s11] =	ssyncadd.s32 $0xFFFFFC00  }
0x1b5: {  	_ =	swait.ge [sflag:s11], $0x400  }
0x1b6: {  	[sflag:s11] =	ssyncset.done $0x0  }
0x1b7: {  	[sflag:s11] =	ssyncadd.s32 $0xFFFFFC00  }
0x1b8: {  	_ =	swait.ge [sflag:s11], $0x400  }
0x1b9: {  	[sflag:s11] =	ssyncset.done $0x0  }
0x1ba: {  	[sflag:s11] =	ssyncadd.s32 $0xFFFFFC00  }
0x1bb: {  	_ =	swait.ge [sflag:s11], $0x400  }
0x1bc: {  	[sflag:s11] =	ssyncset.done $0x0  }
0x1bd: {  	[sflag:s11] =	ssyncadd.s32 $0xFFFFFC00  }
0x1be: {  	_ =	swait.ge [sflag:s11], $0x400  }
0x1bf: {  	[sflag:s11] =	ssyncset.done $0x0  }
0x1c0: {  	[sflag:s11] =	ssyncadd.s32 $0xFFFFFC00  }
0x1c1: {  	_ =	swait.ge [sflag:s11], $0x400  }
0x1c2: {  	[sflag:s11] =	ssyncset.done $0x0  }
0x1c3: {  	[sflag:s11] =	ssyncadd.s32 $0xFFFFFC00  }
0x1c4: {  	_ =	swait.ge [sflag:s11], $0x400  }
0x1c5: {  	[sflag:s11] =	ssyncset.done $0x0  }
0x1c6: {  	[sflag:s11] =	ssyncadd.s32 $0xFFFFFC00  }
0x1c7: {  	_ =	swait.ge [sflag:s11], $0x400  }
0x1c8: {  	[sflag:s11] =	ssyncset.done $0x0  }
0x1c9: {  	[sflag:s11] =	ssyncadd.s32 $0xFFFFFC00  }
0x1ca: {  	_ =	swait.ge [sflag:s11], $0x400  }
0x1cb: {  	[sflag:s11] =	ssyncset.done $0x0  }
0x1cc: {  	[sflag:s11] =	ssyncadd.s32 $0xFFFFFC00  }
0x1cd: {  	_ =	swait.ge [sflag:s11], $0x400  }
0x1ce: {  	[sflag:s11] =	ssyncset.done $0x0  }
0x1cf: {  	[sflag:s11] =	ssyncadd.s32 $0xFFFFFC00  }
0x1d0: {  	_ =	swait.ge [sflag:s11], $0x400  }
0x1d1: {  	[sflag:s11] =	ssyncset.done $0x0  }
0x1d2: {  	[sflag:s11] =	ssyncadd.s32 $0xFFFFFC00  }
0x1d3: {  	_ =	swait.ge [sflag:s11], $0x400  }
0x1d4: {  	[sflag:s11] =	ssyncset.done $0x0  }
0x1d5: {  	[sflag:s11] =	ssyncadd.s32 $0xFFFFFC00  }
0x1d6: {  	_ =	swait.ge [sflag:s11], $0x400  }
0x1d7: {  	[sflag:s11] =	ssyncset.done $0x0  }
0x1d8: {  	[sflag:s11] =	ssyncadd.s32 $0xFFFFFC00  }
0x1d9: {  	_ =	swait.ge [sflag:s11], $0x400  }
0x1da: {  	[sflag:s11] =	ssyncset.done $0x0  }
0x1db: {  	[sflag:s11] =	ssyncadd.s32 $0xFFFFFC00  }
0x1dc: {  	_ =	swait.ge [sflag:s11], $0x400  }
0x1dd: {  	[sflag:s11] =	ssyncset.done $0x0  }
0x1de: {  	[sflag:s11] =	ssyncadd.s32 $0xFFFFFC00  }
0x1df: {  	_ =	swait.ge [sflag:s11], $0x400  }
0x1e0: {  	[sflag:s11] =	ssyncset.done $0x0  }
0x1e1: {  	[sflag:s11] =	ssyncadd.s32 $0xFFFFFC00  }
0x1e2: {  	_ =	swait.ge [sflag:s11], $0x400  }
0x1e3: {  	[sflag:s11] =	ssyncset.done $0x0  }
0x1e4: {  	[sflag:s11] =	ssyncadd.s32 $0xFFFFFC00  }
0x1e5: {  	_ =	swait.ge [sflag:s11], $0x400  }
0x1e6: {  	[sflag:s11] =	ssyncset.done $0x0  }
0x1e7: {  	[sflag:s11] =	ssyncadd.s32 $0xFFFFFC00  }
0x1e8: {  	_ =	swait.ge [sflag:s11], $0x400  }
0x1e9: {  	[sflag:s11] =	ssyncset.done $0x0  }
0x1ea: {  	[sflag:s11] =	ssyncadd.s32 $0xFFFFFC00  }
0x1eb: {  	_ =	swait.ge [sflag:s11], $0x400  }
0x1ec: {  	[sflag:s11] =	ssyncset.done $0x0  }
0x1ed: {  	[sflag:s11] =	ssyncadd.s32 $0xFFFFFC00  }
0x1ee: {  	v2 =	vld [tilespmem:$0x0];
	_ =	sdelay $0x4  }
0x1ef: {  	vm14 =	vgt.s32 v2, $0x0  }
0x1f0: {  	v3 =	vld [tilespmem:$0x10];
	v2 =	vnsel vm14, $0x0, v2  }
0x1f1: {  	v2 =	vand.u32 $0x7F, v2  }
0x1f2: {  	v2 =	vor.u32 v0, v2;
	_ =	sdelay $0x2  }
0x1f3: {  	vm15 =	vgt.s32 v3, $0x0  }
0x1f4: {  	v3 =	vnsel vm15, $0x0, v3  }
0x1f5: {  	v3 =	vand.u32 $0x7F, v3;
	v2 =	vld.idx.msk [tilespmem:v2+s10+$0x0], $0xffff  }
0x1f6: {  	v3 =	vor.u32 v1, v3;
	_ =	sdelay $0x3  }
0x1f7: {  	[tilespmem:$0x8080] =	vst v2  }
0x1f8: {  	v2 =	vld.idx.msk [tilespmem:v3+s10+$0x0], $0xffff;
	_ =	sdelay $0x2  }
0x1f9: {  	s31 =	sld [smem:$0x7FD]  }
0x1fa: {  	p0 =	sne.s32 s8, $0x1  }
.Ltmp0:
0x1fb: {  	s30 =	rddreg [dreg:$0x5];
	[tilespmem:$0x8090] =	vst v2;
	(pc) =	sbr.rel @p0 .LBB2_1-.Ltmp0, $4  }
0x1fc: {  	[hbm4b:s30+s2] =	stream.linear.scatter [tilespmem:s31], [sflag:$0x2], $0x20, $0x38;
	[tilespmem:$0x8100] =	vst v63  }
0x1fd: {  	_ =	swait.ge [sflag:s9], $0x20  }
0x1fe: {  	[sflag:s9] =	ssyncset.done $0x0  }
0x1ff: {  	s8 =	sadd.s32 $0xFFFFFFFF, s8;
	[sflag:s9] =	ssyncadd.s32 $0xFFFFFFE0  }
0x200: {  	_ =	sfence.sel $0x180000  }
0x201: {  	[bflag:$0x0] =	sbarrier.arrive $0xFFFF  }
0x202: {  	p0 =	sne.s32 s1, $0x0;
	_ =	strace $0x90000047  }
0x203: {  	s0 =	sadd.s32 @!p0 $0x100000, s0;
	[bflag:$0x2] =	sbarrier.arrive $0xFFFF  }
0x204: {  	[sflag:s0] =	ssyncadd.tile.s32 @!p0 $0x1;
	_ =	shalt  }
.Lfunc_end2:
_tile_overlayer_lowered:
.L_overlay_start_2:
0x205: {  	(tag) =	ssettag $0x2  }
0x206: {  	s0 =	rddreg [dreg:$0x0];
	s2 =	stileid.u32  }
0x207: {  	s1 =	rddreg [dreg:$0x1];
	p0 =	sne.s32 s2, $0x0  }
0x208: {  	s3 =	rddreg [dreg:$0x2];
	[bflag:$0x3] =	sbarrier.arrive $0xFFFF;
	s2 =	simm.s32 @!p0 $0x1C02  }
0x209: {  	[timem:s3], [sflag:s2] =	dma.local @!p0 [hbm:s0], s1  }
0x20a: {  	s0 =	simm.s32 @!p0 $0x2  }
0x20b: {  	_ =	swait.ge @!p0 [sflag:s0], s1  }
0x20c: {  	s1 =	ssub.s32 @!p0 $0x0, s1;
	[sflag:s0] =	ssyncset.done @!p0 $0x0  }
0x20d: {  	[sflag:s0] =	ssyncadd.s32 @!p0 s1  }
0x20e: {  	[bflag:$0x3] =	sbarrier.arrive $0xFFFF  }
0x20f: {  	_ =	shalt  }

// kernel: kernel.9.cloned.1.call-start
scs
__scs_entry_jumppad:
0x0: {  	(pc) =	sbr.rel $0x88, $3  }
0x1: {  	(tag) =	ssettag $0x0;
	lr =	simm.s32 $0x1  }
0x2: {  	[smem:$0x3F9E] =	sst lr;
	_ =	strace $0xD0000000  }
0x3: {  	_ = 	snop  }
0x4: {  	_ = 	snop  }
0x5: {  	_ = 	snop  }
0x6: {  	_ = 	snop  }
0x7: {  	_ = 	snop  }
__scs_overlays_trampoline_lowered:
0x8: {  	[smem:$0x3FAD] =	sst s0  }
0x9: {  	[smem:$0x3FAE] =	sst s1  }
0xa: {  	[smem:$0x3FAF] =	sst s2  }
0xb: {  	[smem:$0x3FB0] =	sst s3  }
0xc: {  	[smem:$0x3FB1] =	sst s4  }
0xd: {  	[smem:$0x3FB2] =	sst s5  }
0xe: {  	[smem:$0x3FB3] =	sst s6  }
0xf: {  	[smem:$0x3FB4] =	sst s7  }
0x10: {  	[smem:$0x3FB5] =	sst s8  }
0x11: {  	[smem:$0x3FB6] =	sst s9;
	s0 =	simm.s32 @!p0 $0x0  }
0x12: {  	s1 =	sld [smem:$0x3F9C];
	s0 =	simm.s32 @p0 $0x1  }
0x13: {  	[smem:$0x3FB7] =	sst s0;
	s0 =	simm.s32 @!p1 $0x0  }
0x14: {  	s2 =	sld [smem:$0x3F9B];
	s0 =	simm.s32 @p1 $0x1  }
0x15: {  	[smem:$0x3FB8] =	sst s0;
	s0 =	simm.s32 @!p2 $0x0  }
0x16: {  	s3 =	sld [smem:$0x3FDB];
	s0 =	simm.s32 @p2 $0x1  }
0x17: {  	s4 =	simm.s32 $0x1BF5;
	[smem:$0x3FBA] =	sst s0  }
0x18: {  	s0 =	sld [smem:$0x3F9D];
	_ =	swait.ge [sflag:s4], $0x0  }
0x19: {  	s7 =	sld [smem:$0x3F9E]  }
0x1a: {  	s8 =	sadd.s32 $0xFFFFE003, lr  }
0x1b: {  	s9 =	sadd.s32 $0xFFFFFEF7, lr;
	s5 =	simm.s32 $0xFFFFFFFF;
	p2 =	slt.u32 s8, $0xFFFFF086  }
0x1c: {  	p1 =	slt.u32 s9, $0xF7A;
	s5 =	simm.s32 @!p2 $0x0  }
0x1d: {  	s5 =	simm.s32 @p1 $0x1;
	p0 =	seq.s32 s7, s2  }
0x1e: {  	s7 =	smul.u32 @!p0 $0xF7A, s2;
	p2 =	seq.s32 @!p0 s5, $0x0  }
0x1f: {  	s9 =	smul.u32 $0xF7A, s1;
	s8 =	simm.s32 @!p0 $0x1BF5;
	p2 =	por !p2, p0  }
0x20: {  	[sflag:s8] =	ssyncset.s32 @!p0 $0xFFFFF086;
	s6 =	sadd.s32 @!p0 s3, s7;
	s7 =	simm.s32 @!p0 $0x108  }
0x21: {  	s3 =	sadd.s32 s3, s9;
	s6 =	sadd.s32 @!p0 $0x88, s6;
	s7 =	simm.s32 @p2 $0x1082  }
0x22: {  	[simem:s7], [sflag:s8] =	dma.local @!p0 [hbm:s6], $0xF7A  }
0x23: {  	s9 =	sor.u32 $0xD0000000, s2;
	s6 =	simm.s32 $0x108;
	_ =	swait.ge @!p0 [sflag:s8], $0x0  }
0x24: {  	s3 =	sadd.s32 $0x88, s3;
	s6 =	simm.s32 @!p1 $0x1082;
	[sflag:s4] =	ssyncset.s32 $0xFFFFF086  }
0x25: {  	[simem:s6], [sflag:s4] =	dma.local [hbm:s3], $0xF7A  }
0x26: {  	[smem:$0x3F9E] =	sst s1;
	(tag) =	ssettag s2;
	_ =	strace s9  }
0x27: {  	s1 =	sld [smem:$0x3FAE]  }
0x28: {  	s2 =	sld [smem:$0x3FAF]  }
0x29: {  	s4 =	sld [smem:$0x3FB1]  }
0x2a: {  	p0 =	seq.s32 s5, $0x0;
	s5 =	sld [smem:$0x3FB2]  }
0x2b: {  	s6 =	sld [smem:$0x3FB3]  }
0x2c: {  	s7 =	sld [smem:$0x3FB4]  }
0x2d: {  	s3 =	simm.s32 $0x108;
	s8 =	sld [smem:$0x3FB5]  }
0x2e: {  	s3 =	simm.s32 @!p0 $0x1082;
	s9 =	sld [smem:$0x3FB6]  }
0x2f: {  	lr =	sadd.s32 s0, s3;
	s0 =	sld [smem:$0x3FAD]  }
0x30: {  	s3 =	sld [smem:$0x3FB0]  }
0x31: {  	[smem:$0x3FB9] =	sst s10  }
0x32: {  	s10 =	sld [smem:$0x3FB7];
	_ =	sdelay $0x3  }
0x33: {  	p0 =	seq.s32 s10, $0x1;
	s10 =	sld [smem:$0x3FB9];
	_ =	sdelay $0x3  }
0x34: {  	[smem:$0x3FB9] =	sst s10  }
0x35: {  	s10 =	sld [smem:$0x3FB8];
	_ =	sdelay $0x3  }
0x36: {  	p1 =	seq.s32 s10, $0x1;
	s10 =	sld [smem:$0x3FB9];
	_ =	sdelay $0x3  }
0x37: {  	[smem:$0x3FB9] =	sst s10  }
0x38: {  	s10 =	sld [smem:$0x3FBA]  }
0x39: {  	_ = 	snop;
	(pc) =	sbr.ind lr, $3  }
0x3a: {  	_ = 	snop  }
0x3b: {  	_ = 	snop  }
0x3c: {  	p2 =	seq.s32 s10, $0x1;
	s10 =	sld [smem:$0x3FB9]  }
0x3d: {  	_ =	shalt  }
0x3e: {  	_ =	shalt  }
0x3f: {  	_ =	shalt  }
0x40: {  	_ =	shalt  }
0x41: {  	_ =	shalt  }
0x42: {  	_ =	shalt  }
0x43: {  	_ =	shalt  }
0x44: {  	_ =	shalt  }
0x45: {  	_ =	shalt  }
0x46: {  	_ =	shalt  }
0x47: {  	_ =	shalt  }
0x48: {  	_ =	shalt  }
0x49: {  	_ =	shalt  }
0x4a: {  	_ =	shalt  }
0x4b: {  	_ =	shalt  }
0x4c: {  	_ =	shalt  }
0x4d: {  	_ =	shalt  }
0x4e: {  	_ =	shalt  }
0x4f: {  	_ =	shalt  }
0x50: {  	_ =	shalt  }
0x51: {  	_ =	shalt  }
0x52: {  	_ =	shalt  }
0x53: {  	_ =	shalt  }
0x54: {  	_ =	shalt  }
0x55: {  	_ =	shalt  }
0x56: {  	_ =	shalt  }
0x57: {  	_ =	shalt  }
0x58: {  	_ =	shalt  }
0x59: {  	_ =	shalt  }
0x5a: {  	_ =	shalt  }
0x5b: {  	_ =	shalt  }
0x5c: {  	_ =	shalt  }
0x5d: {  	_ =	shalt  }
0x5e: {  	_ =	shalt  }
0x5f: {  	_ =	shalt  }
0x60: {  	_ =	shalt  }
0x61: {  	_ =	shalt  }
0x62: {  	_ =	shalt  }
0x63: {  	_ =	shalt  }
0x64: {  	_ =	shalt  }
0x65: {  	_ =	shalt  }
0x66: {  	_ =	shalt  }
0x67: {  	_ =	shalt  }
0x68: {  	_ =	shalt  }
0x69: {  	_ =	shalt  }
0x6a: {  	_ =	shalt  }
0x6b: {  	_ =	shalt  }
0x6c: {  	_ =	shalt  }
0x6d: {  	_ =	shalt  }
0x6e: {  	_ =	shalt  }
0x6f: {  	_ =	shalt  }
0x70: {  	_ =	shalt  }
0x71: {  	_ =	shalt  }
0x72: {  	_ =	shalt  }
0x73: {  	_ =	shalt  }
0x74: {  	_ =	shalt  }
0x75: {  	_ =	shalt  }
0x76: {  	_ =	shalt  }
0x77: {  	_ =	shalt  }
0x78: {  	_ =	shalt  }
0x79: {  	_ =	shalt  }
0x7a: {  	_ =	shalt  }
0x7b: {  	_ =	shalt  }
0x7c: {  	_ =	shalt  }
0x7d: {  	_ =	shalt  }
0x7e: {  	_ =	shalt  }
0x7f: {  	_ =	shalt  }
0x80: {  	_ =	shalt  }
0x81: {  	_ =	shalt  }
0x82: {  	_ =	shalt  }
0x83: {  	_ =	shalt  }
0x84: {  	_ =	shalt  }
0x85: {  	_ =	shalt  }
0x86: {  	_ =	shalt  }
0x87: {  	_ =	shalt  }
.Lfunc_end0:
.L_simem_size_0:
called_computation.1_lowered:
.L_overlay_start_0:
0x88: {  	s2 =	sld [smem:$0x3FD9]  }
0x89: {  	s3 =	sld [smem:$0x3FFE];
	_ =	sdelay $0x1  }
0x8a: {  	s1 =	srdreg.scid  }
0x8b: {  	s0 =	sand.u32 $0x1, s1  }
0x8c: {  	s17 =	sshll.u32 s0, $0xA;
	s2 =	sadd.s32 s3, s2  }
0x8d: {  	s2 =	sadd.s32 s2, s17  }
0x8e: {  	[smem:$0x3FC5] =	sst s2  }
0x8f: {  	_ = 	snop  }
0x90: {  	s2 =	sld [smem:$0x3FC7];
	(tm) =	ssettm $0x1  }
0x91: {  	s18 =	sld [smem:$0x3FFB];
	_ =	sdelay $0x3  }
0x92: {  	_ =	strace s18  }
0x93: {  	s3 =	sld [smem:$0x3FFC];
	_ =	sdelay $0x3  }
0x94: {  	_ =	strace s3  }
0x95: {  	s3 =	sld [smem:$0x3FFD];
	_ =	sdelay $0x3  }
0x96: {  	_ =	strace s3  }
0x97: {  	_ =	strace $0x8FFFFFFF  }
0x98: {  	s19 =	sld [smem:$0x3FDB];
	_ =	sdelay $0x1  }
0x99: {  	s4 =	simm.s32 $_scs_section_size  }
0x9a: {  	s5 =	simm.s32 $_size__tile_overlayer_lowered;
	s6 =	simm.s32 $_tile_overlayer_lowered  }
0x9b: {  	s22 =	simm.s32 $0x1BFF;
	s21 =	sshll.u32 s6, $0x1;
	s3 =	sadd.s32 s4, s19  }
0x9c: {  	s7 =	simm.s32 $0x0;
	s20 =	sshll.u32 s5, $0x1;
	s5 =	sadd.s32 s21, s3  }
0x9d: {  	[timem:s7], [sflag:s22] =	dma.local [hbm:s5], s20  }
0x9e: {  	_ =	swait.ge [sflag:s22], s20  }
0x9f: {  	s4 =	ssub.s32 $0x0, s20;
	[sflag:s22] =	ssyncset.done $0x0  }
0xa0: {  	[sflag:s22] =	ssyncadd.s32 s4;
	_ =	sdelay $0x1  }
0xa1: {  	s23 =	simm.s32 $0x1B8B  }
0xa2: {  	_ =	swait.ge [sflag:s23], $0x1  }
0xa3: {  	[sflag:s23] =	ssyncset.done $0x0  }
0xa4: {  	s25 =	simm.s32 $0x1B8E;
	s24 =	sld [smem:$0x3FFE];
	[sflag:s23] =	ssyncadd.s32 $0xFFFFFFFF  }
0xa5: {  	s26 =	simm.s32 $execute0_lowered;
	[smem:$0x3FD2] =	sst s25  }
0xa6: {  	s5 =	sshll.u32 s26, $0x1;
	_ =	strace $0x80000049;
	[dreg:$0x1] =	wrdreg $0xFFFFFFFF  }
0xa7: {  	s28 =	simm.s32 $_size_execute0_lowered;
	s3 =	sadd.s32 s3, s5;
	[dreg:$0x0] =	wrdreg $0x0  }
0xa8: {  	s5 =	sshll.u32 s28, $0x1;
	[dreg:$0x2] =	wrdreg s3  }
0xa9: {  	[dreg:$0x3] =	wrdreg s5  }
0xaa: {  	[dreg:$0x4] =	wrdreg $0xC0  }
0xab: {  	_ =	task [dreg:s7], $0x5FFFF  }
0xac: {  	[dreg:$0x1] =	wrdreg $0xFFFFFFFF  }
0xad: {  	[dreg:$0x0] =	wrdreg $0x60  }
0xae: {  	[dreg:$0x2] =	wrdreg s24  }
0xaf: {  	[dreg:$0x3] =	wrdreg s2  }
0xb0: {  	[dreg:$0x4] =	wrdreg $0x9  }
0xb1: {  	_ =	task.clear_ibuf [dreg:s7], $0x5FFFF;
	_ =	strace $0x90000049  }
0xb2: {  	s29 =	simm.s32 $0x9;
	_ =	strace $0x8000004B  }
0xb3: {  	_ =	swait.ge [sflag:s29], $0x1  }
0xb4: {  	[sflag:s29] =	ssyncadd.s32 $0xFFFFFFFF  }
0xb5: {  	_ =	strace $0x9000004B  }
0xb6: {  	_ =	sfence  }
0xb7: {  	s30 =	sld [smem:$0x0];
	_ =	sdelay $0x2  }
0xb8: {  	s31 =	sshll.u32 s1, $0xD;
	s1 =	sshrl.u32 s1, $0x2  }
0xb9: {  	s3 =	sand.u32 $0x4000, s31;
	s1 =	sadd.s32 s1, s30  }
0xba: {  	s0 =	sor.u32 s3, s0;
	s1 =	sshll.u32 s1, $0x11  }
0xbb: {  	s0 =	sor.u32 s1, s0  }
0xbc: {  	s0 =	sadd.s32 $0x8F2B, s0  }
0xbd: {  	[sflag:s0] =	ssyncadd.remote.s32 $0x1  }
0xbe: {  	_ =	sfence.sel $0xFFFF  }
0xbf: {  	[dreg:$0x0] =	wrdreg $0xFFFFFFFF;
	(pc) =	sbr.abs _section_cstart, $3  }
0xc0: {  	[dreg:$0x1] =	wrdreg $0xFFFFFFFF  }
0xc1: {  	_ =	task.clear_ibuf [dreg:s7], $0x2FFFF;
	_ =	strace $0x9FFFFFFF  }
0xc2: {  	(tm) =	ssettm $0x7FFFFFFF  }
0xc3: {  	_ =	shalt  }
tec
execute0_lowered:
.L_overlay_start_1:
0x0: {  	(tag) =	ssettag $0x1  }
0x1: {  	v0 =	vimm.s32 $0x3380;
	vm0 =	vcmask $0x300;
	v1 =	vimm.s32 $0x9380  }
0x2: {  	vm1 =	vcmask $0x704;
	v0 =	vsel vm0, $0x0, v0;
	v1 =	vsel vm0, $0x6000, v1  }
0x3: {  	vm15 =	vcmask $0xB08;
	v0 =	vsel vm1, $0x80, v0;
	v1 =	vsel vm1, $0x6080, v1  }
0x4: {  	s5 =	rddreg [dreg:$0x0];
	vm4 =	vcmask $0xF0C;
	v0 =	vsel vm15, $0x100, v0;
	v1 =	vsel vm15, $0x6100, v1  }
0x5: {  	s6 =	rddreg [dreg:$0x1];
	vm5 =	vcmask $0x1310;
	v0 =	vsel vm4, $0x180, v0;
	v1 =	vsel vm4, $0x6180, v1  }
0x6: {  	s0 =	rddreg [dreg:$0x2];
	s3 =	srdreg.scid;
	vm6 =	vcmask $0x1714;
	v0 =	vsel vm5, $0x200, v0;
	v1 =	vsel vm5, $0x6200, v1  }
0x7: {  	s2 =	simm.s32 $0x0;
	s1 =	stileid.u32;
	vm7 =	vcmask $0x1B18;
	s11 =	simm.s32 $0x80;
	v0 =	vsel vm6, $0x280, v0;
	v1 =	vsel vm6, $0x6280, v1  }
0x8: {  	vm8 =	vcmask $0x1F1C;
	s12 =	simm.s32 $0x3000;
	s13 =	simm.s32 $0xC3800;
	s14 =	simm.s32 $0x100;
	v0 =	vsel vm7, $0x300, v0;
	v1 =	vsel vm7, $0x6300, v1  }
0x9: {  	vm9 =	vcmask $0x2320;
	s15 =	simm.s32 $0x1;
	s16 =	simm.s32 $0x3;
	s17 =	simm.s32 $0xC100;
	v0 =	vsel vm8, $0x380, v0;
	v1 =	vsel vm8, $0x6380, v1  }
0xa: {  	vm10 =	vcmask $0x2724;
	s18 =	simm.s32 $0x2;
	s19 =	simm.s32 $0x4;
	s20 =	simm.s32 $0x0;
	v0 =	vsel vm9, $0x3000, v0;
	v1 =	vsel vm9, $0x9000, v1  }
0xb: {  	vm11 =	vcmask $0x2B28;
	s3 =	sand.u32 $0x1, s3;
	[smem:$0x7FF] =	sst s2;
	s4 =	sshll.u32 s1, $0x3;
	v0 =	vsel vm10, $0x3080, v0;
	v1 =	vsel vm10, $0x9080, v1  }
0xc: {  	vm12 =	vcmask $0x2F2C;
	s7 =	sshll.u32 s3, $0x2;
	_ =	strace $0x8000004A;
	s8 =	ssub.s32 $0x2, s3;
	v0 =	vsel vm11, $0x3100, v0;
	v1 =	vsel vm11, $0x9100, v1  }
0xd: {  	vm13 =	vcmask $0x3330;
	s3 =	sadd.s32 $0xC00, s5;
	s7 =	sor.u32 s7, s4;
	s9 =	sshrl.u32 s8, $0x1;
	v0 =	vsel vm12, $0x3180, v0;
	v1 =	vsel vm12, $0x9180, v1  }
0xe: {  	vm14 =	vcmask $0x3734;
	s4 =	smul.u32 $0xC3800, s7;
	s10 =	sadd.s32 s7, s5;
	s5 =	sadd.s32 $0xC38E00, s5;
	v0 =	vsel vm13, $0x3200, v0;
	v1 =	vsel vm13, $0x9200, v1  }
0xf: {  	vm15 =	vcmask $0x3B38;
	s9 =	ssub.s32 s8, s9;
	s6 =	sadd.s32 s6, s7;
	s7 =	sadd.s32 $0xC38C00, s10;
	v0 =	vsel vm14, $0x3280, v0;
	v1 =	vsel vm14, $0x9280, v1  }
0x10: {  	s9 =	smax.u32 s9, $0x1;
	s10 =	simm.s32 $0x5;
	s8 =	sshrl.u32 s4, $0x3;
	v0 =	vsel vm15, $0x3300, v0;
	v1 =	vsel vm15, $0x9300, v1  }
.LBB2_1:
0x11: {  	[tilespmem:s2], [sflag:$0x5] =	stream.linear.gather [hbm4b:s6+s2], $0x20, $0x38;
	[tilespmem:$0x18100] =	vst v63  }
0x12: {  	_ =	swait.ge [sflag:s10], $0x20  }
0x13: {  	[sflag:s10] =	ssyncset.done $0x0  }
0x14: {  	[sflag:s10] =	ssyncadd.s32 $0xFFFFFFE0  }
0x15: {  	[tilespmem:s11], [sflag:$0x5] =	stream.linear.gather [hbm4b:s7+s2], $0x20, $0x38;
	[tilespmem:$0x18100] =	vst v63  }
0x16: {  	_ =	swait.ge [sflag:s10], $0x20  }
0x17: {  	[sflag:s10] =	ssyncset.done $0x0  }
0x18: {  	s21 =	simm.s32 $0x0;
	[sflag:s10] =	ssyncadd.s32 $0xFFFFFFE0  }
.LBB2_2:
0x19: {  	s22 =	smul.u32 $0x6000, s21;
	_ =	sdelay $0x1  }
0x1a: {  	s22 =	sadd.s32 s4, s22  }
0x1b: {  	s23 =	sshrl.u32 s22, $0x3  }
0x1c: {  	s22 =	sadd.s32 s3, s23  }
0x1d: {  	[tilespmem:s14], [sflag:$0x1] =	stream.strided.gather [hbm4b:s22+s12], $0xC000, s13, s12, $0x38;
	[tilespmem:$0x18100] =	vst v63  }
0x1e: {  	s24 =	simm.s32 $0x0;
	_ =	swait.ge [sflag:s15], $0xC000  }
0x1f: {  	s30 =	sand.u32 $0x70, s24;
	s25 =	sand.u32 $0x3C00, s24;
	[sflag:s15] =	ssyncset.done $0x0  }
0x20: {  	s22 =	sor.u32 s30, s25;
	[sflag:s15] =	ssyncadd.s32 $0xFFFF4000  }
0x21: {  	v2 =	vld [tilespmem:s22+$0x400]  }
0x22: {  	v3 =	vld [tilespmem:s22+$0x280]  }
0x23: {  	v6 =	vld [tilespmem:s22+$0x380]  }
0x24: {  	v4 =	vld [tilespmem:s22+$0x200]  }
0x25: {  	v5 =	vld [tilespmem:s22+$0x180]  }
0x26: {  	v7 =	vld [tilespmem:s22+$0x100];
	v2 =	vmul.f32 $6.400000000e+01, v2  }
0x27: {  	v8 =	vld [tilespmem:s22+$0x300];
	v3 =	vmul.f32 $6.400000000e+01, v3  }
0x28: {  	v63 =	vmul.f32 $6.400000000e+01, v6;
	[tilespmem:s22+$0x400] =	vst v2  }
0x29: {  	v2 =	vmul.f32 $6.400000000e+01, v4;
	[tilespmem:s22+$0x280] =	vst v3  }
0x2a: {  	v3 =	vmul.f32 $6.400000000e+01, v5;
	[tilespmem:s22+$0x380] =	vst v63  }
0x2b: {  	s31 =	sand.u32 $0x7, s24;
	[tilespmem:s22+$0x200] =	vst v2;
	v2 =	vmul.f32 $6.400000000e+01, v7  }
0x2c: {  	s25 =	sshll.u32 s31, $0x4;
	[tilespmem:s22+$0x180] =	vst v3;
	v3 =	vmul.f32 $6.400000000e+01, v8  }
0x2d: {  	s25 =	sadd.s32 $0x0, s25;
	[tilespmem:s22+$0x100] =	vst v2  }
0x2e: {  	s26 =	sor.u32 $0x380, s25;
	[tilespmem:s22+$0x300] =	vst v3  }
0x2f: {  	v2 =	vld [tilespmem:s26+$0x100];
	_ =	sdelay $0x4  }
0x30: {  	v2 =	vmul.f32 $6.400000000e+01, v2;
	_ =	sdelay $0x1  }
0x31: {  	s25 =	simm.s32 $0x10;
	[tilespmem:s26+$0x100] =	vst v2;
	s26 =	simm.s32 $0x0  }
.LBB2_3:
0x32: {  	p0 =	sne.s32 s25, $0x5F0;
	v2 =	vld [tilespmem:s22+$0x9100];
	s24 =	sadd.s32 $0x80, s24;
	s26 =	sadd.s32 $0x1, s26  }
0x33: {  	s28 =	smov.u32 s25;
	s25 =	sadd.s32 $0x10, s25;
	v3 =	vld [tilespmem:s22+$0x9480]  }
0x34: {  	v4 =	vld [tilespmem:s22+$0x9400]  }
0x35: {  	v5 =	vld [tilespmem:s22+$0x9380]  }
0x36: {  	v6 =	vld [tilespmem:s22+$0x9300]  }
0x37: {  	v2 =	vmul.f32 $6.400000000e+01, v2;
	v7 =	vld [tilespmem:s22+$0x9280]  }
0x38: {  	v8 =	vld [tilespmem:s22+$0x9200];
	v3 =	vmul.f32 $6.400000000e+01, v3  }
0x39: {  	[tilespmem:s22+$0x9100] =	vst v2;
	v2 =	vld [tilespmem:s22+$0x9180];
	v4 =	vmul.f32 $6.400000000e+01, v4  }
0x3a: {  	v9 =	vld [tilespmem:s22+$0x6480];
	v5 =	vmul.f32 $6.400000000e+01, v5;
	[tilespmem:s22+$0x9480] =	vst v3  }
0x3b: {  	v3 =	vld [tilespmem:s22+$0x6400];
	v6 =	vmul.f32 $6.400000000e+01, v6;
	[tilespmem:s22+$0x9400] =	vst v4  }
0x3c: {  	v4 =	vld [tilespmem:s22+$0x6380];
	v7 =	vmul.f32 $6.400000000e+01, v7;
	[tilespmem:s22+$0x9380] =	vst v5  }
0x3d: {  	v5 =	vld [tilespmem:s22+$0x6300];
	v8 =	vmul.f32 $6.400000000e+01, v8;
	[tilespmem:s22+$0x9300] =	vst v6  }
0x3e: {  	v6 =	vld [tilespmem:s22+$0x6280];
	v2 =	vmul.f32 $6.400000000e+01, v2;
	[tilespmem:s22+$0x9280] =	vst v7  }
0x3f: {  	v7 =	vld [tilespmem:s22+$0x6200];
	v9 =	vmul.f32 $6.400000000e+01, v9;
	[tilespmem:s22+$0x9200] =	vst v8  }
0x40: {  	v8 =	vld [tilespmem:s22+$0x6180];
	v3 =	vmul.f32 $6.400000000e+01, v3;
	[tilespmem:s22+$0x9180] =	vst v2  }
0x41: {  	v2 =	vld [tilespmem:s22+$0x6100];
	v4 =	vmul.f32 $6.400000000e+01, v4;
	[tilespmem:s22+$0x6480] =	vst v9  }
0x42: {  	v9 =	vld [tilespmem:s22+$0x3480];
	v5 =	vmul.f32 $6.400000000e+01, v5;
	[tilespmem:s22+$0x6400] =	vst v3  }
0x43: {  	v3 =	vld [tilespmem:s22+$0x3400];
	v6 =	vmul.f32 $6.400000000e+01, v6;
	[tilespmem:s22+$0x6380] =	vst v4  }
0x44: {  	v4 =	vld [tilespmem:s22+$0x3380];
	v7 =	vmul.f32 $6.400000000e+01, v7;
	[tilespmem:s22+$0x6300] =	vst v5  }
0x45: {  	v5 =	vld [tilespmem:s22+$0x3300];
	v8 =	vmul.f32 $6.400000000e+01, v8;
	[tilespmem:s22+$0x6280] =	vst v6  }
0x46: {  	v6 =	vld [tilespmem:s22+$0x3280];
	v2 =	vmul.f32 $6.400000000e+01, v2;
	[tilespmem:s22+$0x6200] =	vst v7  }
0x47: {  	v7 =	vld [tilespmem:s22+$0x3200];
	v9 =	vmul.f32 $6.400000000e+01, v9;
	[tilespmem:s22+$0x6180] =	vst v8  }
0x48: {  	s28 =	sand.u32 $0x70, s28;
	s29 =	sand.u32 $0x3C00, s24;
	v8 =	vld [tilespmem:s22+$0x3180];
	v3 =	vmul.f32 $6.400000000e+01, v3;
	[tilespmem:s22+$0x6100] =	vst v2  }
0x49: {  	s28 =	sor.u32 s28, s29;
	v2 =	vld [tilespmem:s22+$0x3100];
	v4 =	vmul.f32 $6.400000000e+01, v4;
	[tilespmem:s22+$0x3480] =	vst v9  }
0x4a: {  	v9 =	vld [tilespmem:s28+$0x400];
	v5 =	vmul.f32 $6.400000000e+01, v5;
	[tilespmem:s22+$0x3400] =	vst v3  }
0x4b: {  	v3 =	vld [tilespmem:s28+$0x280];
	v6 =	vmul.f32 $6.400000000e+01, v6;
	[tilespmem:s22+$0x3380] =	vst v4  }
0x4c: {  	v4 =	vld [tilespmem:s28+$0x380];
	v7 =	vmul.f32 $6.400000000e+01, v7;
	[tilespmem:s22+$0x3300] =	vst v5  }
0x4d: {  	v5 =	vld [tilespmem:s28+$0x200];
	v8 =	vmul.f32 $6.400000000e+01, v8;
	[tilespmem:s22+$0x3280] =	vst v6  }
0x4e: {  	v6 =	vld [tilespmem:s28+$0x180];
	v2 =	vmul.f32 $6.400000000e+01, v2;
	[tilespmem:s22+$0x3200] =	vst v7  }
0x4f: {  	v7 =	vld [tilespmem:s28+$0x300];
	v9 =	vmul.f32 $6.400000000e+01, v9;
	[tilespmem:s22+$0x3180] =	vst v8  }
0x50: {  	v8 =	vld [tilespmem:s28+$0x100];
	v3 =	vmul.f32 $6.400000000e+01, v3;
	[tilespmem:s22+$0x3100] =	vst v2;
	s22 =	smov.u32 s28  }
0x51: {  	v2 =	vmul.f32 $6.400000000e+01, v4;
	[tilespmem:s22+$0x400] =	vst v9  }
0x52: {  	v4 =	vmul.f32 $6.400000000e+01, v5;
	[tilespmem:s22+$0x280] =	vst v3  }
0x53: {  	v3 =	vmul.f32 $6.400000000e+01, v6  }
0x54: {  	[tilespmem:s22+$0x200] =	vst v4;
	v4 =	vmul.f32 $6.400000000e+01, v7  }
0x55: {  	s28 =	sand.u32 $0x7, s26;
	v5 =	vmul.f32 $6.400000000e+01, v8;
	[tilespmem:s22+$0x180] =	vst v3  }
0x56: {  	s28 =	sshll.u32 s28, $0x4;
	[tilespmem:s22+$0x380] =	vst v2  }
0x57: {  	s28 =	sadd.s32 s28, s24;
	[tilespmem:s22+$0x100] =	vst v5  }
0x58: {  	s28 =	sor.u32 $0x380, s28;
	[tilespmem:s22+$0x300] =	vst v4  }
0x59: {  	v2 =	vld [tilespmem:s28+$0x100];
	_ =	sdelay $0x2  }
.Ltmp0:
0x5a: {  	(pc) =	sbr.rel @p0 .LBB2_3-.Ltmp0, $3  }
0x5b: {  	_ = 	snop  }
0x5c: {  	v2 =	vmul.f32 $6.400000000e+01, v2;
	_ =	sdelay $0x1  }
0x5d: {  	[tilespmem:s28+$0x100] =	vst v2  }
0x5e: {  	v2 =	vld [tilespmem:s22+$0x9100]  }
0x5f: {  	v3 =	vld [tilespmem:s22+$0x9480]  }
0x60: {  	v4 =	vld [tilespmem:s22+$0x9400]  }
0x61: {  	v5 =	vld [tilespmem:s22+$0x9380]  }
0x62: {  	v6 =	vld [tilespmem:s22+$0x9300]  }
0x63: {  	v7 =	vld [tilespmem:s22+$0x9280]  }
0x64: {  	v2 =	vmul.f32 $6.400000000e+01, v2  }
0x65: {  	v8 =	vld [tilespmem:s22+$0x9200];
	v4 =	vmul.f32 $6.400000000e+01, v4  }
0x66: {  	v9 =	vld [tilespmem:s22+$0x6480];
	v5 =	vmul.f32 $6.400000000e+01, v5;
	[tilespmem:s22+$0x9100] =	vst v2  }
0x67: {  	v52 =	vld [tilespmem:s22+$0x3200];
	v6 =	vmul.f32 $6.400000000e+01, v6;
	[tilespmem:s22+$0x9400] =	vst v4  }
0x68: {  	v7 =	vmul.f32 $6.400000000e+01, v7;
	v2 =	vmul.f32 $6.400000000e+01, v3;
	v3 =	vld [tilespmem:s22+$0x9180];
	[tilespmem:s22+$0x9380] =	vst v5  }
0x69: {  	v53 =	vld [tilespmem:s22+$0x3180];
	[tilespmem:s22+$0x9300] =	vst v6  }
0x6a: {  	v43 =	vld [tilespmem:s22+$0x6380];
	v8 =	vmul.f32 $6.400000000e+01, v8;
	[tilespmem:s22+$0x9280] =	vst v7  }
0x6b: {  	v9 =	vmul.f32 $6.400000000e+01, v9;
	[tilespmem:s22+$0x9480] =	vst v2;
	v2 =	vld [tilespmem:s22+$0x6400]  }
0x6c: {  	v44 =	vld [tilespmem:s22+$0x6300];
	v54 =	vmul.f32 $6.400000000e+01, v52;
	[tilespmem:s22+$0x9200] =	vst v8  }
0x6d: {  	v45 =	vld [tilespmem:s22+$0x6280];
	[tilespmem:s22+$0x6480] =	vst v9;
	v3 =	vmul.f32 $6.400000000e+01, v3  }
0x6e: {  	v46 =	vld [tilespmem:s22+$0x6200];
	v55 =	vmul.f32 $6.400000000e+01, v53;
	[tilespmem:s22+$0x3200] =	vst v54  }
0x6f: {  	v4 =	vmul.f32 $6.400000000e+01, v43;
	[tilespmem:s22+$0x9180] =	vst v3;
	v3 =	vld [tilespmem:s22+$0x6100]  }
0x70: {  	v47 =	vld [tilespmem:s22+$0x6180];
	[tilespmem:s22+$0x3180] =	vst v55;
	v2 =	vmul.f32 $6.400000000e+01, v2  }
0x71: {  	v48 =	vld [tilespmem:s22+$0x3480];
	v5 =	vmul.f32 $6.400000000e+01, v44;
	[tilespmem:s22+$0x6380] =	vst v4  }
0x72: {  	v6 =	vmul.f32 $6.400000000e+01, v45;
	[tilespmem:s22+$0x6400] =	vst v2;
	v2 =	vld [tilespmem:s22+$0x3400]  }
0x73: {  	v49 =	vld [tilespmem:s22+$0x3380];
	v7 =	vmul.f32 $6.400000000e+01, v46;
	[tilespmem:s22+$0x6300] =	vst v5  }
0x74: {  	v51 =	vld [tilespmem:s22+$0x3280];
	[tilespmem:s22+$0x6280] =	vst v6;
	v3 =	vmul.f32 $6.400000000e+01, v3  }
0x75: {  	v50 =	vld [tilespmem:s22+$0x3300];
	v8 =	vmul.f32 $6.400000000e+01, v47;
	[tilespmem:s22+$0x6200] =	vst v7  }
0x76: {  	v9 =	vmul.f32 $6.400000000e+01, v48;
	[tilespmem:s22+$0x6100] =	vst v3;
	v3 =	vld [tilespmem:s22+$0x3100]  }
0x77: {  	[tilespmem:s22+$0x6180] =	vst v8;
	v2 =	vmul.f32 $6.400000000e+01, v2  }
0x78: {  	v4 =	vmul.f32 $6.400000000e+01, v49;
	[tilespmem:s22+$0x3480] =	vst v9  }
0x79: {  	[tilespmem:s22+$0x3400] =	vst v2;
	v2 =	vmul.f32 $6.400000000e+01, v51  }
0x7a: {  	v5 =	vmul.f32 $6.400000000e+01, v50;
	[tilespmem:s22+$0x3380] =	vst v4  }
0x7b: {  	[tilespmem:s22+$0x3280] =	vst v2;
	v2 =	vmul.f32 $6.400000000e+01, v3  }
0x7c: {  	[tilespmem:s22+$0x3300] =	vst v5  }
0x7d: {  	[tilespmem:s22+$0x3100] =	vst v2  }
0x7e: {  	v2 =	vld [tilespmem:$0x0];
	_ =	sdelay $0x1  }
0x7f: {  	s22 =	smul.u32 $0xC00, s21;
	_ =	sdelay $0x1  }
0x80: {  	v3 =	vmov s22  }
0x81: {  	v56 =	vsub.s32 v2, v3  }
0x82: {  	s26 =	sadd.s32 $0x600, s22;
	vm0 =	vge.s32 v2, s22;
	v4 =	vshll.u32 v56, $0x3  }
0x83: {  	vm1 =	vlt.s32 v2, s26;
	v2 =	vand.u32 $0x7F, v2;
	v4 =	vand.u32 $0xFFFFFC00, v4  }
0x84: {  	vm0 =	vmand vm0, vm1;
	v2 =	vor.u32 v2, v4  }
0x85: {  	v57 =	vld [tilespmem:$0x80];
	v2 =	vadd.s32 v0, v2;
	_ =	sdelay $0x4  }
0x86: {  	[tilespmem:v2+s14+$0x0] =	vst.idx.msk vm0, v57  }
0x87: {  	v2 =	vld [tilespmem:$0x10];
	_ =	sdelay $0x4  }
0x88: {  	v3 =	vsub.s32 v2, v3  }
0x89: {  	vm14 =	vge.s32 v2, s22;
	v3 =	vshll.u32 v3, $0x3  }
0x8a: {  	vm15 =	vlt.s32 v2, s26;
	v2 =	vand.u32 $0x7F, v2;
	v3 =	vand.u32 $0xFFFFFC00, v3  }
0x8b: {  	vm0 =	vmand vm14, vm15;
	v2 =	vor.u32 v2, v3  }
0x8c: {  	v3 =	vld [tilespmem:$0x90];
	v2 =	vadd.s32 v1, v2;
	_ =	sdelay $0x4  }
0x8d: {  	s23 =	sadd.s32 s5, s23;
	[tilespmem:v2+s14+$0x0] =	vst.idx.msk vm0, v3  }
0x8e: {  	[hbm4b:s23+s12] =	stream.strided.scatter [tilespmem:s14], [sflag:$0x3], $0xC000, s13, s12, $0x38;
	[tilespmem:$0x18100] =	vst v63  }
0x8f: {  	_ =	swait.ge [sflag:s16], $0xC000  }
0x90: {  	s23 =	sadd.s32 s8, s26;
	[sflag:s16] =	ssyncset.done $0x0  }
0x91: {  	s24 =	sadd.s32 s3, s23;
	[sflag:s16] =	ssyncadd.s32 $0xFFFF4000  }
0x92: {  	[tilespmem:s17], [sflag:$0x2] =	stream.strided.gather [hbm4b:s24+s12], $0xC000, s13, s12, $0x38;
	[tilespmem:$0x18100] =	vst v63  }
0x93: {  	s25 =	simm.s32 $0x0;
	_ =	swait.ge [sflag:s18], $0xC000  }
0x94: {  	s31 =	sand.u32 $0x70, s25;
	s28 =	sand.u32 $0x3C00, s25;
	[sflag:s18] =	ssyncset.done $0x0  }
0x95: {  	s24 =	sor.u32 s31, s28;
	[sflag:s18] =	ssyncadd.s32 $0xFFFF4000  }
0x96: {  	v2 =	vld [tilespmem:s24+$0xC400]  }
0x97: {  	v3 =	vld [tilespmem:s24+$0xC280]  }
0x98: {  	v60 =	vld [tilespmem:s24+$0xC380]  }
0x99: {  	v58 =	vld [tilespmem:s24+$0xC200]  }
0x9a: {  	v59 =	vld [tilespmem:s24+$0xC180]  }
0x9b: {  	v61 =	vld [tilespmem:s24+$0xC100];
	v2 =	vmul.f32 $6.400000000e+01, v2  }
0x9c: {  	v62 =	vld [tilespmem:s24+$0xC300];
	v3 =	vmul.f32 $6.400000000e+01, v3  }
0x9d: {  	v63 =	vmul.f32 $6.400000000e+01, v60;
	[tilespmem:s24+$0xC400] =	vst v2  }
0x9e: {  	v2 =	vmul.f32 $6.400000000e+01, v58;
	[tilespmem:s24+$0xC280] =	vst v3  }
0x9f: {  	v3 =	vmul.f32 $6.400000000e+01, v59;
	[tilespmem:s24+$0xC380] =	vst v63  }
0xa0: {  	s28 =	sand.u32 $0x7, s25;
	[tilespmem:s24+$0xC200] =	vst v2;
	v2 =	vmul.f32 $6.400000000e+01, v61  }
0xa1: {  	s28 =	sshll.u32 s28, $0x4;
	[tilespmem:s24+$0xC180] =	vst v3;
	v3 =	vmul.f32 $6.400000000e+01, v62  }
0xa2: {  	s28 =	sadd.s32 $0x0, s28;
	[tilespmem:s24+$0xC100] =	vst v2  }
0xa3: {  	s28 =	sor.u32 $0x380, s28;
	[tilespmem:s24+$0xC300] =	vst v3  }
0xa4: {  	v2 =	vld [tilespmem:s28+$0xC100];
	_ =	sdelay $0x4  }
0xa5: {  	v3 =	vmul.f32 $6.400000000e+01, v2;
	_ =	sdelay $0x1  }
0xa6: {  	v2 =	vmov s26;
	s26 =	simm.s32 $0x10;
	[tilespmem:s28+$0xC100] =	vst v3;
	s28 =	simm.s32 $0x0  }
.LBB2_5:
0xa7: {  	p0 =	sne.s32 s26, $0x5F0;
	v3 =	vld [tilespmem:s24+$0x15100];
	s25 =	sadd.s32 $0x80, s25;
	s28 =	sadd.s32 $0x1, s28  }
0xa8: {  	s29 =	smov.u32 s26;
	s26 =	sadd.s32 $0x10, s26;
	v4 =	vld [tilespmem:s24+$0x15480]  }
0xa9: {  	v5 =	vld [tilespmem:s24+$0x15400]  }
0xaa: {  	v6 =	vld [tilespmem:s24+$0x15380]  }
0xab: {  	v7 =	vld [tilespmem:s24+$0x15300]  }
0xac: {  	v3 =	vmul.f32 $6.400000000e+01, v3;
	v8 =	vld [tilespmem:s24+$0x15280]  }
0xad: {  	v9 =	vld [tilespmem:s24+$0x15200];
	v4 =	vmul.f32 $6.400000000e+01, v4  }
0xae: {  	[tilespmem:s24+$0x15100] =	vst v3;
	v3 =	vld [tilespmem:s24+$0x15180];
	v5 =	vmul.f32 $6.400000000e+01, v5  }
0xaf: {  	v10 =	vld [tilespmem:s24+$0x12480];
	v6 =	vmul.f32 $6.400000000e+01, v6;
	[tilespmem:s24+$0x15480] =	vst v4  }
0xb0: {  	v4 =	vld [tilespmem:s24+$0x12400];
	v7 =	vmul.f32 $6.400000000e+01, v7;
	[tilespmem:s24+$0x15400] =	vst v5  }
0xb1: {  	v5 =	vld [tilespmem:s24+$0x12380];
	v8 =	vmul.f32 $6.400000000e+01, v8;
	[tilespmem:s24+$0x15380] =	vst v6  }
0xb2: {  	v6 =	vld [tilespmem:s24+$0x12300];
	v9 =	vmul.f32 $6.400000000e+01, v9;
	[tilespmem:s24+$0x15300] =	vst v7  }
0xb3: {  	v7 =	vld [tilespmem:s24+$0x12280];
	v3 =	vmul.f32 $6.400000000e+01, v3;
	[tilespmem:s24+$0x15280] =	vst v8  }
0xb4: {  	v8 =	vld [tilespmem:s24+$0x12200];
	v10 =	vmul.f32 $6.400000000e+01, v10;
	[tilespmem:s24+$0x15200] =	vst v9  }
0xb5: {  	v9 =	vld [tilespmem:s24+$0x12180];
	v4 =	vmul.f32 $6.400000000e+01, v4;
	[tilespmem:s24+$0x15180] =	vst v3  }
0xb6: {  	v3 =	vld [tilespmem:s24+$0x12100];
	v5 =	vmul.f32 $6.400000000e+01, v5;
	[tilespmem:s24+$0x12480] =	vst v10  }
0xb7: {  	v10 =	vld [tilespmem:s24+$0xF480];
	v6 =	vmul.f32 $6.400000000e+01, v6;
	[tilespmem:s24+$0x12400] =	vst v4  }
0xb8: {  	v4 =	vld [tilespmem:s24+$0xF400];
	v7 =	vmul.f32 $6.400000000e+01, v7;
	[tilespmem:s24+$0x12380] =	vst v5  }
0xb9: {  	v5 =	vld [tilespmem:s24+$0xF380];
	v8 =	vmul.f32 $6.400000000e+01, v8;
	[tilespmem:s24+$0x12300] =	vst v6  }
0xba: {  	v6 =	vld [tilespmem:s24+$0xF300];
	v9 =	vmul.f32 $6.400000000e+01, v9;
	[tilespmem:s24+$0x12280] =	vst v7  }
0xbb: {  	v7 =	vld [tilespmem:s24+$0xF280];
	v3 =	vmul.f32 $6.400000000e+01, v3;
	[tilespmem:s24+$0x12200] =	vst v8  }
0xbc: {  	v8 =	vld [tilespmem:s24+$0xF200];
	v10 =	vmul.f32 $6.400000000e+01, v10;
	[tilespmem:s24+$0x12180] =	vst v9  }
0xbd: {  	s29 =	sand.u32 $0x70, s29;
	s30 =	sand.u32 $0x3C00, s25;
	v9 =	vld [tilespmem:s24+$0xF180];
	v4 =	vmul.f32 $6.400000000e+01, v4;
	[tilespmem:s24+$0x12100] =	vst v3  }
0xbe: {  	s29 =	sor.u32 s29, s30;
	v3 =	vld [tilespmem:s24+$0xF100];
	v5 =	vmul.f32 $6.400000000e+01, v5;
	[tilespmem:s24+$0xF480] =	vst v10  }
0xbf: {  	v10 =	vld [tilespmem:s29+$0xC400];
	v6 =	vmul.f32 $6.400000000e+01, v6;
	[tilespmem:s24+$0xF400] =	vst v4  }
0xc0: {  	v4 =	vld [tilespmem:s29+$0xC280];
	v7 =	vmul.f32 $6.400000000e+01, v7;
	[tilespmem:s24+$0xF380] =	vst v5  }
0xc1: {  	v5 =	vld [tilespmem:s29+$0xC380];
	v8 =	vmul.f32 $6.400000000e+01, v8;
	[tilespmem:s24+$0xF300] =	vst v6  }
0xc2: {  	v6 =	vld [tilespmem:s29+$0xC200];
	v9 =	vmul.f32 $6.400000000e+01, v9;
	[tilespmem:s24+$0xF280] =	vst v7  }
0xc3: {  	v7 =	vld [tilespmem:s29+$0xC180];
	v3 =	vmul.f32 $6.400000000e+01, v3;
	[tilespmem:s24+$0xF200] =	vst v8  }
0xc4: {  	v8 =	vld [tilespmem:s29+$0xC300];
	v10 =	vmul.f32 $6.400000000e+01, v10;
	[tilespmem:s24+$0xF180] =	vst v9  }
0xc5: {  	v9 =	vld [tilespmem:s29+$0xC100];
	v4 =	vmul.f32 $6.400000000e+01, v4;
	[tilespmem:s24+$0xF100] =	vst v3;
	s24 =	smov.u32 s29  }
0xc6: {  	v3 =	vmul.f32 $6.400000000e+01, v5;
	[tilespmem:s24+$0xC400] =	vst v10  }
0xc7: {  	v5 =	vmul.f32 $6.400000000e+01, v6;
	[tilespmem:s24+$0xC280] =	vst v4  }
0xc8: {  	v4 =	vmul.f32 $6.400000000e+01, v7  }
0xc9: {  	[tilespmem:s24+$0xC200] =	vst v5;
	v5 =	vmul.f32 $6.400000000e+01, v8  }
0xca: {  	s29 =	sand.u32 $0x7, s28;
	v6 =	vmul.f32 $6.400000000e+01, v9;
	[tilespmem:s24+$0xC180] =	vst v4  }
0xcb: {  	s29 =	sshll.u32 s29, $0x4;
	[tilespmem:s24+$0xC380] =	vst v3  }
0xcc: {  	s29 =	sadd.s32 s29, s25;
	[tilespmem:s24+$0xC100] =	vst v6  }
0xcd: {  	s29 =	sor.u32 $0x380, s29;
	[tilespmem:s24+$0xC300] =	vst v5  }
0xce: {  	v3 =	vld [tilespmem:s29+$0xC100];
	_ =	sdelay $0x2  }
.Ltmp1:
0xcf: {  	(pc) =	sbr.rel @p0 .LBB2_5-.Ltmp1, $3  }
0xd0: {  	_ = 	snop  }
0xd1: {  	v3 =	vmul.f32 $6.400000000e+01, v3;
	_ =	sdelay $0x1  }
0xd2: {  	[tilespmem:s29+$0xC100] =	vst v3  }
0xd3: {  	v3 =	vld [tilespmem:s24+$0x15100]  }
0xd4: {  	v5 =	vld [tilespmem:s24+$0x15400]  }
0xd5: {  	v6 =	vld [tilespmem:s24+$0x15380]  }
0xd6: {  	v7 =	vld [tilespmem:s24+$0x15300]  }
0xd7: {  	v8 =	vld [tilespmem:s24+$0x15280]  }
0xd8: {  	v4 =	vld [tilespmem:s24+$0x15480];
	v3 =	vmul.f32 $6.400000000e+01, v3  }
0xd9: {  	v9 =	vld [tilespmem:s24+$0x15200];
	v5 =	vmul.f32 $6.400000000e+01, v5  }
0xda: {  	v10 =	vld [tilespmem:s24+$0x12480];
	v6 =	vmul.f32 $6.400000000e+01, v6;
	[tilespmem:s24+$0x15100] =	vst v3  }
0xdb: {  	v56 =	vld [tilespmem:s24+$0xF200];
	v7 =	vmul.f32 $6.400000000e+01, v7;
	[tilespmem:s24+$0x15400] =	vst v5  }
0xdc: {  	v57 =	vld [tilespmem:s24+$0xF180];
	v8 =	vmul.f32 $6.400000000e+01, v8;
	[tilespmem:s24+$0x15380] =	vst v6  }
0xdd: {  	v45 =	vld [tilespmem:s24+$0x15180];
	v3 =	vmul.f32 $6.400000000e+01, v4;
	[tilespmem:s24+$0x15300] =	vst v7  }
0xde: {  	v46 =	vld [tilespmem:s24+$0x12380];
	v9 =	vmul.f32 $6.400000000e+01, v9;
	[tilespmem:s24+$0x15280] =	vst v8  }
0xdf: {  	v10 =	vmul.f32 $6.400000000e+01, v10;
	[tilespmem:s24+$0x15480] =	vst v3;
	v3 =	vld [tilespmem:s24+$0x12400]  }
0xe0: {  	v47 =	vld [tilespmem:s24+$0x12300];
	v59 =	vmul.f32 $6.400000000e+01, v56;
	[tilespmem:s24+$0x15200] =	vst v9  }
0xe1: {  	v48 =	vld [tilespmem:s24+$0x12280];
	v60 =	vmul.f32 $6.400000000e+01, v57;
	[tilespmem:s24+$0x12480] =	vst v10  }
0xe2: {  	v49 =	vld [tilespmem:s24+$0x12200];
	v4 =	vmul.f32 $6.400000000e+01, v45;
	[tilespmem:s24+$0xF200] =	vst v59  }
0xe3: {  	v50 =	vld [tilespmem:s24+$0x12180];
	v5 =	vmul.f32 $6.400000000e+01, v46;
	[tilespmem:s24+$0xF180] =	vst v60  }
0xe4: {  	v52 =	vld [tilespmem:s24+$0xF480];
	[tilespmem:s24+$0x15180] =	vst v4;
	v3 =	vmul.f32 $6.400000000e+01, v3  }
0xe5: {  	v51 =	vld [tilespmem:s24+$0x12100];
	v6 =	vmul.f32 $6.400000000e+01, v47;
	[tilespmem:s24+$0x12380] =	vst v5  }
0xe6: {  	v7 =	vmul.f32 $6.400000000e+01, v48;
	[tilespmem:s24+$0x12400] =	vst v3;
	v3 =	vld [tilespmem:s24+$0xF400]  }
0xe7: {  	v53 =	vld [tilespmem:s24+$0xF380];
	v8 =	vmul.f32 $6.400000000e+01, v49;
	[tilespmem:s24+$0x12300] =	vst v6  }
0xe8: {  	v55 =	vld [tilespmem:s24+$0xF280];
	v9 =	vmul.f32 $6.400000000e+01, v50;
	[tilespmem:s24+$0x12280] =	vst v7  }
0xe9: {  	v54 =	vld [tilespmem:s24+$0xF300];
	v10 =	vmul.f32 $6.400000000e+01, v52;
	[tilespmem:s24+$0x12200] =	vst v8  }
0xea: {  	v58 =	vld [tilespmem:s24+$0xF100];
	v4 =	vmul.f32 $6.400000000e+01, v51;
	[tilespmem:s24+$0x12180] =	vst v9  }
0xeb: {  	[tilespmem:s24+$0xF480] =	vst v10;
	v3 =	vmul.f32 $6.400000000e+01, v3  }
0xec: {  	v5 =	vmul.f32 $6.400000000e+01, v53;
	[tilespmem:s24+$0x12100] =	vst v4  }
0xed: {  	[tilespmem:s24+$0xF400] =	vst v3;
	v3 =	vmul.f32 $6.400000000e+01, v55  }
0xee: {  	v6 =	vmul.f32 $6.400000000e+01, v54;
	[tilespmem:s24+$0xF380] =	vst v5  }
0xef: {  	[tilespmem:s24+$0xF280] =	vst v3;
	v3 =	vmul.f32 $6.400000000e+01, v58  }
0xf0: {  	[tilespmem:s24+$0xF300] =	vst v6  }
0xf1: {  	[tilespmem:s24+$0xF100] =	vst v3  }
0xf2: {  	v3 =	vld [tilespmem:$0x0];
	_ =	sdelay $0x4  }
0xf3: {  	v61 =	vsub.s32 v3, v2  }
0xf4: {  	s22 =	sadd.s32 $0xC00, s22;
	vm0 =	vge.s32 v3, v2;
	v4 =	vshll.u32 v61, $0x3  }
0xf5: {  	vm1 =	vlt.s32 v3, s22;
	v3 =	vand.u32 $0x7F, v3;
	v4 =	vand.u32 $0xFFFFFC00, v4  }
0xf6: {  	vm0 =	vmand vm0, vm1;
	v3 =	vor.u32 v3, v4  }
0xf7: {  	v62 =	vld [tilespmem:$0x80];
	v3 =	vadd.s32 v0, v3;
	_ =	sdelay $0x4  }
0xf8: {  	[tilespmem:v3+s17+$0x0] =	vst.idx.msk vm0, v62  }
0xf9: {  	v3 =	vld [tilespmem:$0x10];
	_ =	sdelay $0x4  }
0xfa: {  	v63 =	vsub.s32 v3, v2  }
0xfb: {  	vm14 =	vge.s32 v3, v2;
	v2 =	vshll.u32 v63, $0x3  }
0xfc: {  	vm15 =	vlt.s32 v3, s22;
	v3 =	vand.u32 $0x7F, v3;
	v2 =	vand.u32 $0xFFFFFC00, v2  }
0xfd: {  	vm0 =	vmand vm14, vm15;
	v2 =	vor.u32 v3, v2  }
0xfe: {  	v3 =	vld [tilespmem:$0x90];
	v2 =	vadd.s32 v1, v2;
	_ =	sdelay $0x2  }
0xff: {  	s21 =	sadd.s32 $0x1, s21  }
0x100: {  	p0 =	sne.s32 s21, $0x20  }
.Ltmp2:
0x101: {  	s31 =	sadd.s32 s5, s23;
	[tilespmem:v2+s17+$0x0] =	vst.idx.msk vm0, v3;
	(pc) =	sbr.rel @p0 .LBB2_2-.Ltmp2, $4  }
0x102: {  	[hbm4b:s31+s12] =	stream.strided.scatter [tilespmem:s17], [sflag:$0x4], $0xC000, s13, s12, $0x38;
	[tilespmem:$0x18100] =	vst v63  }
0x103: {  	_ =	swait.ge [sflag:s19], $0xC000  }
0x104: {  	[sflag:s19] =	ssyncset.done $0x0  }
0x105: {  	[sflag:s19] =	ssyncadd.s32 $0xFFFF4000  }
0x106: {  	s20 =	sadd.s32 $0x1, s20  }
0x107: {  	p0 =	sne.s32 s20, s9  }
.Ltmp3:
0x108: {  	_ = 	snop;
	(pc) =	sbr.rel @p0 .LBB2_1-.Ltmp3, $1  }
0x109: {  	_ =	sdelay $0x3  }
0x10a: {  	_ =	sfence.sel $0x180000  }
0x10b: {  	[bflag:$0x0] =	sbarrier.arrive $0xFFFF  }
0x10c: {  	p0 =	sne.s32 s1, $0x0;
	_ =	strace $0x9000004A  }
0x10d: {  	s0 =	sadd.s32 @!p0 $0x100000, s0;
	[bflag:$0x2] =	sbarrier.arrive $0xFFFF  }
0x10e: {  	[sflag:s0] =	ssyncadd.tile.s32 @!p0 $0x1;
	_ =	shalt  }
.Lfunc_end2:
_tile_overlayer_lowered:
.L_overlay_start_2:
0x10f: {  	(tag) =	ssettag $0x2  }
0x110: {  	s0 =	rddreg [dreg:$0x0];
	s2 =	stileid.u32  }
0x111: {  	s1 =	rddreg [dreg:$0x1];
	p0 =	sne.s32 s2, $0x0  }
0x112: {  	s3 =	rddreg [dreg:$0x2];
	[bflag:$0x3] =	sbarrier.arrive $0xFFFF;
	s2 =	simm.s32 @!p0 $0x1C05  }
0x113: {  	[timem:s3], [sflag:s2] =	dma.local @!p0 [hbm:s0], s1  }
0x114: {  	s0 =	simm.s32 @!p0 $0x5  }
0x115: {  	_ =	swait.ge @!p0 [sflag:s0], s1  }
0x116: {  	s1 =	ssub.s32 @!p0 $0x0, s1;
	[sflag:s0] =	ssyncset.done @!p0 $0x0  }
0x117: {  	[sflag:s0] =	ssyncadd.s32 @!p0 s1  }
0x118: {  	[bflag:$0x3] =	sbarrier.arrive $0xFFFF  }
0x119: {  	_ =	shalt  }

</sc_bundles>
